<compile_context>
chip_gen: v7x
topology: tpu7x:2x2x1
jax: 0.10.2.dev20260603
libtpu: 0.0.44.dev20260713+nightly
codegen_flags: <defaults>
</compile_context>

<pallas_src>
import functools

import jax
import jax.numpy as jnp
from jax import lax
from jax.experimental import pallas as pl
from jax.experimental.pallas import tpu as pltpu
from jax.experimental.pallas import tpu_sc as plsc

_T = 192
_K = 3
_NW = 32


def _sc_row_gather(table, idx):
    m = idx.shape[0]
    h = table.shape[1]
    per_w = m // _NW
    ch = 48
    nch = per_w // ch
    assert per_w % ch == 0
    mesh = plsc.VectorSubcoreMesh(core_axis_name="c", subcore_axis_name="s")

    @functools.partial(
        pl.kernel,
        out_type=jax.ShapeDtypeStruct((m, h), jnp.float32),
        mesh=mesh,
        scratch_types=[
            pltpu.VMEM((ch,), jnp.int32),
            pltpu.VMEM((ch,), jnp.int32),
            pltpu.VMEM((ch, h), jnp.float32),
            pltpu.VMEM((ch, h), jnp.float32),
            pltpu.SemaphoreType.DMA,
            pltpu.SemaphoreType.DMA,
        ],
    )
    def k(table_hbm, idx_hbm, out_hbm, idx0, idx1, rows0, rows1, sem0, sem1):
        wid = lax.axis_index("s") * 2 + lax.axis_index("c")
        base = wid * per_w
        idxv, rowsv, sems = [idx0, idx1], [rows0, rows1], [sem0, sem1]
        handles = [None, None]
        pltpu.sync_copy(idx_hbm.at[pl.ds(base, ch)], idx0)
        handles[0] = pltpu.async_copy(table_hbm.at[idx0], rows0, sem0)
        for c in range(nch):
            j, jn = c % 2, (c + 1) % 2
            if c + 1 < nch:
                off = base + (c + 1) * ch
                pltpu.sync_copy(idx_hbm.at[pl.ds(off, ch)], idxv[jn])
                handles[jn] = pltpu.async_copy(
                    table_hbm.at[idxv[jn]], rowsv[jn], sems[jn])
            handles[j].wait()
            pltpu.sync_copy(rowsv[j], out_hbm.at[pl.ds(base + c * ch, ch)])

    return k(table, idx)


def _router_kernel(x_ref, gwu_ref, gbu_ref, probs_ref, misc_ref,
                   cnt_ref, ww_ref):
    i = pl.program_id(0)

    @pl.when(i == 0)
    def _():
        cnt_ref[...] = jnp.zeros_like(cnt_ref)
        ww_ref[...] = jnp.zeros_like(ww_ref)

    x = x_ref[...]
    la = jnp.dot(x, gwu_ref[...], preferred_element_type=jnp.float32) \
        + gbu_ref[...]
    ii = lax.broadcasted_iota(jnp.int32, la.shape, 1)
    ml = jnp.where(ii < 12, la, -1e30)
    probs = jax.nn.softmax(ml, axis=-1)
    probs_ref[...] = probs
    urg = jax.nn.sigmoid(jnp.sum(jnp.where(ii == 12, la, 0.0), axis=1,
                                 keepdims=True))

    pr = probs
    ams, vs, hs = [], [], []
    for _ in range(_K):
        m = jnp.max(pr, axis=1, keepdims=True)
        am = jnp.min(jnp.where(pr == m, ii, 128), axis=1, keepdims=True)
        h = (ii == am).astype(jnp.float32)
        pr = jnp.where(ii == am, -1.0, pr)
        ams.append(am)
        vs.append(m)
        hs.append(h)
    e1 = jnp.exp(vs[1] - vs[0])
    e2 = jnp.exp(vs[2] - vs[0])
    den = 1.0 + e1 + e2
    ews = [1.0 / den, e1 / den, e2 / den]

    c = hs[0] + hs[1] + hs[2]
    ri = lax.broadcasted_iota(jnp.int32, (c.shape[0], c.shape[0]), 0)
    ci = lax.broadcasted_iota(jnp.int32, (c.shape[0], c.shape[0]), 1)
    ltri = (ri > ci).astype(jnp.float32)
    base = jnp.dot(ltri, c, preferred_element_type=jnp.float32)
    carry = cnt_ref[...]
    misc = urg * (ii == 0).astype(jnp.float32)
    for k in range(_K):
        rank = jnp.sum((base + carry) * hs[k], axis=1, keepdims=True)
        misc = misc + ews[k] * (ii == 1 + k).astype(jnp.float32)
        misc = misc + ams[k].astype(jnp.float32) * (ii == 4 + k).astype(jnp.float32)
        misc = misc + rank * (ii == 7 + k).astype(jnp.float32)
    misc_ref[...] = misc
    cnt_ref[...] += jnp.sum(c, axis=0, keepdims=True)
    ww_ref[...] += jnp.sum(ews[0] * hs[0] + ews[1] * hs[1] + ews[2] * hs[2],
                           axis=0, keepdims=True)


def _run_router(tok, gwu, gbu, n, h):
    ts = 512
    return pl.pallas_call(
        _router_kernel,
        grid=(n // ts,),
        in_specs=[
            pl.BlockSpec((ts, h), lambda i: (i, 0)),
            pl.BlockSpec((h, 128), lambda i: (0, 0)),
            pl.BlockSpec((1, 128), lambda i: (0, 0)),
        ],
        out_specs=[
            pl.BlockSpec((ts, 128), lambda i: (i, 0)),
            pl.BlockSpec((ts, 128), lambda i: (i, 0)),
            pl.BlockSpec((1, 128), lambda i: (0, 0)),
            pl.BlockSpec((1, 128), lambda i: (0, 0)),
        ],
        out_shape=[
            jax.ShapeDtypeStruct((n, 128), jnp.float32),
            jax.ShapeDtypeStruct((n, 128), jnp.float32),
            jax.ShapeDtypeStruct((1, 128), jnp.float32),
            jax.ShapeDtypeStruct((1, 128), jnp.float32),
        ],
        compiler_params=pltpu.CompilerParams(
            dimension_semantics=("arbitrary",)),
    )(tok, gwu, gbu)




def _sc_dispatch(tok, pos_km, pt):
    n, h = tok.shape
    tpw = n // _NW
    mesh = plsc.VectorSubcoreMesh(core_axis_name="c", subcore_axis_name="s")

    @functools.partial(
        pl.kernel,
        out_type=jax.ShapeDtypeStruct((pt, h), jnp.float32),
        mesh=mesh,
        scratch_types=[
            pltpu.VMEM((tpw,), jnp.int32),
            pltpu.VMEM((tpw,), jnp.int32),
            pltpu.VMEM((tpw,), jnp.int32),
            pltpu.VMEM((tpw, h), jnp.float32),
            pltpu.SemaphoreType.DMA,
            pltpu.SemaphoreType.DMA,
            pltpu.SemaphoreType.DMA,
        ],
    )
    def k(tok_hbm, idx_hbm, x_hbm, idx0, idx1, idx2, rows_v, sem0, sem1, sem2):
        wid = lax.axis_index("s") * 2 + lax.axis_index("c")
        pltpu.sync_copy(tok_hbm.at[pl.ds(wid * tpw, tpw)], rows_v)
        idxv, sems = [idx0, idx1, idx2], [sem0, sem1, sem2]
        handles = []
        for kk in range(_K):
            pltpu.sync_copy(idx_hbm.at[kk * _NW + wid], idxv[kk])
            handles.append(
                pltpu.async_copy(rows_v, x_hbm.at[idxv[kk]], sems[kk]))
        for hd in handles:
            hd.wait()

    return k(tok, pos_km)


def _combine_kernel(ep_ref, pooled_ref, stats_ref, cnt_ref, fw1_ref, fb1_ref,
                    fw2_ref, uw1_ref, ub1_ref, uw2_ref, mb_ref,
                    out_ref, sc_ref):
    i = pl.program_id(0)
    pooled = pooled_ref[...] * (1.0 / 2048.0)
    t1 = jnp.maximum(
        jnp.dot(pooled, fw1_ref[...], preferred_element_type=jnp.float32)
        + fb1_ref[...], 0.0)
    phis = jax.nn.sigmoid(jnp.sum(t1 * fw2_ref[...], axis=1, keepdims=True)
                          + mb_ref[0, 0])
    scale = 1.0 - 0.8 * (phis > 0.7).astype(jnp.float32)
    out_ref[...] = jnp.sum(ep_ref[...], axis=0) * scale[0, 0]

    @pl.when(i == 0)
    def _scalars():
        um = pooled * scale
        u1 = jnp.maximum(
            jnp.dot(um, uw1_ref[...], preferred_element_type=jnp.float32)
            + ub1_ref[...], 0.0)
        unc = jax.nn.sigmoid(jnp.sum(u1 * uw2_ref[...], axis=1, keepdims=True)
                             + mb_ref[0, 1])
        pairs = jnp.float32(2048 * _K)
        conf_mean = stats_ref[0, 0] / pairs
        phim = stats_ref[0, 1] / pairs
        n1, n7, n11 = cnt_ref[0, 1], cnt_ref[0, 7], cnt_ref[0, 11]
        tri = jnp.where(n1 > 0,
                        stats_ref[0, 2] / (jnp.maximum(n1, 1.0) * 4.0), 0.0)
        drug = jnp.where(n7 > 0, stats_ref[0, 3] / jnp.maximum(n7, 1.0), 0.0)
        risk = jnp.where(n11 > 0,
                         stats_ref[0, 4] / (jnp.maximum(n11, 1.0) * 10.0), 0.0)
        ii = lax.broadcasted_iota(jnp.int32, (1, 128), 1)
        sc_ref[...] = (conf_mean * (ii == 0) + tri * (ii == 1)
                       + drug * (ii == 2) + risk * (ii == 3)
                       + phim * (ii == 4) + phis * (ii == 5)
                       + unc * (ii == 6) + scale * (ii == 7)
                       ).astype(jnp.float32)


def _run_combine(eo_pairs, pooled_s, stats, cnt, p, n, h):
    ts = 256
    h2, h4 = h // 2, h // 4
    mb = jnp.concatenate([p["fb2"].reshape(1, 1), p["uncb2"].reshape(1, 1),
                          jnp.zeros((1, 126), jnp.float32)], axis=1)
    return pl.pallas_call(
        _combine_kernel,
        grid=(n // ts,),
        in_specs=[
            pl.BlockSpec((_K, ts, h), lambda i: (0, i, 0)),
            pl.BlockSpec((1, h), lambda i: (0, 0)),
            pl.BlockSpec((1, 128), lambda i: (0, 0)),
            pl.BlockSpec((1, 128), lambda i: (0, 0)),
            pl.BlockSpec((h, h2), lambda i: (0, 0)),
            pl.BlockSpec((1, h2), lambda i: (0, 0)),
            pl.BlockSpec((1, h2), lambda i: (0, 0)),
            pl.BlockSpec((h, h4), lambda i: (0, 0)),
            pl.BlockSpec((1, h4), lambda i: (0, 0)),
            pl.BlockSpec((1, h4), lambda i: (0, 0)),
            pl.BlockSpec((1, 128), lambda i: (0, 0)),
        ],
        out_specs=[
            pl.BlockSpec((ts, h), lambda i: (i, 0)),
            pl.BlockSpec((1, 128), lambda i: (0, 0)),
        ],
        out_shape=[
            jax.ShapeDtypeStruct((n, h), jnp.float32),
            jax.ShapeDtypeStruct((1, 128), jnp.float32),
        ],
    )(eo_pairs.reshape(_K, n, h), pooled_s, stats, cnt,
      p["fW1"], p["fb1"].reshape(1, h2), p["fW2"].reshape(1, h2),
      p["uncW1"], p["uncb1"].reshape(1, h4), p["uncW2"].reshape(1, h4), mb)


def _ffn_kernel(te_ref, x_ref, w1_ref, w2_ref, aux_ref, phiw1_ref,
                tw1_ref, tb1_ref, twr_ref, tbr_ref,
                dw1_ref, db1_ref, dw2_ref, db2_ref, dw3_ref,
                rw1_ref, rb1_ref, rw2_ref, rb2_ref,
                we_ref,
                eow_ref, stats_ref, pooled_ref):
    i = pl.program_id(0)
    e = te_ref[0, i]
    lim = te_ref[1, i]

    @pl.when(i == 0)
    def _():
        stats_ref[...] = jnp.zeros_like(stats_ref)
        pooled_ref[...] = jnp.zeros_like(pooled_ref)

    @pl.when(lim > 0)
    def _body():
        aux = aux_ref[0]
        vcol = (lax.broadcasted_iota(jnp.int32, (_T, 1), 0)
                < lim).astype(jnp.float32)
        v = vcol[:, 0]
        wvv = we_ref[e] * v
        x = jnp.where(vcol > 0.0, x_ref[...], 0.0)
        eo = aux[:, 2816:3840]
        for lo in range(0, 2816, 1408):
            h1c = jax.nn.gelu(
                jnp.dot(x, w1_ref[0, :, lo:lo + 1408],
                        preferred_element_type=jnp.float32)
                + aux[:, lo:lo + 1408])
            eo = eo + jnp.dot(h1c, w2_ref[0, lo:lo + 1408, :],
                              preferred_element_type=jnp.float32)
        eow = eo * wvv[:, None]
        eow_ref[...] = eow
        pooled_ref[...] += jnp.sum(eow, axis=0, keepdims=True)

        iota = lax.broadcasted_iota(jnp.int32, (1, 128), 1)
        conf = jax.nn.sigmoid(jnp.sum(eo * aux[:, 3840:4864], axis=1)
                              + aux_ref[0, 0, 5376])
        ph = jnp.maximum(
            jnp.dot(eo, phiw1_ref[0], preferred_element_type=jnp.float32)
            + aux[:, 4864:5120], 0.0)
        phi = jax.nn.sigmoid(jnp.sum(ph * aux[:, 5120:5376], axis=1)
                             + aux_ref[0, 0, 5377])
        stats_ref[...] += (jnp.where(iota == 0, jnp.sum(conf * v), 0.0)
                           + jnp.where(iota == 1, jnp.sum(phi * v), 0.0))

        @pl.when(e == 1)
        def _triage():
            t1 = jnp.maximum(
                jnp.dot(eo, tw1_ref[...], preferred_element_type=jnp.float32)
                + tb1_ref[...], 0.0)
            tl = (jnp.dot(t1, twr_ref[:, 0:128],
                          preferred_element_type=jnp.float32)
                  + tbr_ref[:, 0:128])
            t = jax.nn.softmax(tl, axis=-1)
            stats_ref[...] += jnp.where(iota == 2, jnp.sum(t * vcol), 0.0)

        @pl.when(e == 7)
        def _drug():
            d1 = jnp.maximum(
                jnp.dot(eo, dw1_ref[...], preferred_element_type=jnp.float32)
                + db1_ref[...], 0.0)
            d2 = jnp.maximum(
                jnp.dot(d1, dw2_ref[...], preferred_element_type=jnp.float32)
                + db2_ref[...], 0.0)
            d = jax.nn.sigmoid(jnp.sum(d2 * dw3_ref[...], axis=1)
                               + aux_ref[0, 0, 5378])
            stats_ref[...] += jnp.where(iota == 3, jnp.sum(d * v), 0.0)

        @pl.when(e == 11)
        def _risk():
            r1 = jnp.maximum(
                jnp.dot(eo, rw1_ref[...], preferred_element_type=jnp.float32)
                + rb1_ref[...], 0.0)
            r2 = jnp.maximum(
                jnp.dot(r1, rw2_ref[...], preferred_element_type=jnp.float32)
                + rb2_ref[...], 0.0)
            r = jax.nn.sigmoid(
                jnp.dot(r2, twr_ref[:, 128:256],
                        preferred_element_type=jnp.float32)
                + tbr_ref[:, 128:256])
            stats_ref[...] += jnp.where(iota == 4, jnp.sum(r * vcol), 0.0)


def _run_ffn(te2, X, we, p, NT, PT):
    E, H, I = p["W1"].shape
    H2, H4 = H // 2, H // 4
    f32 = jnp.float32

    neg = jnp.full((1, 124), -1e30, f32)
    twr = jnp.concatenate([p["tW2"], jnp.zeros((H2, 124), f32),
                           p["rW3"], jnp.zeros((H2, 118), f32)], axis=1)
    tbr = jnp.concatenate([p["tb2"].reshape(1, 4), neg,
                           p["rb3"].reshape(1, 10), neg[:, :118]], axis=1)
    aux = jnp.concatenate([
        p["b1"], p["b2"], p["confW"], p["phib1"], p["phiW2"],
        p["confb"][:, None], p["phib2"][:, None],
        jnp.broadcast_to(p["db3"], (E,))[:, None],
        jnp.zeros((E, 125), f32)], axis=1)[:, None, :]

    grid_spec = pltpu.PrefetchScalarGridSpec(
        num_scalar_prefetch=1,
        grid=(NT,),
        in_specs=[
            pl.BlockSpec((_T, H), lambda i, te: (i, 0)),
            pl.BlockSpec((1, H, I), lambda i, te: (te[0, i], 0, 0)),
            pl.BlockSpec((1, I, H), lambda i, te: (te[0, i], 0, 0)),
            pl.BlockSpec((1, 1, 5504), lambda i, te: (te[0, i], 0, 0)),
            pl.BlockSpec((1, H, H4), lambda i, te: (te[0, i], 0, 0)),
            pl.BlockSpec((H, H2), lambda i, te: (0, 0)),
            pl.BlockSpec((1, H2), lambda i, te: (0, 0)),
            pl.BlockSpec((H2, 256), lambda i, te: (0, 0)),
            pl.BlockSpec((1, 256), lambda i, te: (0, 0)),
            pl.BlockSpec((H, H2), lambda i, te: (0, 0)),
            pl.BlockSpec((1, H2), lambda i, te: (0, 0)),
            pl.BlockSpec((H2, H4), lambda i, te: (0, 0)),
            pl.BlockSpec((1, H4), lambda i, te: (0, 0)),
            pl.BlockSpec((1, H4), lambda i, te: (0, 0)),
            pl.BlockSpec((H, H), lambda i, te: (0, 0)),
            pl.BlockSpec((1, H), lambda i, te: (0, 0)),
            pl.BlockSpec((H, H2), lambda i, te: (0, 0)),
            pl.BlockSpec((1, H2), lambda i, te: (0, 0)),
            pl.BlockSpec(memory_space=pltpu.SMEM),
        ],
        out_specs=[
            pl.BlockSpec((_T, H), lambda i, te: (i, 0)),
            pl.BlockSpec((1, 128), lambda i, te: (0, 0)),
            pl.BlockSpec((1, H), lambda i, te: (0, 0)),
        ],
    )
    eow, stats, pooled = pl.pallas_call(
        _ffn_kernel,
        grid_spec=grid_spec,
        out_shape=[
            jax.ShapeDtypeStruct((PT, H), f32),
            jax.ShapeDtypeStruct((1, 128), f32),
            jax.ShapeDtypeStruct((1, H), f32),
        ],
        compiler_params=pltpu.CompilerParams(
            dimension_semantics=("arbitrary",),
            vmem_limit_bytes=100 * 1024 * 1024),
    )(te2, X, p["W1"], p["W2"], aux, p["phiW1"],
      p["tW1"], p["tb1"].reshape(1, H2), twr, tbr,
      p["dW1"], p["db1"].reshape(1, H2), p["dW2"], p["db2"].reshape(1, H4),
      p["dW3"].reshape(1, H4),
      p["rW1"], p["rb1"].reshape(1, H), p["rW2"], p["rb2"].reshape(1, H2),
      we)
    return eow, stats, pooled


def kernel(hidden_states, params):
    p = params
    b, s, h = hidden_states.shape
    n = b * s
    E = p["gW"].shape[1]
    f32 = jnp.float32
    tok = hidden_states.reshape(n, h)

    gwu = jnp.concatenate([p["gW"], p["uW"][:, None],
                           jnp.zeros((h, 115), f32)], axis=1)
    gbu = jnp.concatenate([p["gb"], p["ub"].reshape(1),
                           jnp.zeros((115,), f32)]).reshape(1, 128)
    probs128, misc, cnt128, ww128 = _run_router(tok, gwu, gbu, n, h)

    specialty_probs = probs128[:, :E].reshape(b, s, E)
    urgency = misc[:, 0].reshape(b, s)
    topi = misc[:, 4:4 + _K].astype(jnp.int32)
    rank_f = misc[:, 7:7 + _K]
    P = n * _K
    e_flat = topi.reshape(-1)
    cnt_f = cnt128[0, :E]
    counts = cnt_f.astype(jnp.int32)
    wsum = ww128[0, :E]
    w_e = jnp.where(counts > 0, wsum / jnp.maximum(cnt_f, 1.0), 0.0)

    offs = jnp.cumsum(counts) - counts
    pcounts = ((counts + _T - 1) // _T) * _T
    cum_p = jnp.cumsum(pcounts)
    poffs = cum_p - pcounts
    NT = P // _T + E
    PT = NT * _T
    tiles = jnp.arange(NT, dtype=jnp.int32)
    cum_pt = cum_p // _T
    tile_e = jnp.clip(jnp.sum((tiles[:, None] >= cum_pt[None, :]),
                              axis=1).astype(jnp.int32), 0, E - 1)
    lim = jnp.clip(counts[tile_e] - (tiles * _T - poffs[tile_e]), 0, _T)
    te2 = jnp.stack([tile_e, lim], axis=0)

    pos = poffs[e_flat] + rank_f.reshape(-1).astype(jnp.int32)
    pos_km = pos.reshape(n, _K).T

    X = _sc_dispatch(tok, pos_km.reshape(_K * _NW, n // _NW), PT)
    eow, stats, pooled_s = _run_ffn(te2, X, w_e, p, NT, PT)

    eo_pairs = _sc_row_gather(eow, pos_km.reshape(-1))
    out_rows, ep = _run_combine(eo_pairs, pooled_s, stats, cnt128, p, n, h)
    conf_mean = ep[0, 0]
    triage_mean = ep[0, 1]
    drug_mean = ep[0, 2]
    risk_mean = ep[0, 3]
    phi_prob_mean = ep[0, 4]
    phi_score = ep[0, 5:6]
    uncertainty = ep[0, 6:7]
    output = out_rows.reshape(b, s, h)

    return (output, specialty_probs, urgency, topi.reshape(b, s, _K),
            conf_mean, triage_mean, drug_mean, risk_mean, phi_prob_mean,
            phi_score, uncertainty)

# --- scband reference (transcript-rebuilt; emitter-appended) ---
"""Pipeline reference for scband-health-mo-elayer-12481174962385 (READ-ONLY COPY).

The authoritative reference and input builder live on the scoring server;
editing this copy changes nothing except your own understanding.
"""

import jax, jax.numpy as jnp
import numpy as np

B, S, H, I, E, K = 1, 2048, 1024, 2816, 12, 3
H2, H4 = H // 2, H // 4
N_RISK = 4


def setup_inputs(seed: int = 0) -> dict:
    key = jax.random.key(seed)
    keys = jax.random.split(key, 48)
    _c = [0]
    def nrm(shape, scale=0.02):
        k = keys[_c[0]]; _c[0] += 1
        return jax.random.normal(k, shape, jnp.float32) * scale
    z = jnp.zeros
    params = {
        # per-expert FFN (MedicalExpert): Linear(H,I) -> GELU -> Linear(I,H)
        "W1": nrm((E, H, I)), "b1": z((E, I), jnp.float32),
        "W2": nrm((E, I, H)), "b2": z((E, H), jnp.float32),
        # per-expert confidence head: Linear(H,1) + sigmoid (applied to expert output)
        "confW": nrm((E, H)), "confb": z((E,), jnp.float32),
        # per-expert PHI detector: Linear(H,H/4)->ReLU->Linear(H/4,1)->sigmoid
        "phiW1": nrm((E, H, H4)), "phib1": z((E, H4), jnp.float32),
        "phiW2": nrm((E, H4)), "phib2": z((E,), jnp.float32),
        # emergency (expert 1) triage scorer: H->H/2->4, softmax
        "tW1": nrm((H, H2)), "tb1": z((H2,), jnp.float32),
        "tW2": nrm((H2, N_RISK)), "tb2": z((N_RISK,), jnp.float32),
        # pharmacy (expert 7) drug interaction: H->H/2->H/4->1, sigmoid
        "dW1": nrm((H, H2)), "db1": z((H2,), jnp.float32),
        "dW2": nrm((H2, H4)), "db2": z((H4,), jnp.float32),
        "dW3": nrm((H4,)), "db3": z((), jnp.float32),
        # preventive_care (expert 11) risk predictor: H->H->H/2->10, sigmoid
        "rW1": nrm((H, H)), "rb1": z((H,), jnp.float32),
        "rW2": nrm((H, H2)), "rb2": z((H2,), jnp.float32),
        "rW3": nrm((H2, 10)), "rb3": z((10,), jnp.float32),
        # MedicalRouter: gate Linear(H,E); urgency Linear(H,1)+sigmoid
        "gW": nrm((H, E)), "gb": z((E,), jnp.float32),
        "uW": nrm((H,)), "ub": z((), jnp.float32),
        # phi_filter: H->H/2->1 sigmoid
        "fW1": nrm((H, H2)), "fb1": z((H2,), jnp.float32),
        "fW2": nrm((H2,)), "fb2": z((), jnp.float32),
        # uncertainty estimator: H->H/4->1 sigmoid
        "uncW1": nrm((H, H4)), "uncb1": z((H4,), jnp.float32),
        "uncW2": nrm((H4,)), "uncb2": z((), jnp.float32),
    }
    k = keys[_c[0]]; _c[0] += 1
    hidden_states = jax.random.normal(k, (B, S, H), jnp.float32)
    return {"hidden_states": hidden_states, "params": params}


def reference(hidden_states, params):
    p = params
    b, s, h = hidden_states.shape
    tok = hidden_states.reshape(b * s, h)
    # MedicalRouter
    expert_logits = hidden_states @ p["gW"] + p["gb"]
    specialty_probs = jax.nn.softmax(expert_logits, axis=-1)
    urgency_score = jax.nn.sigmoid(hidden_states @ p["uW"] + p["ub"])
    # routing
    expert_probs = jax.nn.softmax(expert_logits, axis=-1)
    topv, topi = jax.lax.top_k(expert_probs, K)
    expert_weights = jax.nn.softmax(topv, axis=-1)
    sel_f = topi.reshape(b * s, K)
    ew_f = expert_weights.reshape(b * s, K)
    out_f = jnp.zeros((b * s, h), jnp.float32)
    conf_sum = jnp.float32(0.0); conf_cnt = jnp.float32(0.0)
    phi_sum = jnp.float32(0.0); phi_cnt = jnp.float32(0.0)
    triage_mean = jnp.float32(0.0); drug_mean = jnp.float32(0.0); risk_mean = jnp.float32(0.0)
    for i in range(E):
        hit = (sel_f == i)
        mask = hit.any(axis=-1)
        m = mask.astype(jnp.float32)
        n_i = jnp.sum(m)
        cnt = jnp.sum(hit.astype(jnp.float32))
        # original code averages ALL selected gate weights for expert i into one scalar
        w_i = jnp.where(cnt > 0, jnp.sum(ew_f * hit.astype(jnp.float32)) / jnp.maximum(cnt, 1.0), 0.0)
        h1 = jax.nn.gelu(tok @ p["W1"][i] + p["b1"][i])
        eo = h1 @ p["W2"][i] + p["b2"][i]
        out_f = out_f + m[:, None] * w_i * eo
        conf = jax.nn.sigmoid(eo @ p["confW"][i] + p["confb"][i])
        phi = jax.nn.sigmoid(jax.nn.relu(eo @ p["phiW1"][i] + p["phib1"][i]) @ p["phiW2"][i] + p["phib2"][i])
        conf_sum = conf_sum + jnp.sum(conf * m); conf_cnt = conf_cnt + n_i
        phi_sum = phi_sum + jnp.sum(phi * m); phi_cnt = phi_cnt + n_i
        if i == 1:
            t = jax.nn.softmax(jax.nn.relu(eo @ p["tW1"] + p["tb1"]) @ p["tW2"] + p["tb2"], axis=-1)
            triage_mean = jnp.where(n_i > 0, jnp.sum(t * m[:, None]) / (jnp.maximum(n_i, 1.0) * t.shape[-1]), 0.0)
        if i == 7:
            d = jax.nn.sigmoid(jax.nn.relu(jax.nn.relu(eo @ p["dW1"] + p["db1"]) @ p["dW2"] + p["db2"]) @ p["dW3"] + p["db3"])
            drug_mean = jnp.where(n_i > 0, jnp.sum(d * m) / jnp.maximum(n_i, 1.0), 0.0)
        if i == 11:
            r = jax.nn.sigmoid(jax.nn.relu(jax.nn.relu(eo @ p["rW1"] + p["rb1"]) @ p["rW2"] + p["rb2"]) @ p["rW3"] + p["rb3"])
            risk_mean = jnp.where(n_i > 0, jnp.sum(r * m[:, None]) / (jnp.maximum(n_i, 1.0) * r.shape[-1]), 0.0)
    conf_mean = conf_sum / jnp.maximum(conf_cnt, 1.0)
    phi_prob_mean = phi_sum / jnp.maximum(phi_cnt, 1.0)
    output = out_f.reshape(b, s, h)
    pooled = output.mean(axis=1)
    phi_score = jax.nn.sigmoid(jax.nn.relu(pooled @ p["fW1"] + p["fb1"]) @ p["fW2"] + p["fb2"])
    phi_mask = (phi_score > 0.7).astype(jnp.float32)[:, None, None]
    output = output * (1.0 - phi_mask * 0.8)
    uncertainty = jax.nn.sigmoid(jax.nn.relu(output.mean(axis=1) @ p["uncW1"] + p["uncb1"]) @ p["uncW2"] + p["uncb2"])
    return (output, specialty_probs, urgency_score, topi, conf_mean, triage_mean, drug_mean, risk_mean, phi_prob_mean, phi_score, uncertainty)

if __name__ == "__main__":
    import jax
    _d = setup_inputs()
    print(jax.jit(kernel)(*tuple(_d.values())))

</pallas_src>

<mosaic_0001>
#map = affine_map<(d0, d1) -> (0, 0)>
#map1 = affine_map<(d0, d1) -> (0)>
module attributes {stable_mosaic.version = 14 : i64} {
  func.func @k(%arg0: i32, %arg1: i32, %arg2: memref<8448x1024xf32, #tpu.memory_space<hbm>>, %arg3: memref<6144xi32, #tpu.memory_space<hbm>>, %arg4: memref<6144x1024xf32, #tpu.memory_space<hbm>>, %arg5: memref<48xi32, #tpu.memory_space<vmem>>, %arg6: memref<48xi32, #tpu.memory_space<vmem>>, %arg7: memref<48x1024xf32, #tpu.memory_space<vmem>>, %arg8: memref<48x1024xf32, #tpu.memory_space<vmem>>, %arg9: memref<!tpu.dma_semaphore, #tpu.memory_space<semaphore_mem>>, %arg10: memref<!tpu.dma_semaphore, #tpu.memory_space<semaphore_mem>>) attributes {dimension_semantics = [#tpu.dimension_semantics<core_parallel>, #tpu.dimension_semantics<subcore_parallel>], iteration_bounds = array<i64: 2, 16>, scalar_prefetch = 0 : i64, scratch_operands = 6 : i64, tpu.core_type = #tpu.core_type<sc_vector_subcore>, window_params = [{transform_indices = #map}, {transform_indices = #map1}, {transform_indices = #map}]} {
    %mul3A = arith.constant 2 : i32
    %mul3A_0 = arith.muli %arg1, %mul3A : i32
    %add3A = arith.addi %mul3A_0, %arg0 : i32
    %mul3A_1 = arith.constant 192 : i32
    %mul3A_2 = arith.muli %add3A, %mul3A_1 : i32
    "tpu.region"() ({
      %run_scoped3A = tpu.sem_alloc : memref<!tpu.dma_semaphore, #tpu.memory_space<semaphore_mem>>
      %dma_start3A_39 = tpu.memref_slice %arg3[%mul3A_2] : memref<6144xi32, #tpu.memory_space<hbm>> -> memref<48xi32, #tpu.memory_space<hbm>>
      %dma_start3A_40 = tpu.memref_slice %arg3[%mul3A_2] : memref<6144xi32, #tpu.memory_space<hbm>> -> memref<48xi32, #tpu.memory_space<hbm>>
      tpu.enqueue_dma source(%dma_start3A_40 : memref<48xi32, #tpu.memory_space<hbm>>) target(%arg5 : memref<48xi32, #tpu.memory_space<vmem>>) target_semaphore(%run_scoped3A : memref<!tpu.dma_semaphore, #tpu.memory_space<semaphore_mem>>)
      %dma_wait3A_41 = tpu.memref_slice %arg3[%mul3A_2] : memref<6144xi32, #tpu.memory_space<hbm>> -> memref<48xi32, #tpu.memory_space<hbm>>
      %dma_wait3A_42 = tpu.memref_slice %arg3[%mul3A_2] : memref<6144xi32, #tpu.memory_space<hbm>> -> memref<48xi32, #tpu.memory_space<hbm>>
      tpu.wait_dma2 semaphore(%run_scoped3A : memref<!tpu.dma_semaphore, #tpu.memory_space<semaphore_mem>>) src(%dma_wait3A_42 : memref<48xi32, #tpu.memory_space<hbm>>) dst(%arg5 : memref<48xi32, #tpu.memory_space<vmem>>)
      tpu.yield
    }) : () -> ()
    %dma_start3A = arith.constant 0 : i32
    %dma_start3A_3 = arith.constant 0 : i32
    %dma_start3A_4 = tpu.memref_slice %arg2[%dma_start3A, %dma_start3A_3] : memref<8448x1024xf32, #tpu.memory_space<hbm>> -> memref<8448x1024xf32, #tpu.memory_space<hbm>>
    tpu.enqueue_indirect_dma source(%dma_start3A_4 : memref<8448x1024xf32, #tpu.memory_space<hbm>>) target(%arg7 : memref<48x1024xf32, #tpu.memory_space<vmem>>) offsets(%arg5 : memref<48xi32, #tpu.memory_space<vmem>>) semaphore(%arg9 : memref<!tpu.dma_semaphore, #tpu.memory_space<semaphore_mem>>)
    %add3A_5 = arith.constant 48 : i32
    %add3A_6 = arith.addi %mul3A_2, %add3A_5 : i32
    "tpu.region"() ({
      %run_scoped3A = tpu.sem_alloc : memref<!tpu.dma_semaphore, #tpu.memory_space<semaphore_mem>>
      %dma_start3A_39 = tpu.memref_slice %arg3[%add3A_6] : memref<6144xi32, #tpu.memory_space<hbm>> -> memref<48xi32, #tpu.memory_space<hbm>>
      %dma_start3A_40 = tpu.memref_slice %arg3[%add3A_6] : memref<6144xi32, #tpu.memory_space<hbm>> -> memref<48xi32, #tpu.memory_space<hbm>>
      tpu.enqueue_dma source(%dma_start3A_40 : memref<48xi32, #tpu.memory_space<hbm>>) target(%arg6 : memref<48xi32, #tpu.memory_space<vmem>>) target_semaphore(%run_scoped3A : memref<!tpu.dma_semaphore, #tpu.memory_space<semaphore_mem>>)
      %dma_wait3A_41 = tpu.memref_slice %arg3[%add3A_6] : memref<6144xi32, #tpu.memory_space<hbm>> -> memref<48xi32, #tpu.memory_space<hbm>>
      %dma_wait3A_42 = tpu.memref_slice %arg3[%add3A_6] : memref<6144xi32, #tpu.memory_space<hbm>> -> memref<48xi32, #tpu.memory_space<hbm>>
      tpu.wait_dma2 semaphore(%run_scoped3A : memref<!tpu.dma_semaphore, #tpu.memory_space<semaphore_mem>>) src(%dma_wait3A_42 : memref<48xi32, #tpu.memory_space<hbm>>) dst(%arg6 : memref<48xi32, #tpu.memory_space<vmem>>)
      tpu.yield
    }) : () -> ()
    %dma_start3A_7 = arith.constant 0 : i32
    %dma_start3A_8 = arith.constant 0 : i32
    %dma_start3A_9 = tpu.memref_slice %arg2[%dma_start3A_7, %dma_start3A_8] : memref<8448x1024xf32, #tpu.memory_space<hbm>> -> memref<8448x1024xf32, #tpu.memory_space<hbm>>
    tpu.enqueue_indirect_dma source(%dma_start3A_9 : memref<8448x1024xf32, #tpu.memory_space<hbm>>) target(%arg8 : memref<48x1024xf32, #tpu.memory_space<vmem>>) offsets(%arg6 : memref<48xi32, #tpu.memory_space<vmem>>) semaphore(%arg10 : memref<!tpu.dma_semaphore, #tpu.memory_space<semaphore_mem>>)
    %dma_wait3A = arith.constant 0 : i32
    %dma_wait3A_10 = arith.constant 0 : i32
    %dma_wait3A_11 = tpu.memref_slice %arg2[%dma_wait3A, %dma_wait3A_10] : memref<8448x1024xf32, #tpu.memory_space<hbm>> -> memref<8448x1024xf32, #tpu.memory_space<hbm>>
    tpu.wait_indirect_dma semaphore(%arg9 : memref<!tpu.dma_semaphore, #tpu.memory_space<semaphore_mem>>) src(%dma_wait3A_11 : memref<8448x1024xf32, #tpu.memory_space<hbm>>) dst(%arg7 : memref<48x1024xf32, #tpu.memory_space<vmem>>)
    %add3A_12 = arith.constant 0 : i32
    %add3A_13 = arith.addi %mul3A_2, %add3A_12 : i32
    "tpu.region"() ({
      %run_scoped3A = tpu.sem_alloc : memref<!tpu.dma_semaphore, #tpu.memory_space<semaphore_mem>>
      %dma_start3A_39 = arith.constant 0 : i32
      %dma_start3A_40 = tpu.memref_slice %arg4[%add3A_13, %dma_start3A_39] : memref<6144x1024xf32, #tpu.memory_space<hbm>> -> memref<48x1024xf32, #tpu.memory_space<hbm>>
      %dma_start3A_41 = arith.constant 0 : i32
      %dma_start3A_42 = tpu.memref_slice %arg4[%add3A_13, %dma_start3A_41] : memref<6144x1024xf32, #tpu.memory_space<hbm>> -> memref<48x1024xf32, #tpu.memory_space<hbm>>
      tpu.enqueue_dma source(%arg7 : memref<48x1024xf32, #tpu.memory_space<vmem>>) target(%dma_start3A_42 : memref<48x1024xf32, #tpu.memory_space<hbm>>) target_semaphore(%run_scoped3A : memref<!tpu.dma_semaphore, #tpu.memory_space<semaphore_mem>>)
      %dma_wait3A_43 = arith.constant 0 : i32
      %dma_wait3A_44 = tpu.memref_slice %arg4[%add3A_13, %dma_wait3A_43] : memref<6144x1024xf32, #tpu.memory_space<hbm>> -> memref<48x1024xf32, #tpu.memory_space<hbm>>
      %dma_wait3A_45 = arith.constant 0 : i32
      %dma_wait3A_46 = tpu.memref_slice %arg4[%add3A_13, %dma_wait3A_45] : memref<6144x1024xf32, #tpu.memory_space<hbm>> -> memref<48x1024xf32, #tpu.memory_space<hbm>>
      tpu.wait_dma2 semaphore(%run_scoped3A : memref<!tpu.dma_semaphore, #tpu.memory_space<semaphore_mem>>) src(%arg7 : memref<48x1024xf32, #tpu.memory_space<vmem>>) dst(%dma_wait3A_46 : memref<48x1024xf32, #tpu.memory_space<hbm>>)
      tpu.yield
    }) : () -> ()
    %add3A_14 = arith.constant 96 : i32
    %add3A_15 = arith.addi %mul3A_2, %add3A_14 : i32
    "tpu.region"() ({
      %run_scoped3A = tpu.sem_alloc : memref<!tpu.dma_semaphore, #tpu.memory_space<semaphore_mem>>
      %dma_start3A_39 = tpu.memref_slice %arg3[%add3A_15] : memref<6144xi32, #tpu.memory_space<hbm>> -> memref<48xi32, #tpu.memory_space<hbm>>
      %dma_start3A_40 = tpu.memref_slice %arg3[%add3A_15] : memref<6144xi32, #tpu.memory_space<hbm>> -> memref<48xi32, #tpu.memory_space<hbm>>
      tpu.enqueue_dma source(%dma_start3A_40 : memref<48xi32, #tpu.memory_space<hbm>>) target(%arg5 : memref<48xi32, #tpu.memory_space<vmem>>) target_semaphore(%run_scoped3A : memref<!tpu.dma_semaphore, #tpu.memory_space<semaphore_mem>>)
      %dma_wait3A_41 = tpu.memref_slice %arg3[%add3A_15] : memref<6144xi32, #tpu.memory_space<hbm>> -> memref<48xi32, #tpu.memory_space<hbm>>
      %dma_wait3A_42 = tpu.memref_slice %arg3[%add3A_15] : memref<6144xi32, #tpu.memory_space<hbm>> -> memref<48xi32, #tpu.memory_space<hbm>>
      tpu.wait_dma2 semaphore(%run_scoped3A : memref<!tpu.dma_semaphore, #tpu.memory_space<semaphore_mem>>) src(%dma_wait3A_42 : memref<48xi32, #tpu.memory_space<hbm>>) dst(%arg5 : memref<48xi32, #tpu.memory_space<vmem>>)
      tpu.yield
    }) : () -> ()
    %dma_start3A_16 = arith.constant 0 : i32
    %dma_start3A_17 = arith.constant 0 : i32
    %dma_start3A_18 = tpu.memref_slice %arg2[%dma_start3A_16, %dma_start3A_17] : memref<8448x1024xf32, #tpu.memory_space<hbm>> -> memref<8448x1024xf32, #tpu.memory_space<hbm>>
    tpu.enqueue_indirect_dma source(%dma_start3A_18 : memref<8448x1024xf32, #tpu.memory_space<hbm>>) target(%arg7 : memref<48x1024xf32, #tpu.memory_space<vmem>>) offsets(%arg5 : memref<48xi32, #tpu.memory_space<vmem>>) semaphore(%arg9 : memref<!tpu.dma_semaphore, #tpu.memory_space<semaphore_mem>>)
    %dma_wait3A_19 = arith.constant 0 : i32
    %dma_wait3A_20 = arith.constant 0 : i32
    %dma_wait3A_21 = tpu.memref_slice %arg2[%dma_wait3A_19, %dma_wait3A_20] : memref<8448x1024xf32, #tpu.memory_space<hbm>> -> memref<8448x1024xf32, #tpu.memory_space<hbm>>
    tpu.wait_indirect_dma semaphore(%arg10 : memref<!tpu.dma_semaphore, #tpu.memory_space<semaphore_mem>>) src(%dma_wait3A_21 : memref<8448x1024xf32, #tpu.memory_space<hbm>>) dst(%arg8 : memref<48x1024xf32, #tpu.memory_space<vmem>>)
    %add3A_22 = arith.constant 48 : i32
    %add3A_23 = arith.addi %mul3A_2, %add3A_22 : i32
    "tpu.region"() ({
      %run_scoped3A = tpu.sem_alloc : memref<!tpu.dma_semaphore, #tpu.memory_space<semaphore_mem>>
      %dma_start3A_39 = arith.constant 0 : i32
      %dma_start3A_40 = tpu.memref_slice %arg4[%add3A_23, %dma_start3A_39] : memref<6144x1024xf32, #tpu.memory_space<hbm>> -> memref<48x1024xf32, #tpu.memory_space<hbm>>
      %dma_start3A_41 = arith.constant 0 : i32
      %dma_start3A_42 = tpu.memref_slice %arg4[%add3A_23, %dma_start3A_41] : memref<6144x1024xf32, #tpu.memory_space<hbm>> -> memref<48x1024xf32, #tpu.memory_space<hbm>>
      tpu.enqueue_dma source(%arg8 : memref<48x1024xf32, #tpu.memory_space<vmem>>) target(%dma_start3A_42 : memref<48x1024xf32, #tpu.memory_space<hbm>>) target_semaphore(%run_scoped3A : memref<!tpu.dma_semaphore, #tpu.memory_space<semaphore_mem>>)
      %dma_wait3A_43 = arith.constant 0 : i32
      %dma_wait3A_44 = tpu.memref_slice %arg4[%add3A_23, %dma_wait3A_43] : memref<6144x1024xf32, #tpu.memory_space<hbm>> -> memref<48x1024xf32, #tpu.memory_space<hbm>>
      %dma_wait3A_45 = arith.constant 0 : i32
      %dma_wait3A_46 = tpu.memref_slice %arg4[%add3A_23, %dma_wait3A_45] : memref<6144x1024xf32, #tpu.memory_space<hbm>> -> memref<48x1024xf32, #tpu.memory_space<hbm>>
      tpu.wait_dma2 semaphore(%run_scoped3A : memref<!tpu.dma_semaphore, #tpu.memory_space<semaphore_mem>>) src(%arg8 : memref<48x1024xf32, #tpu.memory_space<vmem>>) dst(%dma_wait3A_46 : memref<48x1024xf32, #tpu.memory_space<hbm>>)
      tpu.yield
    }) : () -> ()
    %add3A_24 = arith.constant 144 : i32
    %add3A_25 = arith.addi %mul3A_2, %add3A_24 : i32
    "tpu.region"() ({
      %run_scoped3A = tpu.sem_alloc : memref<!tpu.dma_semaphore, #tpu.memory_space<semaphore_mem>>
      %dma_start3A_39 = tpu.memref_slice %arg3[%add3A_25] : memref<6144xi32, #tpu.memory_space<hbm>> -> memref<48xi32, #tpu.memory_space<hbm>>
      %dma_start3A_40 = tpu.memref_slice %arg3[%add3A_25] : memref<6144xi32, #tpu.memory_space<hbm>> -> memref<48xi32, #tpu.memory_space<hbm>>
      tpu.enqueue_dma source(%dma_start3A_40 : memref<48xi32, #tpu.memory_space<hbm>>) target(%arg6 : memref<48xi32, #tpu.memory_space<vmem>>) target_semaphore(%run_scoped3A : memref<!tpu.dma_semaphore, #tpu.memory_space<semaphore_mem>>)
      %dma_wait3A_41 = tpu.memref_slice %arg3[%add3A_25] : memref<6144xi32, #tpu.memory_space<hbm>> -> memref<48xi32, #tpu.memory_space<hbm>>
      %dma_wait3A_42 = tpu.memref_slice %arg3[%add3A_25] : memref<6144xi32, #tpu.memory_space<hbm>> -> memref<48xi32, #tpu.memory_space<hbm>>
      tpu.wait_dma2 semaphore(%run_scoped3A : memref<!tpu.dma_semaphore, #tpu.memory_space<semaphore_mem>>) src(%dma_wait3A_42 : memref<48xi32, #tpu.memory_space<hbm>>) dst(%arg6 : memref<48xi32, #tpu.memory_space<vmem>>)
      tpu.yield
    }) : () -> ()
    %dma_start3A_26 = arith.constant 0 : i32
    %dma_start3A_27 = arith.constant 0 : i32
    %dma_start3A_28 = tpu.memref_slice %arg2[%dma_start3A_26, %dma_start3A_27] : memref<8448x1024xf32, #tpu.memory_space<hbm>> -> memref<8448x1024xf32, #tpu.memory_space<hbm>>
    tpu.enqueue_indirect_dma source(%dma_start3A_28 : memref<8448x1024xf32, #tpu.memory_space<hbm>>) target(%arg8 : memref<48x1024xf32, #tpu.memory_space<vmem>>) offsets(%arg6 : memref<48xi32, #tpu.memory_space<vmem>>) semaphore(%arg10 : memref<!tpu.dma_semaphore, #tpu.memory_space<semaphore_mem>>)
    %dma_wait3A_29 = arith.constant 0 : i32
    %dma_wait3A_30 = arith.constant 0 : i32
    %dma_wait3A_31 = tpu.memref_slice %arg2[%dma_wait3A_29, %dma_wait3A_30] : memref<8448x1024xf32, #tpu.memory_space<hbm>> -> memref<8448x1024xf32, #tpu.memory_space<hbm>>
    tpu.wait_indirect_dma semaphore(%arg9 : memref<!tpu.dma_semaphore, #tpu.memory_space<semaphore_mem>>) src(%dma_wait3A_31 : memref<8448x1024xf32, #tpu.memory_space<hbm>>) dst(%arg7 : memref<48x1024xf32, #tpu.memory_space<vmem>>)
    %add3A_32 = arith.constant 96 : i32
    %add3A_33 = arith.addi %mul3A_2, %add3A_32 : i32
    "tpu.region"() ({
      %run_scoped3A = tpu.sem_alloc : memref<!tpu.dma_semaphore, #tpu.memory_space<semaphore_mem>>
      %dma_start3A_39 = arith.constant 0 : i32
      %dma_start3A_40 = tpu.memref_slice %arg4[%add3A_33, %dma_start3A_39] : memref<6144x1024xf32, #tpu.memory_space<hbm>> -> memref<48x1024xf32, #tpu.memory_space<hbm>>
      %dma_start3A_41 = arith.constant 0 : i32
      %dma_start3A_42 = tpu.memref_slice %arg4[%add3A_33, %dma_start3A_41] : memref<6144x1024xf32, #tpu.memory_space<hbm>> -> memref<48x1024xf32, #tpu.memory_space<hbm>>
      tpu.enqueue_dma source(%arg7 : memref<48x1024xf32, #tpu.memory_space<vmem>>) target(%dma_start3A_42 : memref<48x1024xf32, #tpu.memory_space<hbm>>) target_semaphore(%run_scoped3A : memref<!tpu.dma_semaphore, #tpu.memory_space<semaphore_mem>>)
      %dma_wait3A_43 = arith.constant 0 : i32
      %dma_wait3A_44 = tpu.memref_slice %arg4[%add3A_33, %dma_wait3A_43] : memref<6144x1024xf32, #tpu.memory_space<hbm>> -> memref<48x1024xf32, #tpu.memory_space<hbm>>
      %dma_wait3A_45 = arith.constant 0 : i32
      %dma_wait3A_46 = tpu.memref_slice %arg4[%add3A_33, %dma_wait3A_45] : memref<6144x1024xf32, #tpu.memory_space<hbm>> -> memref<48x1024xf32, #tpu.memory_space<hbm>>
      tpu.wait_dma2 semaphore(%run_scoped3A : memref<!tpu.dma_semaphore, #tpu.memory_space<semaphore_mem>>) src(%arg7 : memref<48x1024xf32, #tpu.memory_space<vmem>>) dst(%dma_wait3A_46 : memref<48x1024xf32, #tpu.memory_space<hbm>>)
      tpu.yield
    }) : () -> ()
    %dma_wait3A_34 = arith.constant 0 : i32
    %dma_wait3A_35 = arith.constant 0 : i32
    %dma_wait3A_36 = tpu.memref_slice %arg2[%dma_wait3A_34, %dma_wait3A_35] : memref<8448x1024xf32, #tpu.memory_space<hbm>> -> memref<8448x1024xf32, #tpu.memory_space<hbm>>
    tpu.wait_indirect_dma semaphore(%arg10 : memref<!tpu.dma_semaphore, #tpu.memory_space<semaphore_mem>>) src(%dma_wait3A_36 : memref<8448x1024xf32, #tpu.memory_space<hbm>>) dst(%arg8 : memref<48x1024xf32, #tpu.memory_space<vmem>>)
    %add3A_37 = arith.constant 144 : i32
    %add3A_38 = arith.addi %mul3A_2, %add3A_37 : i32
    "tpu.region"() ({
      %run_scoped3A = tpu.sem_alloc : memref<!tpu.dma_semaphore, #tpu.memory_space<semaphore_mem>>
      %dma_start3A_39 = arith.constant 0 : i32
      %dma_start3A_40 = tpu.memref_slice %arg4[%add3A_38, %dma_start3A_39] : memref<6144x1024xf32, #tpu.memory_space<hbm>> -> memref<48x1024xf32, #tpu.memory_space<hbm>>
      %dma_start3A_41 = arith.constant 0 : i32
      %dma_start3A_42 = tpu.memref_slice %arg4[%add3A_38, %dma_start3A_41] : memref<6144x1024xf32, #tpu.memory_space<hbm>> -> memref<48x1024xf32, #tpu.memory_space<hbm>>
      tpu.enqueue_dma source(%arg8 : memref<48x1024xf32, #tpu.memory_space<vmem>>) target(%dma_start3A_42 : memref<48x1024xf32, #tpu.memory_space<hbm>>) target_semaphore(%run_scoped3A : memref<!tpu.dma_semaphore, #tpu.memory_space<semaphore_mem>>)
      %dma_wait3A_43 = arith.constant 0 : i32
      %dma_wait3A_44 = tpu.memref_slice %arg4[%add3A_38, %dma_wait3A_43] : memref<6144x1024xf32, #tpu.memory_space<hbm>> -> memref<48x1024xf32, #tpu.memory_space<hbm>>
      %dma_wait3A_45 = arith.constant 0 : i32
      %dma_wait3A_46 = tpu.memref_slice %arg4[%add3A_38, %dma_wait3A_45] : memref<6144x1024xf32, #tpu.memory_space<hbm>> -> memref<48x1024xf32, #tpu.memory_space<hbm>>
      tpu.wait_dma2 semaphore(%run_scoped3A : memref<!tpu.dma_semaphore, #tpu.memory_space<semaphore_mem>>) src(%arg8 : memref<48x1024xf32, #tpu.memory_space<vmem>>) dst(%dma_wait3A_46 : memref<48x1024xf32, #tpu.memory_space<hbm>>)
      tpu.yield
    }) : () -> ()
    return
  }
}

#map = affine_map<(d0, d1) -> (0, 0)>
module attributes {stable_mosaic.version = 14 : i64} {
  func.func @k(%arg0: i32, %arg1: i32, %arg2: memref<2048x1024xf32, #tpu.memory_space<hbm>>, %arg3: memref<96x64xi32, #tpu.memory_space<hbm>>, %arg4: memref<8448x1024xf32, #tpu.memory_space<hbm>>, %arg5: memref<64xi32, #tpu.memory_space<vmem>>, %arg6: memref<64xi32, #tpu.memory_space<vmem>>, %arg7: memref<64xi32, #tpu.memory_space<vmem>>, %arg8: memref<64x1024xf32, #tpu.memory_space<vmem>>, %arg9: memref<!tpu.dma_semaphore, #tpu.memory_space<semaphore_mem>>, %arg10: memref<!tpu.dma_semaphore, #tpu.memory_space<semaphore_mem>>, %arg11: memref<!tpu.dma_semaphore, #tpu.memory_space<semaphore_mem>>) attributes {dimension_semantics = [#tpu.dimension_semantics<core_parallel>, #tpu.dimension_semantics<subcore_parallel>], iteration_bounds = array<i64: 2, 16>, scalar_prefetch = 0 : i64, scratch_operands = 7 : i64, tpu.core_type = #tpu.core_type<sc_vector_subcore>, window_params = [{transform_indices = #map}, {transform_indices = #map}, {transform_indices = #map}]} {
    %mul3A = arith.constant 2 : i32
    %mul3A_0 = arith.muli %arg1, %mul3A : i32
    %add3A = arith.addi %mul3A_0, %arg0 : i32
    %mul3A_1 = arith.constant 64 : i32
    %mul3A_2 = arith.muli %add3A, %mul3A_1 : i32
    "tpu.region"() ({
      %run_scoped3A = tpu.sem_alloc : memref<!tpu.dma_semaphore, #tpu.memory_space<semaphore_mem>>
      %dma_start3A_25 = arith.constant 0 : i32
      %dma_start3A_26 = tpu.memref_slice %arg2[%mul3A_2, %dma_start3A_25] : memref<2048x1024xf32, #tpu.memory_space<hbm>> -> memref<64x1024xf32, #tpu.memory_space<hbm>>
      %dma_start3A_27 = arith.constant 0 : i32
      %dma_start3A_28 = tpu.memref_slice %arg2[%mul3A_2, %dma_start3A_27] : memref<2048x1024xf32, #tpu.memory_space<hbm>> -> memref<64x1024xf32, #tpu.memory_space<hbm>>
      tpu.enqueue_dma source(%dma_start3A_28 : memref<64x1024xf32, #tpu.memory_space<hbm>>) target(%arg8 : memref<64x1024xf32, #tpu.memory_space<vmem>>) target_semaphore(%run_scoped3A : memref<!tpu.dma_semaphore, #tpu.memory_space<semaphore_mem>>)
      %dma_wait3A_29 = arith.constant 0 : i32
      %dma_wait3A_30 = tpu.memref_slice %arg2[%mul3A_2, %dma_wait3A_29] : memref<2048x1024xf32, #tpu.memory_space<hbm>> -> memref<64x1024xf32, #tpu.memory_space<hbm>>
      %dma_wait3A_31 = arith.constant 0 : i32
      %dma_wait3A_32 = tpu.memref_slice %arg2[%mul3A_2, %dma_wait3A_31] : memref<2048x1024xf32, #tpu.memory_space<hbm>> -> memref<64x1024xf32, #tpu.memory_space<hbm>>
      tpu.wait_dma2 semaphore(%run_scoped3A : memref<!tpu.dma_semaphore, #tpu.memory_space<semaphore_mem>>) src(%dma_wait3A_32 : memref<64x1024xf32, #tpu.memory_space<hbm>>) dst(%arg8 : memref<64x1024xf32, #tpu.memory_space<vmem>>)
      tpu.yield
    }) : () -> ()
    %add3A_3 = arith.constant 0 : i32
    %add3A_4 = arith.addi %add3A_3, %add3A : i32
    "tpu.region"() ({
      %run_scoped3A = tpu.sem_alloc : memref<!tpu.dma_semaphore, #tpu.memory_space<semaphore_mem>>
      %dma_start3A_25 = arith.constant 0 : i32
      %dma_start3A_26 = tpu.memref_slice %arg3[%add3A_4, %dma_start3A_25] : memref<96x64xi32, #tpu.memory_space<hbm>> -> memref<1x64xi32, #tpu.memory_space<hbm>>
      %dma_start3A_27 = tpu.memref_squeeze %dma_start3A_26 : memref<1x64xi32, #tpu.memory_space<hbm>> -> memref<64xi32, #tpu.memory_space<hbm>>
      %dma_start3A_28 = arith.constant 0 : i32
      %dma_start3A_29 = tpu.memref_slice %arg3[%add3A_4, %dma_start3A_28] : memref<96x64xi32, #tpu.memory_space<hbm>> -> memref<1x64xi32, #tpu.memory_space<hbm>>
      %dma_start3A_30 = tpu.memref_squeeze %dma_start3A_29 : memref<1x64xi32, #tpu.memory_space<hbm>> -> memref<64xi32, #tpu.memory_space<hbm>>
      tpu.enqueue_dma source(%dma_start3A_30 : memref<64xi32, #tpu.memory_space<hbm>>) target(%arg5 : memref<64xi32, #tpu.memory_space<vmem>>) target_semaphore(%run_scoped3A : memref<!tpu.dma_semaphore, #tpu.memory_space<semaphore_mem>>)
      %dma_wait3A_31 = arith.constant 0 : i32
      %dma_wait3A_32 = tpu.memref_slice %arg3[%add3A_4, %dma_wait3A_31] : memref<96x64xi32, #tpu.memory_space<hbm>> -> memref<1x64xi32, #tpu.memory_space<hbm>>
      %dma_wait3A_33 = tpu.memref_squeeze %dma_wait3A_32 : memref<1x64xi32, #tpu.memory_space<hbm>> -> memref<64xi32, #tpu.memory_space<hbm>>
      %dma_wait3A_34 = arith.constant 0 : i32
      %dma_wait3A_35 = tpu.memref_slice %arg3[%add3A_4, %dma_wait3A_34] : memref<96x64xi32, #tpu.memory_space<hbm>> -> memref<1x64xi32, #tpu.memory_space<hbm>>
      %dma_wait3A_36 = tpu.memref_squeeze %dma_wait3A_35 : memref<1x64xi32, #tpu.memory_space<hbm>> -> memref<64xi32, #tpu.memory_space<hbm>>
      tpu.wait_dma2 semaphore(%run_scoped3A : memref<!tpu.dma_semaphore, #tpu.memory_space<semaphore_mem>>) src(%dma_wait3A_36 : memref<64xi32, #tpu.memory_space<hbm>>) dst(%arg5 : memref<64xi32, #tpu.memory_space<vmem>>)
      tpu.yield
    }) : () -> ()
    %dma_start3A = arith.constant 0 : i32
    %dma_start3A_5 = arith.constant 0 : i32
    %dma_start3A_6 = tpu.memref_slice %arg4[%dma_start3A, %dma_start3A_5] : memref<8448x1024xf32, #tpu.memory_space<hbm>> -> memref<8448x1024xf32, #tpu.memory_space<hbm>>
    tpu.enqueue_indirect_dma source(%arg8 : memref<64x1024xf32, #tpu.memory_space<vmem>>) target(%dma_start3A_6 : memref<8448x1024xf32, #tpu.memory_space<hbm>>) offsets(%arg5 : memref<64xi32, #tpu.memory_space<vmem>>) semaphore(%arg9 : memref<!tpu.dma_semaphore, #tpu.memory_space<semaphore_mem>>)
    %add3A_7 = arith.constant 32 : i32
    %add3A_8 = arith.addi %add3A_7, %add3A : i32
    "tpu.region"() ({
      %run_scoped3A = tpu.sem_alloc : memref<!tpu.dma_semaphore, #tpu.memory_space<semaphore_mem>>
      %dma_start3A_25 = arith.constant 0 : i32
      %dma_start3A_26 = tpu.memref_slice %arg3[%add3A_8, %dma_start3A_25] : memref<96x64xi32, #tpu.memory_space<hbm>> -> memref<1x64xi32, #tpu.memory_space<hbm>>
      %dma_start3A_27 = tpu.memref_squeeze %dma_start3A_26 : memref<1x64xi32, #tpu.memory_space<hbm>> -> memref<64xi32, #tpu.memory_space<hbm>>
      %dma_start3A_28 = arith.constant 0 : i32
      %dma_start3A_29 = tpu.memref_slice %arg3[%add3A_8, %dma_start3A_28] : memref<96x64xi32, #tpu.memory_space<hbm>> -> memref<1x64xi32, #tpu.memory_space<hbm>>
      %dma_start3A_30 = tpu.memref_squeeze %dma_start3A_29 : memref<1x64xi32, #tpu.memory_space<hbm>> -> memref<64xi32, #tpu.memory_space<hbm>>
      tpu.enqueue_dma source(%dma_start3A_30 : memref<64xi32, #tpu.memory_space<hbm>>) target(%arg6 : memref<64xi32, #tpu.memory_space<vmem>>) target_semaphore(%run_scoped3A : memref<!tpu.dma_semaphore, #tpu.memory_space<semaphore_mem>>)
      %dma_wait3A_31 = arith.constant 0 : i32
      %dma_wait3A_32 = tpu.memref_slice %arg3[%add3A_8, %dma_wait3A_31] : memref<96x64xi32, #tpu.memory_space<hbm>> -> memref<1x64xi32, #tpu.memory_space<hbm>>
      %dma_wait3A_33 = tpu.memref_squeeze %dma_wait3A_32 : memref<1x64xi32, #tpu.memory_space<hbm>> -> memref<64xi32, #tpu.memory_space<hbm>>
      %dma_wait3A_34 = arith.constant 0 : i32
      %dma_wait3A_35 = tpu.memref_slice %arg3[%add3A_8, %dma_wait3A_34] : memref<96x64xi32, #tpu.memory_space<hbm>> -> memref<1x64xi32, #tpu.memory_space<hbm>>
      %dma_wait3A_36 = tpu.memref_squeeze %dma_wait3A_35 : memref<1x64xi32, #tpu.memory_space<hbm>> -> memref<64xi32, #tpu.memory_space<hbm>>
      tpu.wait_dma2 semaphore(%run_scoped3A : memref<!tpu.dma_semaphore, #tpu.memory_space<semaphore_mem>>) src(%dma_wait3A_36 : memref<64xi32, #tpu.memory_space<hbm>>) dst(%arg6 : memref<64xi32, #tpu.memory_space<vmem>>)
      tpu.yield
    }) : () -> ()
    %dma_start3A_9 = arith.constant 0 : i32
    %dma_start3A_10 = arith.constant 0 : i32
    %dma_start3A_11 = tpu.memref_slice %arg4[%dma_start3A_9, %dma_start3A_10] : memref<8448x1024xf32, #tpu.memory_space<hbm>> -> memref<8448x1024xf32, #tpu.memory_space<hbm>>
    tpu.enqueue_indirect_dma source(%arg8 : memref<64x1024xf32, #tpu.memory_space<vmem>>) target(%dma_start3A_11 : memref<8448x1024xf32, #tpu.memory_space<hbm>>) offsets(%arg6 : memref<64xi32, #tpu.memory_space<vmem>>) semaphore(%arg10 : memref<!tpu.dma_semaphore, #tpu.memory_space<semaphore_mem>>)
    %add3A_12 = arith.constant 64 : i32
    %add3A_13 = arith.addi %add3A_12, %add3A : i32
    "tpu.region"() ({
      %run_scoped3A = tpu.sem_alloc : memref<!tpu.dma_semaphore, #tpu.memory_space<semaphore_mem>>
      %dma_start3A_25 = arith.constant 0 : i32
      %dma_start3A_26 = tpu.memref_slice %arg3[%add3A_13, %dma_start3A_25] : memref<96x64xi32, #tpu.memory_space<hbm>> -> memref<1x64xi32, #tpu.memory_space<hbm>>
      %dma_start3A_27 = tpu.memref_squeeze %dma_start3A_26 : memref<1x64xi32, #tpu.memory_space<hbm>> -> memref<64xi32, #tpu.memory_space<hbm>>
      %dma_start3A_28 = arith.constant 0 : i32
      %dma_start3A_29 = tpu.memref_slice %arg3[%add3A_13, %dma_start3A_28] : memref<96x64xi32, #tpu.memory_space<hbm>> -> memref<1x64xi32, #tpu.memory_space<hbm>>
      %dma_start3A_30 = tpu.memref_squeeze %dma_start3A_29 : memref<1x64xi32, #tpu.memory_space<hbm>> -> memref<64xi32, #tpu.memory_space<hbm>>
      tpu.enqueue_dma source(%dma_start3A_30 : memref<64xi32, #tpu.memory_space<hbm>>) target(%arg7 : memref<64xi32, #tpu.memory_space<vmem>>) target_semaphore(%run_scoped3A : memref<!tpu.dma_semaphore, #tpu.memory_space<semaphore_mem>>)
      %dma_wait3A_31 = arith.constant 0 : i32
      %dma_wait3A_32 = tpu.memref_slice %arg3[%add3A_13, %dma_wait3A_31] : memref<96x64xi32, #tpu.memory_space<hbm>> -> memref<1x64xi32, #tpu.memory_space<hbm>>
      %dma_wait3A_33 = tpu.memref_squeeze %dma_wait3A_32 : memref<1x64xi32, #tpu.memory_space<hbm>> -> memref<64xi32, #tpu.memory_space<hbm>>
      %dma_wait3A_34 = arith.constant 0 : i32
      %dma_wait3A_35 = tpu.memref_slice %arg3[%add3A_13, %dma_wait3A_34] : memref<96x64xi32, #tpu.memory_space<hbm>> -> memref<1x64xi32, #tpu.memory_space<hbm>>
      %dma_wait3A_36 = tpu.memref_squeeze %dma_wait3A_35 : memref<1x64xi32, #tpu.memory_space<hbm>> -> memref<64xi32, #tpu.memory_space<hbm>>
      tpu.wait_dma2 semaphore(%run_scoped3A : memref<!tpu.dma_semaphore, #tpu.memory_space<semaphore_mem>>) src(%dma_wait3A_36 : memref<64xi32, #tpu.memory_space<hbm>>) dst(%arg7 : memref<64xi32, #tpu.memory_space<vmem>>)
      tpu.yield
    }) : () -> ()
    %dma_start3A_14 = arith.constant 0 : i32
    %dma_start3A_15 = arith.constant 0 : i32
    %dma_start3A_16 = tpu.memref_slice %arg4[%dma_start3A_14, %dma_start3A_15] : memref<8448x1024xf32, #tpu.memory_space<hbm>> -> memref<8448x1024xf32, #tpu.memory_space<hbm>>
    tpu.enqueue_indirect_dma source(%arg8 : memref<64x1024xf32, #tpu.memory_space<vmem>>) target(%dma_start3A_16 : memref<8448x1024xf32, #tpu.memory_space<hbm>>) offsets(%arg7 : memref<64xi32, #tpu.memory_space<vmem>>) semaphore(%arg11 : memref<!tpu.dma_semaphore, #tpu.memory_space<semaphore_mem>>)
    %dma_wait3A = arith.constant 0 : i32
    %dma_wait3A_17 = arith.constant 0 : i32
    %dma_wait3A_18 = tpu.memref_slice %arg4[%dma_wait3A, %dma_wait3A_17] : memref<8448x1024xf32, #tpu.memory_space<hbm>> -> memref<8448x1024xf32, #tpu.memory_space<hbm>>
    tpu.wait_indirect_dma semaphore(%arg9 : memref<!tpu.dma_semaphore, #tpu.memory_space<semaphore_mem>>) src(%arg8 : memref<64x1024xf32, #tpu.memory_space<vmem>>) dst(%dma_wait3A_18 : memref<8448x1024xf32, #tpu.memory_space<hbm>>)
    %dma_wait3A_19 = arith.constant 0 : i32
    %dma_wait3A_20 = arith.constant 0 : i32
    %dma_wait3A_21 = tpu.memref_slice %arg4[%dma_wait3A_19, %dma_wait3A_20] : memref<8448x1024xf32, #tpu.memory_space<hbm>> -> memref<8448x1024xf32, #tpu.memory_space<hbm>>
    tpu.wait_indirect_dma semaphore(%arg10 : memref<!tpu.dma_semaphore, #tpu.memory_space<semaphore_mem>>) src(%arg8 : memref<64x1024xf32, #tpu.memory_space<vmem>>) dst(%dma_wait3A_21 : memref<8448x1024xf32, #tpu.memory_space<hbm>>)
    %dma_wait3A_22 = arith.constant 0 : i32
    %dma_wait3A_23 = arith.constant 0 : i32
    %dma_wait3A_24 = tpu.memref_slice %arg4[%dma_wait3A_22, %dma_wait3A_23] : memref<8448x1024xf32, #tpu.memory_space<hbm>> -> memref<8448x1024xf32, #tpu.memory_space<hbm>>
    tpu.wait_indirect_dma semaphore(%arg11 : memref<!tpu.dma_semaphore, #tpu.memory_space<semaphore_mem>>) src(%arg8 : memref<64x1024xf32, #tpu.memory_space<vmem>>) dst(%dma_wait3A_24 : memref<8448x1024xf32, #tpu.memory_space<hbm>>)
    return
  }
}

module attributes {stable_mosaic.version = 14 : i64} {
  func.func @_router_kernel(%arg0: i32, %arg1: memref<512x1024xf32, #tpu.memory_space<vmem>>, %arg2: memref<1024x128xf32, #tpu.memory_space<vmem>>, %arg3: memref<1x128xf32, #tpu.memory_space<vmem>>, %arg4: memref<512x128xf32, #tpu.memory_space<vmem>>, %arg5: memref<512x128xf32, #tpu.memory_space<vmem>>, %arg6: memref<1x128xf32, #tpu.memory_space<vmem>>, %arg7: memref<1x128xf32, #tpu.memory_space<vmem>>) attributes {dimension_semantics = [#tpu.dimension_semantics<arbitrary>], iteration_bounds = array<i64: 4>, scalar_prefetch = 0 : i64, scratch_operands = 0 : i64, tpu.core_type = #tpu.core_type<tc>, window_params = [{transform_indices = @transform_0, window_bounds = array<i64: 512, 1024>}, {pipeline_mode = #tpu.pipeline_mode<synchronous>, transform_indices = @transform_1, window_bounds = array<i64: 1024, 128>}, {pipeline_mode = #tpu.pipeline_mode<synchronous>, transform_indices = @transform_2, window_bounds = array<i64: 1, 128>}, {transform_indices = @transform_3, window_bounds = array<i64: 512, 128>}, {transform_indices = @transform_4, window_bounds = array<i64: 512, 128>}, {pipeline_mode = #tpu.pipeline_mode<synchronous>, transform_indices = @transform_5, window_bounds = array<i64: 1, 128>}, {pipeline_mode = #tpu.pipeline_mode<synchronous>, transform_indices = @transform_6, window_bounds = array<i64: 1, 128>}]} {
    %eq3A = arith.constant 0 : i32
    %eq3A_0 = arith.cmpi eq, %arg0, %eq3A : i32
    %convert_element_type3A = arith.extui %eq3A_0 : i1 to i32
    %cond3A = arith.constant 0 : i32
    %cond3A_1 = arith.cmpi ne, %convert_element_type3A, %cond3A : i32
    scf.if %cond3A_1 {
      %broadcast_in_dim3A_246 = arith.constant 0.000000e+00 : f32
      %broadcast_in_dim3A_247 = vector.broadcast %broadcast_in_dim3A_246 : f32 to vector<1x128xf32>
      %swap3A_248 = arith.constant 0 : index
      %swap3A_249 = arith.constant 0 : index
      %swap3A_250 = vector.load %arg6[%swap3A_248, %swap3A_249] : memref<1x128xf32, #tpu.memory_space<vmem>>, vector<1x128xf32>
      tpu.vector_store %arg6[%swap3A_248, %swap3A_249], %broadcast_in_dim3A_247 {strides = array<i32>} : memref<1x128xf32, #tpu.memory_space<vmem>>, vector<1x128xf32>,
      %broadcast_in_dim3A_251 = arith.constant 0.000000e+00 : f32
      %broadcast_in_dim3A_252 = vector.broadcast %broadcast_in_dim3A_251 : f32 to vector<1x128xf32>
      %swap3A_253 = arith.constant 0 : index
      %swap3A_254 = arith.constant 0 : index
      %swap3A_255 = vector.load %arg7[%swap3A_253, %swap3A_254] : memref<1x128xf32, #tpu.memory_space<vmem>>, vector<1x128xf32>
      tpu.vector_store %arg7[%swap3A_253, %swap3A_254], %broadcast_in_dim3A_252 {strides = array<i32>} : memref<1x128xf32, #tpu.memory_space<vmem>>, vector<1x128xf32>,
    } else {
    }
    %get3A = arith.constant 0 : index
    %get3A_2 = arith.constant 0 : index
    %get3A_3 = vector.load %arg1[%get3A, %get3A_2] : memref<512x1024xf32, #tpu.memory_space<vmem>>, vector<512x1024xf32>
    %get3A_4 = arith.constant 0 : index
    %get3A_5 = arith.constant 0 : index
    %get3A_6 = vector.load %arg2[%get3A_4, %get3A_5] : memref<1024x128xf32, #tpu.memory_space<vmem>>, vector<1024x128xf32>
    %dot_general3A = arith.constant dense<0.000000e+00> : vector<512x128xf32>
    %dot_general3A_7 = tpu.matmul %get3A_3, %get3A_6, %dot_general3A {dimension_numbers = #tpu.dot_dimension_numbers<[1], [0], [0], [1], [0, 0, 1, 1], [], []>, transpose_lhs_hint = false} : vector<512x1024xf32>, vector<1024x128xf32>, vector<512x128xf32> -> vector<512x128xf32>
    %get3A_8 = arith.constant 0 : index
    %get3A_9 = arith.constant 0 : index
    %get3A_10 = vector.load %arg3[%get3A_8, %get3A_9] : memref<1x128xf32, #tpu.memory_space<vmem>>, vector<1x128xf32>
    %add3A = vector.broadcast %get3A_10 : vector<1x128xf32> to vector<512x128xf32>
    %add3A_11 = arith.addf %dot_general3A_7, %add3A : vector<512x128xf32>
    %iota3A = tpu.iota {dimensions = array<i32: 1>} : vector<512x128xi32>
    %lt3A = arith.constant 12 : i32
    %lt3A_12 = vector.broadcast %lt3A : i32 to vector<512x128xi32>
    %lt3A_13 = arith.cmpi slt, %iota3A, %lt3A_12 : vector<512x128xi32>
    %jit3A = arith.constant -1.000000e+30 : f32
    %broadcast_in_dim3A = vector.broadcast %jit3A : f32 to vector<512x128xf32>
    %select_n3A = arith.select %lt3A_13, %add3A_11, %broadcast_in_dim3A : vector<512x128xi1>, vector<512x128xf32>
    %reduce_max3A = arith.constant dense<0xFF800000> : vector<512xf32>
    %reduce_max3A_14 = vector.multi_reduction <maximumf>, %select_n3A, %reduce_max3A [1] : vector<512x128xf32> to vector<512xf32>
    %max3A = arith.constant 0xFF800000 : f32
    %max3A_15 = vector.broadcast %max3A : f32 to vector<512xf32>
    %max3A_16 = arith.maximumf %max3A_15, %reduce_max3A_14 : vector<512xf32>
    %broadcast_in_dim3A_17 = vector.shape_cast %max3A_16 : vector<512xf32> to vector<512x1xf32>
    %sub3A = vector.broadcast %broadcast_in_dim3A_17 : vector<512x1xf32> to vector<512x128xf32>
    %sub3A_18 = arith.subf %select_n3A, %sub3A : vector<512x128xf32>
    %exp3A = math.exp %sub3A_18 : vector<512x128xf32>
    %reduce_sum3A = arith.constant dense<0.000000e+00> : vector<512xf32>
    %reduce_sum3A_19 = vector.multi_reduction <add>, %exp3A, %reduce_sum3A [1] : vector<512x128xf32> to vector<512xf32>
    %broadcast_in_dim3A_20 = vector.shape_cast %reduce_sum3A_19 : vector<512xf32> to vector<512x1xf32>
    %div3A = vector.broadcast %broadcast_in_dim3A_20 : vector<512x1xf32> to vector<512x128xf32>
    %div3A_21 = arith.divf %exp3A, %div3A : vector<512x128xf32>
    %swap3A = arith.constant 0 : index
    %swap3A_22 = arith.constant 0 : index
    %swap3A_23 = vector.load %arg4[%swap3A, %swap3A_22] : memref<512x128xf32, #tpu.memory_space<vmem>>, vector<512x128xf32>
    tpu.vector_store %arg4[%swap3A, %swap3A_22], %div3A_21 {strides = array<i32>} : memref<512x128xf32, #tpu.memory_space<vmem>>, vector<512x128xf32>,
    %eq3A_24 = arith.constant 12 : i32
    %eq3A_25 = vector.broadcast %eq3A_24 : i32 to vector<512x128xi32>
    %eq3A_26 = arith.cmpi eq, %iota3A, %eq3A_25 : vector<512x128xi32>
    %jit3A_27 = arith.constant 0.000000e+00 : f32
    %broadcast_in_dim3A_28 = vector.broadcast %jit3A_27 : f32 to vector<512x128xf32>
    %select_n3A_29 = arith.select %eq3A_26, %add3A_11, %broadcast_in_dim3A_28 : vector<512x128xi1>, vector<512x128xf32>
    %reduce_sum3A_30 = arith.constant dense<0.000000e+00> : vector<512xf32>
    %reduce_sum3A_31 = vector.multi_reduction <add>, %select_n3A_29, %reduce_sum3A_30 [1] : vector<512x128xf32> to vector<512xf32>
    %broadcast_in_dim3A_32 = vector.shape_cast %reduce_sum3A_31 : vector<512xf32> to vector<512x1xf32>
    %logistic3A = arith.negf %broadcast_in_dim3A_32 : vector<512x1xf32>
    %logistic3A_33 = math.exp %logistic3A : vector<512x1xf32>
    %logistic3A_34 = arith.constant 1.000000e+00 : f32
    %logistic3A_35 = vector.broadcast %logistic3A_34 : f32 to vector<512x1xf32>
    %logistic3A_36 = arith.addf %logistic3A_35, %logistic3A_33 : vector<512x1xf32>
    %logistic3A_37 = arith.divf %logistic3A_35, %logistic3A_36 : vector<512x1xf32>
    %reduce_max3A_38 = arith.constant dense<0xFF800000> : vector<512xf32>
    %reduce_max3A_39 = vector.multi_reduction <maximumf>, %div3A_21, %reduce_max3A_38 [1] : vector<512x128xf32> to vector<512xf32>
    %broadcast_in_dim3A_40 = vector.shape_cast %reduce_max3A_39 : vector<512xf32> to vector<512x1xf32>
    %eq3A_41 = vector.broadcast %broadcast_in_dim3A_40 : vector<512x1xf32> to vector<512x128xf32>
    %eq3A_42 = arith.cmpf oeq, %div3A_21, %eq3A_41 : vector<512x128xf32>
    %jit3A_43 = arith.constant 128 : i32
    %broadcast_in_dim3A_44 = vector.broadcast %jit3A_43 : i32 to vector<512x128xi32>
    %select_n3A_45 = arith.select %eq3A_42, %iota3A, %broadcast_in_dim3A_44 : vector<512x128xi1>, vector<512x128xi32>
    %reduce_min3A = arith.constant dense<2147483647> : vector<512xi32>
    %reduce_min3A_46 = vector.multi_reduction <minsi>, %select_n3A_45, %reduce_min3A [1] : vector<512x128xi32> to vector<512xi32>
    %broadcast_in_dim3A_47 = vector.shape_cast %reduce_min3A_46 : vector<512xi32> to vector<512x1xi32>
    %eq3A_48 = vector.broadcast %broadcast_in_dim3A_47 : vector<512x1xi32> to vector<512x128xi32>
    %eq3A_49 = arith.cmpi eq, %iota3A, %eq3A_48 : vector<512x128xi32>
    %convert_element_type3A_50 = arith.extui %eq3A_49 : vector<512x128xi1> to vector<512x128xi32>
    %convert_element_type3A_51 = arith.sitofp %convert_element_type3A_50 : vector<512x128xi32> to vector<512x128xf32>
    %eq3A_52 = vector.broadcast %broadcast_in_dim3A_47 : vector<512x1xi32> to vector<512x128xi32>
    %eq3A_53 = arith.cmpi eq, %iota3A, %eq3A_52 : vector<512x128xi32>
    %jit3A_54 = arith.constant -1.000000e+00 : f32
    %broadcast_in_dim3A_55 = vector.broadcast %jit3A_54 : f32 to vector<512x128xf32>
    %select_n3A_56 = arith.select %eq3A_53, %broadcast_in_dim3A_55, %div3A_21 : vector<512x128xi1>, vector<512x128xf32>
    %reduce_max3A_57 = arith.constant dense<0xFF800000> : vector<512xf32>
    %reduce_max3A_58 = vector.multi_reduction <maximumf>, %select_n3A_56, %reduce_max3A_57 [1] : vector<512x128xf32> to vector<512xf32>
    %broadcast_in_dim3A_59 = vector.shape_cast %reduce_max3A_58 : vector<512xf32> to vector<512x1xf32>
    %eq3A_60 = vector.broadcast %broadcast_in_dim3A_59 : vector<512x1xf32> to vector<512x128xf32>
    %eq3A_61 = arith.cmpf oeq, %select_n3A_56, %eq3A_60 : vector<512x128xf32>
    %jit3A_62 = arith.constant 128 : i32
    %broadcast_in_dim3A_63 = vector.broadcast %jit3A_62 : i32 to vector<512x128xi32>
    %select_n3A_64 = arith.select %eq3A_61, %iota3A, %broadcast_in_dim3A_63 : vector<512x128xi1>, vector<512x128xi32>
    %reduce_min3A_65 = arith.constant dense<2147483647> : vector<512xi32>
    %reduce_min3A_66 = vector.multi_reduction <minsi>, %select_n3A_64, %reduce_min3A_65 [1] : vector<512x128xi32> to vector<512xi32>
    %broadcast_in_dim3A_67 = vector.shape_cast %reduce_min3A_66 : vector<512xi32> to vector<512x1xi32>
    %eq3A_68 = vector.broadcast %broadcast_in_dim3A_67 : vector<512x1xi32> to vector<512x128xi32>
    %eq3A_69 = arith.cmpi eq, %iota3A, %eq3A_68 : vector<512x128xi32>
    %convert_element_type3A_70 = arith.extui %eq3A_69 : vector<512x128xi1> to vector<512x128xi32>
    %convert_element_type3A_71 = arith.sitofp %convert_element_type3A_70 : vector<512x128xi32> to vector<512x128xf32>
    %eq3A_72 = vector.broadcast %broadcast_in_dim3A_67 : vector<512x1xi32> to vector<512x128xi32>
    %eq3A_73 = arith.cmpi eq, %iota3A, %eq3A_72 : vector<512x128xi32>
    %jit3A_74 = arith.constant -1.000000e+00 : f32
    %broadcast_in_dim3A_75 = vector.broadcast %jit3A_74 : f32 to vector<512x128xf32>
    %select_n3A_76 = arith.select %eq3A_73, %broadcast_in_dim3A_75, %select_n3A_56 : vector<512x128xi1>, vector<512x128xf32>
    %reduce_max3A_77 = arith.constant dense<0xFF800000> : vector<512xf32>
    %reduce_max3A_78 = vector.multi_reduction <maximumf>, %select_n3A_76, %reduce_max3A_77 [1] : vector<512x128xf32> to vector<512xf32>
    %broadcast_in_dim3A_79 = vector.shape_cast %reduce_max3A_78 : vector<512xf32> to vector<512x1xf32>
    %eq3A_80 = vector.broadcast %broadcast_in_dim3A_79 : vector<512x1xf32> to vector<512x128xf32>
    %eq3A_81 = arith.cmpf oeq, %select_n3A_76, %eq3A_80 : vector<512x128xf32>
    %jit3A_82 = arith.constant 128 : i32
    %broadcast_in_dim3A_83 = vector.broadcast %jit3A_82 : i32 to vector<512x128xi32>
    %select_n3A_84 = arith.select %eq3A_81, %iota3A, %broadcast_in_dim3A_83 : vector<512x128xi1>, vector<512x128xi32>
    %reduce_min3A_85 = arith.constant dense<2147483647> : vector<512xi32>
    %reduce_min3A_86 = vector.multi_reduction <minsi>, %select_n3A_84, %reduce_min3A_85 [1] : vector<512x128xi32> to vector<512xi32>
    %broadcast_in_dim3A_87 = vector.shape_cast %reduce_min3A_86 : vector<512xi32> to vector<512x1xi32>
    %eq3A_88 = vector.broadcast %broadcast_in_dim3A_87 : vector<512x1xi32> to vector<512x128xi32>
    %eq3A_89 = arith.cmpi eq, %iota3A, %eq3A_88 : vector<512x128xi32>
    %convert_element_type3A_90 = arith.extui %eq3A_89 : vector<512x128xi1> to vector<512x128xi32>
    %convert_element_type3A_91 = arith.sitofp %convert_element_type3A_90 : vector<512x128xi32> to vector<512x128xf32>
    %sub3A_92 = arith.subf %broadcast_in_dim3A_59, %broadcast_in_dim3A_40 : vector<512x1xf32>
    %exp3A_93 = math.exp %sub3A_92 : vector<512x1xf32>
    %sub3A_94 = arith.subf %broadcast_in_dim3A_79, %broadcast_in_dim3A_40 : vector<512x1xf32>
    %exp3A_95 = math.exp %sub3A_94 : vector<512x1xf32>
    %add3A_96 = arith.constant 1.000000e+00 : f32
    %add3A_97 = vector.broadcast %add3A_96 : f32 to vector<512x1xf32>
    %add3A_98 = arith.addf %add3A_97, %exp3A_93 : vector<512x1xf32>
    %add3A_99 = arith.addf %add3A_98, %exp3A_95 : vector<512x1xf32>
    %div3A_100 = arith.constant 1.000000e+00 : f32
    %div3A_101 = vector.broadcast %div3A_100 : f32 to vector<512x1xf32>
    %div3A_102 = arith.divf %div3A_101, %add3A_99 : vector<512x1xf32>
    %div3A_103 = arith.divf %exp3A_93, %add3A_99 : vector<512x1xf32>
    %div3A_104 = arith.divf %exp3A_95, %add3A_99 : vector<512x1xf32>
    %add3A_105 = arith.addf %convert_element_type3A_51, %convert_element_type3A_71 : vector<512x128xf32>
    %add3A_106 = arith.addf %add3A_105, %convert_element_type3A_91 : vector<512x128xf32>
    %iota3A_107 = tpu.iota {dimensions = array<i32: 0>} : vector<512x512xi32>
    %iota3A_108 = tpu.iota {dimensions = array<i32: 1>} : vector<512x512xi32>
    %gt3A = arith.cmpi sgt, %iota3A_107, %iota3A_108 : vector<512x512xi32>
    %convert_element_type3A_109 = arith.extui %gt3A : vector<512x512xi1> to vector<512x512xi32>
    %convert_element_type3A_110 = arith.sitofp %convert_element_type3A_109 : vector<512x512xi32> to vector<512x512xf32>
    %dot_general3A_111 = arith.constant dense<0.000000e+00> : vector<512x128xf32>
    %dot_general3A_112 = tpu.matmul %convert_element_type3A_110, %add3A_106, %dot_general3A_111 {dimension_numbers = #tpu.dot_dimension_numbers<[1], [0], [0], [1], [0, 0, 1, 1], [], []>, transpose_lhs_hint = false} : vector<512x512xf32>, vector<512x128xf32>, vector<512x128xf32> -> vector<512x128xf32>
    %get3A_113 = arith.constant 0 : index
    %get3A_114 = arith.constant 0 : index
    %get3A_115 = vector.load %arg6[%get3A_113, %get3A_114] : memref<1x128xf32, #tpu.memory_space<vmem>>, vector<1x128xf32>
    %eq3A_116 = arith.constant 0 : i32
    %eq3A_117 = vector.broadcast %eq3A_116 : i32 to vector<512x128xi32>
    %eq3A_118 = arith.cmpi eq, %iota3A, %eq3A_117 : vector<512x128xi32>
    %convert_element_type3A_119 = arith.extui %eq3A_118 : vector<512x128xi1> to vector<512x128xi32>
    %convert_element_type3A_120 = arith.sitofp %convert_element_type3A_119 : vector<512x128xi32> to vector<512x128xf32>
    %mul3A = vector.broadcast %logistic3A_37 : vector<512x1xf32> to vector<512x128xf32>
    %mul3A_121 = arith.mulf %mul3A, %convert_element_type3A_120 : vector<512x128xf32>
    %add3A_122 = vector.broadcast %get3A_115 : vector<1x128xf32> to vector<512x128xf32>
    %add3A_123 = arith.addf %dot_general3A_112, %add3A_122 : vector<512x128xf32>
    %mul3A_124 = arith.mulf %add3A_123, %convert_element_type3A_51 : vector<512x128xf32>
    %reduce_sum3A_125 = arith.constant dense<0.000000e+00> : vector<512xf32>
    %reduce_sum3A_126 = vector.multi_reduction <add>, %mul3A_124, %reduce_sum3A_125 [1] : vector<512x128xf32> to vector<512xf32>
    %broadcast_in_dim3A_127 = vector.shape_cast %reduce_sum3A_126 : vector<512xf32> to vector<512x1xf32>
    %eq3A_128 = arith.constant 1 : i32
    %eq3A_129 = vector.broadcast %eq3A_128 : i32 to vector<512x128xi32>
    %eq3A_130 = arith.cmpi eq, %iota3A, %eq3A_129 : vector<512x128xi32>
    %convert_element_type3A_131 = arith.extui %eq3A_130 : vector<512x128xi1> to vector<512x128xi32>
    %convert_element_type3A_132 = arith.sitofp %convert_element_type3A_131 : vector<512x128xi32> to vector<512x128xf32>
    %mul3A_133 = vector.broadcast %div3A_102 : vector<512x1xf32> to vector<512x128xf32>
    %mul3A_134 = arith.mulf %mul3A_133, %convert_element_type3A_132 : vector<512x128xf32>
    %add3A_135 = arith.addf %mul3A_121, %mul3A_134 : vector<512x128xf32>
    %convert_element_type3A_136 = arith.sitofp %broadcast_in_dim3A_47 : vector<512x1xi32> to vector<512x1xf32>
    %eq3A_137 = arith.constant 4 : i32
    %eq3A_138 = vector.broadcast %eq3A_137 : i32 to vector<512x128xi32>
    %eq3A_139 = arith.cmpi eq, %iota3A, %eq3A_138 : vector<512x128xi32>
    %convert_element_type3A_140 = arith.extui %eq3A_139 : vector<512x128xi1> to vector<512x128xi32>
    %convert_element_type3A_141 = arith.sitofp %convert_element_type3A_140 : vector<512x128xi32> to vector<512x128xf32>
    %mul3A_142 = vector.broadcast %convert_element_type3A_136 : vector<512x1xf32> to vector<512x128xf32>
    %mul3A_143 = arith.mulf %mul3A_142, %convert_element_type3A_141 : vector<512x128xf32>
    %add3A_144 = arith.addf %add3A_135, %mul3A_143 : vector<512x128xf32>
    %eq3A_145 = arith.constant 7 : i32
    %eq3A_146 = vector.broadcast %eq3A_145 : i32 to vector<512x128xi32>
    %eq3A_147 = arith.cmpi eq, %iota3A, %eq3A_146 : vector<512x128xi32>
    %convert_element_type3A_148 = arith.extui %eq3A_147 : vector<512x128xi1> to vector<512x128xi32>
    %convert_element_type3A_149 = arith.sitofp %convert_element_type3A_148 : vector<512x128xi32> to vector<512x128xf32>
    %mul3A_150 = vector.broadcast %broadcast_in_dim3A_127 : vector<512x1xf32> to vector<512x128xf32>
    %mul3A_151 = arith.mulf %mul3A_150, %convert_element_type3A_149 : vector<512x128xf32>
    %add3A_152 = arith.addf %add3A_144, %mul3A_151 : vector<512x128xf32>
    %add3A_153 = vector.broadcast %get3A_115 : vector<1x128xf32> to vector<512x128xf32>
    %add3A_154 = arith.addf %dot_general3A_112, %add3A_153 : vector<512x128xf32>
    %mul3A_155 = arith.mulf %add3A_154, %convert_element_type3A_71 : vector<512x128xf32>
    %reduce_sum3A_156 = arith.constant dense<0.000000e+00> : vector<512xf32>
    %reduce_sum3A_157 = vector.multi_reduction <add>, %mul3A_155, %reduce_sum3A_156 [1] : vector<512x128xf32> to vector<512xf32>
    %broadcast_in_dim3A_158 = vector.shape_cast %reduce_sum3A_157 : vector<512xf32> to vector<512x1xf32>
    %eq3A_159 = arith.constant 2 : i32
    %eq3A_160 = vector.broadcast %eq3A_159 : i32 to vector<512x128xi32>
    %eq3A_161 = arith.cmpi eq, %iota3A, %eq3A_160 : vector<512x128xi32>
    %convert_element_type3A_162 = arith.extui %eq3A_161 : vector<512x128xi1> to vector<512x128xi32>
    %convert_element_type3A_163 = arith.sitofp %convert_element_type3A_162 : vector<512x128xi32> to vector<512x128xf32>
    %mul3A_164 = vector.broadcast %div3A_103 : vector<512x1xf32> to vector<512x128xf32>
    %mul3A_165 = arith.mulf %mul3A_164, %convert_element_type3A_163 : vector<512x128xf32>
    %add3A_166 = arith.addf %add3A_152, %mul3A_165 : vector<512x128xf32>
    %convert_element_type3A_167 = arith.sitofp %broadcast_in_dim3A_67 : vector<512x1xi32> to vector<512x1xf32>
    %eq3A_168 = arith.constant 5 : i32
    %eq3A_169 = vector.broadcast %eq3A_168 : i32 to vector<512x128xi32>
    %eq3A_170 = arith.cmpi eq, %iota3A, %eq3A_169 : vector<512x128xi32>
    %convert_element_type3A_171 = arith.extui %eq3A_170 : vector<512x128xi1> to vector<512x128xi32>
    %convert_element_type3A_172 = arith.sitofp %convert_element_type3A_171 : vector<512x128xi32> to vector<512x128xf32>
    %mul3A_173 = vector.broadcast %convert_element_type3A_167 : vector<512x1xf32> to vector<512x128xf32>
    %mul3A_174 = arith.mulf %mul3A_173, %convert_element_type3A_172 : vector<512x128xf32>
    %add3A_175 = arith.addf %add3A_166, %mul3A_174 : vector<512x128xf32>
    %eq3A_176 = arith.constant 8 : i32
    %eq3A_177 = vector.broadcast %eq3A_176 : i32 to vector<512x128xi32>
    %eq3A_178 = arith.cmpi eq, %iota3A, %eq3A_177 : vector<512x128xi32>
    %convert_element_type3A_179 = arith.extui %eq3A_178 : vector<512x128xi1> to vector<512x128xi32>
    %convert_element_type3A_180 = arith.sitofp %convert_element_type3A_179 : vector<512x128xi32> to vector<512x128xf32>
    %mul3A_181 = vector.broadcast %broadcast_in_dim3A_158 : vector<512x1xf32> to vector<512x128xf32>
    %mul3A_182 = arith.mulf %mul3A_181, %convert_element_type3A_180 : vector<512x128xf32>
    %add3A_183 = arith.addf %add3A_175, %mul3A_182 : vector<512x128xf32>
    %add3A_184 = vector.broadcast %get3A_115 : vector<1x128xf32> to vector<512x128xf32>
    %add3A_185 = arith.addf %dot_general3A_112, %add3A_184 : vector<512x128xf32>
    %mul3A_186 = arith.mulf %add3A_185, %convert_element_type3A_91 : vector<512x128xf32>
    %reduce_sum3A_187 = arith.constant dense<0.000000e+00> : vector<512xf32>
    %reduce_sum3A_188 = vector.multi_reduction <add>, %mul3A_186, %reduce_sum3A_187 [1] : vector<512x128xf32> to vector<512xf32>
    %broadcast_in_dim3A_189 = vector.shape_cast %reduce_sum3A_188 : vector<512xf32> to vector<512x1xf32>
    %eq3A_190 = arith.constant 3 : i32
    %eq3A_191 = vector.broadcast %eq3A_190 : i32 to vector<512x128xi32>
    %eq3A_192 = arith.cmpi eq, %iota3A, %eq3A_191 : vector<512x128xi32>
    %convert_element_type3A_193 = arith.extui %eq3A_192 : vector<512x128xi1> to vector<512x128xi32>
    %convert_element_type3A_194 = arith.sitofp %convert_element_type3A_193 : vector<512x128xi32> to vector<512x128xf32>
    %mul3A_195 = vector.broadcast %div3A_104 : vector<512x1xf32> to vector<512x128xf32>
    %mul3A_196 = arith.mulf %mul3A_195, %convert_element_type3A_194 : vector<512x128xf32>
    %add3A_197 = arith.addf %add3A_183, %mul3A_196 : vector<512x128xf32>
    %convert_element_type3A_198 = arith.sitofp %broadcast_in_dim3A_87 : vector<512x1xi32> to vector<512x1xf32>
    %eq3A_199 = arith.constant 6 : i32
    %eq3A_200 = vector.broadcast %eq3A_199 : i32 to vector<512x128xi32>
    %eq3A_201 = arith.cmpi eq, %iota3A, %eq3A_200 : vector<512x128xi32>
    %convert_element_type3A_202 = arith.extui %eq3A_201 : vector<512x128xi1> to vector<512x128xi32>
    %convert_element_type3A_203 = arith.sitofp %convert_element_type3A_202 : vector<512x128xi32> to vector<512x128xf32>
    %mul3A_204 = vector.broadcast %convert_element_type3A_198 : vector<512x1xf32> to vector<512x128xf32>
    %mul3A_205 = arith.mulf %mul3A_204, %convert_element_type3A_203 : vector<512x128xf32>
    %add3A_206 = arith.addf %add3A_197, %mul3A_205 : vector<512x128xf32>
    %eq3A_207 = arith.constant 9 : i32
    %eq3A_208 = vector.broadcast %eq3A_207 : i32 to vector<512x128xi32>
    %eq3A_209 = arith.cmpi eq, %iota3A, %eq3A_208 : vector<512x128xi32>
    %convert_element_type3A_210 = arith.extui %eq3A_209 : vector<512x128xi1> to vector<512x128xi32>
    %convert_element_type3A_211 = arith.sitofp %convert_element_type3A_210 : vector<512x128xi32> to vector<512x128xf32>
    %mul3A_212 = vector.broadcast %broadcast_in_dim3A_189 : vector<512x1xf32> to vector<512x128xf32>
    %mul3A_213 = arith.mulf %mul3A_212, %convert_element_type3A_211 : vector<512x128xf32>
    %add3A_214 = arith.addf %add3A_206, %mul3A_213 : vector<512x128xf32>
    %swap3A_215 = arith.constant 0 : index
    %swap3A_216 = arith.constant 0 : index
    %swap3A_217 = vector.load %arg5[%swap3A_215, %swap3A_216] : memref<512x128xf32, #tpu.memory_space<vmem>>, vector<512x128xf32>
    tpu.vector_store %arg5[%swap3A_215, %swap3A_216], %add3A_214 {strides = array<i32>} : memref<512x128xf32, #tpu.memory_space<vmem>>, vector<512x128xf32>,
    %get3A_218 = arith.constant 0 : index
    %get3A_219 = arith.constant 0 : index
    %get3A_220 = vector.load %arg6[%get3A_218, %get3A_219] : memref<1x128xf32, #tpu.memory_space<vmem>>, vector<1x128xf32>
    %reduce_sum3A_221 = arith.constant dense<0.000000e+00> : vector<128xf32>
    %reduce_sum3A_222 = vector.multi_reduction <add>, %add3A_106, %reduce_sum3A_221 [0] : vector<512x128xf32> to vector<128xf32>
    %broadcast_in_dim3A_223 = vector.shape_cast %reduce_sum3A_222 : vector<128xf32> to vector<1x128xf32>
    %add3A_224 = arith.addf %get3A_220, %broadcast_in_dim3A_223 : vector<1x128xf32>
    %swap3A_225 = arith.constant 0 : index
    %swap3A_226 = arith.constant 0 : index
    %swap3A_227 = vector.load %arg6[%swap3A_225, %swap3A_226] : memref<1x128xf32, #tpu.memory_space<vmem>>, vector<1x128xf32>
    tpu.vector_store %arg6[%swap3A_225, %swap3A_226], %add3A_224 {strides = array<i32>} : memref<1x128xf32, #tpu.memory_space<vmem>>, vector<1x128xf32>,
    %get3A_228 = arith.constant 0 : index
    %get3A_229 = arith.constant 0 : index
    %get3A_230 = vector.load %arg7[%get3A_228, %get3A_229] : memref<1x128xf32, #tpu.memory_space<vmem>>, vector<1x128xf32>
    %mul3A_231 = vector.broadcast %div3A_102 : vector<512x1xf32> to vector<512x128xf32>
    %mul3A_232 = arith.mulf %mul3A_231, %convert_element_type3A_51 : vector<512x128xf32>
    %mul3A_233 = vector.broadcast %div3A_103 : vector<512x1xf32> to vector<512x128xf32>
    %mul3A_234 = arith.mulf %mul3A_233, %convert_element_type3A_71 : vector<512x128xf32>
    %add3A_235 = arith.addf %mul3A_232, %mul3A_234 : vector<512x128xf32>
    %mul3A_236 = vector.broadcast %div3A_104 : vector<512x1xf32> to vector<512x128xf32>
    %mul3A_237 = arith.mulf %mul3A_236, %convert_element_type3A_91 : vector<512x128xf32>
    %add3A_238 = arith.addf %add3A_235, %mul3A_237 : vector<512x128xf32>
    %reduce_sum3A_239 = arith.constant dense<0.000000e+00> : vector<128xf32>
    %reduce_sum3A_240 = vector.multi_reduction <add>, %add3A_238, %reduce_sum3A_239 [0] : vector<512x128xf32> to vector<128xf32>
    %broadcast_in_dim3A_241 = vector.shape_cast %reduce_sum3A_240 : vector<128xf32> to vector<1x128xf32>
    %add3A_242 = arith.addf %get3A_230, %broadcast_in_dim3A_241 : vector<1x128xf32>
    %swap3A_243 = arith.constant 0 : index
    %swap3A_244 = arith.constant 0 : index
    %swap3A_245 = vector.load %arg7[%swap3A_243, %swap3A_244] : memref<1x128xf32, #tpu.memory_space<vmem>>, vector<1x128xf32>
    tpu.vector_store %arg7[%swap3A_243, %swap3A_244], %add3A_242 {strides = array<i32>} : memref<1x128xf32, #tpu.memory_space<vmem>>, vector<1x128xf32>,
    return
  }
  func.func @transform_0(%arg0: i32) -> (i32, i32) {
    %c0_i32 = arith.constant 0 : i32
    %c0_i32_0 = arith.constant 0 : i32
    return %arg0, %c0_i32 : i32, i32
  }
  func.func @transform_1(%arg0: i32) -> (i32, i32) {
    %c0_i32 = arith.constant 0 : i32
    %c0_i32_0 = arith.constant 0 : i32
    %c0_i32_1 = arith.constant 0 : i32
    return %c0_i32, %c0_i32_0 : i32, i32
  }
  func.func @transform_2(%arg0: i32) -> (i32, i32) {
    %c0_i32 = arith.constant 0 : i32
    %c0_i32_0 = arith.constant 0 : i32
    %c0_i32_1 = arith.constant 0 : i32
    return %c0_i32, %c0_i32_0 : i32, i32
  }
  func.func @transform_3(%arg0: i32) -> (i32, i32) {
    %c0_i32 = arith.constant 0 : i32
    %c0_i32_0 = arith.constant 0 : i32
    return %arg0, %c0_i32 : i32, i32
  }
  func.func @transform_4(%arg0: i32) -> (i32, i32) {
    %c0_i32 = arith.constant 0 : i32
    %c0_i32_0 = arith.constant 0 : i32
    return %arg0, %c0_i32 : i32, i32
  }
  func.func @transform_5(%arg0: i32) -> (i32, i32) {
    %c0_i32 = arith.constant 0 : i32
    %c0_i32_0 = arith.constant 0 : i32
    %c0_i32_1 = arith.constant 0 : i32
    return %c0_i32, %c0_i32_0 : i32, i32
  }
  func.func @transform_6(%arg0: i32) -> (i32, i32) {
    %c0_i32 = arith.constant 0 : i32
    %c0_i32_0 = arith.constant 0 : i32
    %c0_i32_1 = arith.constant 0 : i32
    return %c0_i32, %c0_i32_0 : i32, i32
  }
}

module attributes {stable_mosaic.version = 14 : i64} {
  func.func @_ffn_kernel(%arg0: i32, %arg1: memref<2x44xi32, #tpu.memory_space<smem>>, %arg2: memref<192x1024xf32, #tpu.memory_space<vmem>>, %arg3: memref<1x1024x2816xf32, #tpu.memory_space<vmem>>, %arg4: memref<1x2816x1024xf32, #tpu.memory_space<vmem>>, %arg5: memref<1x1x5504xf32, #tpu.memory_space<vmem>>, %arg6: memref<1x1024x256xf32, #tpu.memory_space<vmem>>, %arg7: memref<1024x512xf32, #tpu.memory_space<vmem>>, %arg8: memref<1x512xf32, #tpu.memory_space<vmem>>, %arg9: memref<512x256xf32, #tpu.memory_space<vmem>>, %arg10: memref<1x256xf32, #tpu.memory_space<vmem>>, %arg11: memref<1024x512xf32, #tpu.memory_space<vmem>>, %arg12: memref<1x512xf32, #tpu.memory_space<vmem>>, %arg13: memref<512x256xf32, #tpu.memory_space<vmem>>, %arg14: memref<1x256xf32, #tpu.memory_space<vmem>>, %arg15: memref<1x256xf32, #tpu.memory_space<vmem>>, %arg16: memref<1024x1024xf32, #tpu.memory_space<vmem>>, %arg17: memref<1x1024xf32, #tpu.memory_space<vmem>>, %arg18: memref<1024x512xf32, #tpu.memory_space<vmem>>, %arg19: memref<1x512xf32, #tpu.memory_space<vmem>>, %arg20: memref<12xf32, #tpu.memory_space<smem>>, %arg21: memref<192x1024xf32, #tpu.memory_space<vmem>>, %arg22: memref<1x128xf32, #tpu.memory_space<vmem>>, %arg23: memref<1x1024xf32, #tpu.memory_space<vmem>>) attributes {dimension_semantics = [#tpu.dimension_semantics<arbitrary>], iteration_bounds = array<i64: 44>, scalar_prefetch = 1 : i64, scratch_operands = 0 : i64, tpu.core_type = #tpu.core_type<tc>, window_params = [{transform_indices = @transform_0, window_bounds = array<i64: 192, 1024>}, {transform_indices = @transform_1, window_bounds = array<i64: 1, 1024, 2816>}, {transform_indices = @transform_2, window_bounds = array<i64: 1, 2816, 1024>}, {transform_indices = @transform_3, window_bounds = array<i64: 1, 1, 5504>}, {transform_indices = @transform_4, window_bounds = array<i64: 1, 1024, 256>}, {pipeline_mode = #tpu.pipeline_mode<synchronous>, transform_indices = @transform_5, window_bounds = array<i64: 1024, 512>}, {pipeline_mode = #tpu.pipeline_mode<synchronous>, transform_indices = @transform_6, window_bounds = array<i64: 1, 512>}, {pipeline_mode = #tpu.pipeline_mode<synchronous>, transform_indices = @transform_7, window_bounds = array<i64: 512, 256>}, {pipeline_mode = #tpu.pipeline_mode<synchronous>, transform_indices = @transform_8, window_bounds = array<i64: 1, 256>}, {pipeline_mode = #tpu.pipeline_mode<synchronous>, transform_indices = @transform_9, window_bounds = array<i64: 1024, 512>}, {pipeline_mode = #tpu.pipeline_mode<synchronous>, transform_indices = @transform_10, window_bounds = array<i64: 1, 512>}, {pipeline_mode = #tpu.pipeline_mode<synchronous>, transform_indices = @transform_11, window_bounds = array<i64: 512, 256>}, {pipeline_mode = #tpu.pipeline_mode<synchronous>, transform_indices = @transform_12, window_bounds = array<i64: 1, 256>}, {pipeline_mode = #tpu.pipeline_mode<synchronous>, transform_indices = @transform_13, window_bounds = array<i64: 1, 256>}, {pipeline_mode = #tpu.pipeline_mode<synchronous>, transform_indices = @transform_14, window_bounds = array<i64: 1024, 1024>}, {pipeline_mode = #tpu.pipeline_mode<synchronous>, transform_indices = @transform_15, window_bounds = array<i64: 1, 1024>}, {pipeline_mode = #tpu.pipeline_mode<synchronous>, transform_indices = @transform_16, window_bounds = array<i64: 1024, 512>}, {pipeline_mode = #tpu.pipeline_mode<synchronous>, transform_indices = @transform_17, window_bounds = array<i64: 1, 512>}, {transform_indices = @transform_18, window_bounds = array<i64: 12>}, {transform_indices = @transform_19, window_bounds = array<i64: 192, 1024>}, {pipeline_mode = #tpu.pipeline_mode<synchronous>, transform_indices = @transform_20, window_bounds = array<i64: 1, 128>}, {pipeline_mode = #tpu.pipeline_mode<synchronous>, transform_indices = @transform_21, window_bounds = array<i64: 1, 1024>}]} {
    %get3A = arith.constant 0 : index
    %get3A_0 = arith.index_cast %arg0 : i32 to index
    %get3A_1 = memref.load %arg1[%get3A, %get3A_0] : memref<2x44xi32, #tpu.memory_space<smem>>
    %get3A_2 = arith.constant 1 : index
    %get3A_3 = arith.index_cast %arg0 : i32 to index
    %get3A_4 = memref.load %arg1[%get3A_2, %get3A_3] : memref<2x44xi32, #tpu.memory_space<smem>>
    %eq3A = arith.constant 0 : i32
    %eq3A_5 = arith.cmpi eq, %arg0, %eq3A : i32
    %convert_element_type3A = arith.extui %eq3A_5 : i1 to i32
    %cond3A = arith.constant 0 : i32
    %cond3A_6 = arith.cmpi ne, %convert_element_type3A, %cond3A : i32
    scf.if %cond3A_6 {
      %broadcast_in_dim3A = arith.constant 0.000000e+00 : f32
      %broadcast_in_dim3A_11 = vector.broadcast %broadcast_in_dim3A : f32 to vector<1x128xf32>
      %swap3A = arith.constant 0 : index
      %swap3A_12 = arith.constant 0 : index
      %swap3A_13 = vector.load %arg22[%swap3A, %swap3A_12] : memref<1x128xf32, #tpu.memory_space<vmem>>, vector<1x128xf32>
      tpu.vector_store %arg22[%swap3A, %swap3A_12], %broadcast_in_dim3A_11 {strides = array<i32>} : memref<1x128xf32, #tpu.memory_space<vmem>>, vector<1x128xf32>,
      %broadcast_in_dim3A_14 = arith.constant 0.000000e+00 : f32
      %broadcast_in_dim3A_15 = vector.broadcast %broadcast_in_dim3A_14 : f32 to vector<1x1024xf32>
      %swap3A_16 = arith.constant 0 : index
      %swap3A_17 = arith.constant 0 : index
      %swap3A_18 = vector.load %arg23[%swap3A_16, %swap3A_17] : memref<1x1024xf32, #tpu.memory_space<vmem>>, vector<1x1024xf32>
      tpu.vector_store %arg23[%swap3A_16, %swap3A_17], %broadcast_in_dim3A_15 {strides = array<i32>} : memref<1x1024xf32, #tpu.memory_space<vmem>>, vector<1x1024xf32>,
    } else {
    }
    %gt3A = arith.constant 0 : i32
    %gt3A_7 = arith.cmpi sgt, %get3A_4, %gt3A : i32
    %convert_element_type3A_8 = arith.extui %gt3A_7 : i1 to i32
    %cond3A_9 = arith.constant 0 : i32
    %cond3A_10 = arith.cmpi ne, %convert_element_type3A_8, %cond3A_9 : i32
    scf.if %cond3A_10 {
      %get3A_11 = arith.constant 0 : index
      %get3A_12 = arith.constant 0 : index
      %get3A_13 = arith.constant 0 : index
      %get3A_14 = vector.load %arg5[%get3A_11, %get3A_12, %get3A_13] : memref<1x1x5504xf32, #tpu.memory_space<vmem>>, vector<1x1x5504xf32>
      %get3A_15 = vector.shape_cast %get3A_14 : vector<1x1x5504xf32> to vector<1x5504xf32>
      %iota3A = tpu.iota {dimensions = array<i32: 0>} : vector<192x1xi32>
      %lt3A = vector.broadcast %get3A_4 : i32 to vector<192x1xi32>
      %lt3A_16 = arith.cmpi slt, %iota3A, %lt3A : vector<192x1xi32>
      %convert_element_type3A_17 = arith.extui %lt3A_16 : vector<192x1xi1> to vector<192x1xi32>
      %convert_element_type3A_18 = arith.sitofp %convert_element_type3A_17 : vector<192x1xi32> to vector<192x1xf32>
      %squeeze3A = vector.shape_cast %convert_element_type3A_18 : vector<192x1xf32> to vector<192xf32>
      %get3A_19 = arith.index_cast %get3A_1 : i32 to index
      %get3A_20 = memref.load %arg20[%get3A_19] : memref<12xf32, #tpu.memory_space<smem>>
      %mul3A = vector.broadcast %get3A_20 : f32 to vector<192xf32>
      %mul3A_21 = arith.mulf %mul3A, %squeeze3A : vector<192xf32>
      %gt3A_22 = arith.constant 0.000000e+00 : f32
      %gt3A_23 = vector.broadcast %gt3A_22 : f32 to vector<192x1xf32>
      %gt3A_24 = arith.cmpf ogt, %convert_element_type3A_18, %gt3A_23 : vector<192x1xf32>
      %get3A_25 = arith.constant 0 : index
      %get3A_26 = arith.constant 0 : index
      %get3A_27 = vector.load %arg2[%get3A_25, %get3A_26] : memref<192x1024xf32, #tpu.memory_space<vmem>>, vector<192x1024xf32>
      %jit3A = arith.constant 0.000000e+00 : f32
      %broadcast_in_dim3A = vector.shape_cast %gt3A_24 : vector<192x1xi1> to vector<192x1xi1>
      %broadcast_in_dim3A_28 = vector.broadcast %broadcast_in_dim3A : vector<192x1xi1> to vector<192x1024xi1>
      %broadcast_in_dim3A_29 = vector.broadcast %jit3A : f32 to vector<192x1024xf32>
      %select_n3A = arith.select %broadcast_in_dim3A_28, %get3A_27, %broadcast_in_dim3A_29 : vector<192x1024xi1>, vector<192x1024xf32>
      %slice3A = vector.extract_strided_slice %get3A_15 {offsets = [0, 2816], sizes = [1, 1024], strides = [1, 1]} : vector<1x5504xf32> to vector<1x1024xf32>
      %get3A_30 = arith.constant 0 : index
      %get3A_31 = arith.constant 0 : index
      %get3A_32 = arith.constant 0 : index
      %get3A_33 = vector.load %arg3[%get3A_30, %get3A_31, %get3A_32] : memref<1x1024x2816xf32, #tpu.memory_space<vmem>>, vector<1x1024x1408xf32>
      %get3A_34 = vector.shape_cast %get3A_33 : vector<1x1024x1408xf32> to vector<1024x1408xf32>
      %dot_general3A = arith.constant dense<0.000000e+00> : vector<192x1408xf32>
      %dot_general3A_35 = tpu.matmul %select_n3A, %get3A_34, %dot_general3A {dimension_numbers = #tpu.dot_dimension_numbers<[1], [0], [0], [1], [0, 0, 1, 1], [], []>, transpose_lhs_hint = false} : vector<192x1024xf32>, vector<1024x1408xf32>, vector<192x1408xf32> -> vector<192x1408xf32>
      %slice3A_36 = vector.extract_strided_slice %get3A_15 {offsets = [0, 0], sizes = [1, 1408], strides = [1, 1]} : vector<1x5504xf32> to vector<1x1408xf32>
      %add3A = vector.broadcast %slice3A_36 : vector<1x1408xf32> to vector<192x1408xf32>
      %add3A_37 = arith.addf %dot_general3A_35, %add3A : vector<192x1408xf32>
      %integer_pow3A = arith.mulf %add3A_37, %add3A_37 : vector<192x1408xf32>
      %integer_pow3A_38 = arith.mulf %add3A_37, %integer_pow3A : vector<192x1408xf32>
      %mul3A_39 = arith.constant 4.471500e-02 : f32
      %mul3A_40 = vector.broadcast %mul3A_39 : f32 to vector<192x1408xf32>
      %mul3A_41 = arith.mulf %mul3A_40, %integer_pow3A_38 : vector<192x1408xf32>
      %add3A_42 = arith.addf %add3A_37, %mul3A_41 : vector<192x1408xf32>
      %mul3A_43 = arith.constant 0.797884583 : f32
      %mul3A_44 = vector.broadcast %mul3A_43 : f32 to vector<192x1408xf32>
      %mul3A_45 = arith.mulf %mul3A_44, %add3A_42 : vector<192x1408xf32>
      %tanh3A = math.tanh %mul3A_45 : vector<192x1408xf32>
      %add3A_46 = arith.constant 1.000000e+00 : f32
      %add3A_47 = vector.broadcast %add3A_46 : f32 to vector<192x1408xf32>
      %add3A_48 = arith.addf %add3A_47, %tanh3A : vector<192x1408xf32>
      %mul3A_49 = arith.constant 5.000000e-01 : f32
      %mul3A_50 = vector.broadcast %mul3A_49 : f32 to vector<192x1408xf32>
      %mul3A_51 = arith.mulf %mul3A_50, %add3A_48 : vector<192x1408xf32>
      %mul3A_52 = arith.mulf %add3A_37, %mul3A_51 : vector<192x1408xf32>
      %get3A_53 = arith.constant 0 : index
      %get3A_54 = arith.constant 0 : index
      %get3A_55 = arith.constant 0 : index
      %get3A_56 = vector.load %arg4[%get3A_53, %get3A_54, %get3A_55] : memref<1x2816x1024xf32, #tpu.memory_space<vmem>>, vector<1x1408x1024xf32>
      %get3A_57 = vector.shape_cast %get3A_56 : vector<1x1408x1024xf32> to vector<1408x1024xf32>
      %dot_general3A_58 = arith.constant dense<0.000000e+00> : vector<192x1024xf32>
      %dot_general3A_59 = tpu.matmul %mul3A_52, %get3A_57, %dot_general3A_58 {dimension_numbers = #tpu.dot_dimension_numbers<[1], [0], [0], [1], [0, 0, 1, 1], [], []>, transpose_lhs_hint = false} : vector<192x1408xf32>, vector<1408x1024xf32>, vector<192x1024xf32> -> vector<192x1024xf32>
      %add3A_60 = vector.broadcast %slice3A : vector<1x1024xf32> to vector<192x1024xf32>
      %add3A_61 = arith.addf %add3A_60, %dot_general3A_59 : vector<192x1024xf32>
      %get3A_62 = arith.constant 0 : index
      %get3A_63 = arith.constant 0 : index
      %get3A_64 = arith.constant 1408 : index
      %get3A_65 = vector.load %arg3[%get3A_62, %get3A_63, %get3A_64] : memref<1x1024x2816xf32, #tpu.memory_space<vmem>>, vector<1x1024x1408xf32>
      %get3A_66 = vector.shape_cast %get3A_65 : vector<1x1024x1408xf32> to vector<1024x1408xf32>
      %dot_general3A_67 = arith.constant dense<0.000000e+00> : vector<192x1408xf32>
      %dot_general3A_68 = tpu.matmul %select_n3A, %get3A_66, %dot_general3A_67 {dimension_numbers = #tpu.dot_dimension_numbers<[1], [0], [0], [1], [0, 0, 1, 1], [], []>, transpose_lhs_hint = false} : vector<192x1024xf32>, vector<1024x1408xf32>, vector<192x1408xf32> -> vector<192x1408xf32>
      %slice3A_69 = vector.extract_strided_slice %get3A_15 {offsets = [0, 1408], sizes = [1, 1408], strides = [1, 1]} : vector<1x5504xf32> to vector<1x1408xf32>
      %add3A_70 = vector.broadcast %slice3A_69 : vector<1x1408xf32> to vector<192x1408xf32>
      %add3A_71 = arith.addf %dot_general3A_68, %add3A_70 : vector<192x1408xf32>
      %integer_pow3A_72 = arith.mulf %add3A_71, %add3A_71 : vector<192x1408xf32>
      %integer_pow3A_73 = arith.mulf %add3A_71, %integer_pow3A_72 : vector<192x1408xf32>
      %mul3A_74 = arith.constant 4.471500e-02 : f32
      %mul3A_75 = vector.broadcast %mul3A_74 : f32 to vector<192x1408xf32>
      %mul3A_76 = arith.mulf %mul3A_75, %integer_pow3A_73 : vector<192x1408xf32>
      %add3A_77 = arith.addf %add3A_71, %mul3A_76 : vector<192x1408xf32>
      %mul3A_78 = arith.constant 0.797884583 : f32
      %mul3A_79 = vector.broadcast %mul3A_78 : f32 to vector<192x1408xf32>
      %mul3A_80 = arith.mulf %mul3A_79, %add3A_77 : vector<192x1408xf32>
      %tanh3A_81 = math.tanh %mul3A_80 : vector<192x1408xf32>
      %add3A_82 = arith.constant 1.000000e+00 : f32
      %add3A_83 = vector.broadcast %add3A_82 : f32 to vector<192x1408xf32>
      %add3A_84 = arith.addf %add3A_83, %tanh3A_81 : vector<192x1408xf32>
      %mul3A_85 = arith.constant 5.000000e-01 : f32
      %mul3A_86 = vector.broadcast %mul3A_85 : f32 to vector<192x1408xf32>
      %mul3A_87 = arith.mulf %mul3A_86, %add3A_84 : vector<192x1408xf32>
      %mul3A_88 = arith.mulf %add3A_71, %mul3A_87 : vector<192x1408xf32>
      %get3A_89 = arith.constant 0 : index
      %get3A_90 = arith.constant 1408 : index
      %get3A_91 = arith.constant 0 : index
      %get3A_92 = vector.load %arg4[%get3A_89, %get3A_90, %get3A_91] : memref<1x2816x1024xf32, #tpu.memory_space<vmem>>, vector<1x1408x1024xf32>
      %get3A_93 = vector.shape_cast %get3A_92 : vector<1x1408x1024xf32> to vector<1408x1024xf32>
      %dot_general3A_94 = arith.constant dense<0.000000e+00> : vector<192x1024xf32>
      %dot_general3A_95 = tpu.matmul %mul3A_88, %get3A_93, %dot_general3A_94 {dimension_numbers = #tpu.dot_dimension_numbers<[1], [0], [0], [1], [0, 0, 1, 1], [], []>, transpose_lhs_hint = false} : vector<192x1408xf32>, vector<1408x1024xf32>, vector<192x1024xf32> -> vector<192x1024xf32>
      %add3A_96 = arith.addf %add3A_61, %dot_general3A_95 : vector<192x1024xf32>
      %broadcast_in_dim3A_97 = vector.shape_cast %mul3A_21 : vector<192xf32> to vector<192x1xf32>
      %mul3A_98 = vector.broadcast %broadcast_in_dim3A_97 : vector<192x1xf32> to vector<192x1024xf32>
      %mul3A_99 = arith.mulf %add3A_96, %mul3A_98 : vector<192x1024xf32>
      %swap3A = arith.constant 0 : index
      %swap3A_100 = arith.constant 0 : index
      %swap3A_101 = vector.load %arg21[%swap3A, %swap3A_100] : memref<192x1024xf32, #tpu.memory_space<vmem>>, vector<192x1024xf32>
      tpu.vector_store %arg21[%swap3A, %swap3A_100], %mul3A_99 {strides = array<i32>} : memref<192x1024xf32, #tpu.memory_space<vmem>>, vector<192x1024xf32>,
      %get3A_102 = arith.constant 0 : index
      %get3A_103 = arith.constant 0 : index
      %get3A_104 = vector.load %arg23[%get3A_102, %get3A_103] : memref<1x1024xf32, #tpu.memory_space<vmem>>, vector<1x1024xf32>
      %reduce_sum3A = arith.constant dense<0.000000e+00> : vector<1024xf32>
      %reduce_sum3A_105 = vector.multi_reduction <add>, %mul3A_99, %reduce_sum3A [0] : vector<192x1024xf32> to vector<1024xf32>
      %broadcast_in_dim3A_106 = vector.shape_cast %reduce_sum3A_105 : vector<1024xf32> to vector<1x1024xf32>
      %add3A_107 = arith.addf %get3A_104, %broadcast_in_dim3A_106 : vector<1x1024xf32>
      %swap3A_108 = arith.constant 0 : index
      %swap3A_109 = arith.constant 0 : index
      %swap3A_110 = vector.load %arg23[%swap3A_108, %swap3A_109] : memref<1x1024xf32, #tpu.memory_space<vmem>>, vector<1x1024xf32>
      tpu.vector_store %arg23[%swap3A_108, %swap3A_109], %add3A_107 {strides = array<i32>} : memref<1x1024xf32, #tpu.memory_space<vmem>>, vector<1x1024xf32>,
      %iota3A_111 = tpu.iota {dimensions = array<i32: 1>} : vector<1x128xi32>
      %slice3A_112 = vector.extract_strided_slice %get3A_15 {offsets = [0, 3840], sizes = [1, 1024], strides = [1, 1]} : vector<1x5504xf32> to vector<1x1024xf32>
      %mul3A_113 = vector.broadcast %slice3A_112 : vector<1x1024xf32> to vector<192x1024xf32>
      %mul3A_114 = arith.mulf %add3A_96, %mul3A_113 : vector<192x1024xf32>
      %reduce_sum3A_115 = arith.constant dense<0.000000e+00> : vector<192xf32>
      %reduce_sum3A_116 = vector.multi_reduction <add>, %mul3A_114, %reduce_sum3A_115 [1] : vector<192x1024xf32> to vector<192xf32>
      %get3A_117 = arith.constant 0 : index
      %get3A_118 = arith.constant 0 : index
      %get3A_119 = arith.constant 5376 : index
      %get3A_120 = vector.load %arg5[%get3A_117, %get3A_118, %get3A_119] : memref<1x1x5504xf32, #tpu.memory_space<vmem>>, vector<1x1x1xf32>
      %get3A_121 = vector.extract %get3A_120[0, 0, 0] : f32 from vector<1x1x1xf32>
      %add3A_122 = vector.broadcast %get3A_121 : f32 to vector<192xf32>
      %add3A_123 = arith.addf %reduce_sum3A_116, %add3A_122 : vector<192xf32>
      %logistic3A = arith.negf %add3A_123 : vector<192xf32>
      %logistic3A_124 = math.exp %logistic3A : vector<192xf32>
      %logistic3A_125 = arith.constant 1.000000e+00 : f32
      %logistic3A_126 = vector.broadcast %logistic3A_125 : f32 to vector<192xf32>
      %logistic3A_127 = arith.addf %logistic3A_126, %logistic3A_124 : vector<192xf32>
      %logistic3A_128 = arith.divf %logistic3A_126, %logistic3A_127 : vector<192xf32>
      %get3A_129 = arith.constant 0 : index
      %get3A_130 = arith.constant 0 : index
      %get3A_131 = arith.constant 0 : index
      %get3A_132 = vector.load %arg6[%get3A_129, %get3A_130, %get3A_131] : memref<1x1024x256xf32, #tpu.memory_space<vmem>>, vector<1x1024x256xf32>
      %get3A_133 = vector.shape_cast %get3A_132 : vector<1x1024x256xf32> to vector<1024x256xf32>
      %dot_general3A_134 = arith.constant dense<0.000000e+00> : vector<192x256xf32>
      %dot_general3A_135 = tpu.matmul %add3A_96, %get3A_133, %dot_general3A_134 {dimension_numbers = #tpu.dot_dimension_numbers<[1], [0], [0], [1], [0, 0, 1, 1], [], []>, transpose_lhs_hint = false} : vector<192x1024xf32>, vector<1024x256xf32>, vector<192x256xf32> -> vector<192x256xf32>
      %slice3A_136 = vector.extract_strided_slice %get3A_15 {offsets = [0, 4864], sizes = [1, 256], strides = [1, 1]} : vector<1x5504xf32> to vector<1x256xf32>
      %add3A_137 = vector.broadcast %slice3A_136 : vector<1x256xf32> to vector<192x256xf32>
      %add3A_138 = arith.addf %dot_general3A_135, %add3A_137 : vector<192x256xf32>
      %max3A = arith.constant 0.000000e+00 : f32
      %max3A_139 = vector.broadcast %max3A : f32 to vector<192x256xf32>
      %max3A_140 = arith.maximumf %add3A_138, %max3A_139 : vector<192x256xf32>
      %slice3A_141 = vector.extract_strided_slice %get3A_15 {offsets = [0, 5120], sizes = [1, 256], strides = [1, 1]} : vector<1x5504xf32> to vector<1x256xf32>
      %mul3A_142 = vector.broadcast %slice3A_141 : vector<1x256xf32> to vector<192x256xf32>
      %mul3A_143 = arith.mulf %max3A_140, %mul3A_142 : vector<192x256xf32>
      %reduce_sum3A_144 = arith.constant dense<0.000000e+00> : vector<192xf32>
      %reduce_sum3A_145 = vector.multi_reduction <add>, %mul3A_143, %reduce_sum3A_144 [1] : vector<192x256xf32> to vector<192xf32>
      %get3A_146 = arith.constant 0 : index
      %get3A_147 = arith.constant 0 : index
      %get3A_148 = arith.constant 5377 : index
      %get3A_149 = vector.load %arg5[%get3A_146, %get3A_147, %get3A_148] : memref<1x1x5504xf32, #tpu.memory_space<vmem>>, vector<1x1x1xf32>
      %get3A_150 = vector.extract %get3A_149[0, 0, 0] : f32 from vector<1x1x1xf32>
      %add3A_151 = vector.broadcast %get3A_150 : f32 to vector<192xf32>
      %add3A_152 = arith.addf %reduce_sum3A_145, %add3A_151 : vector<192xf32>
      %logistic3A_153 = arith.negf %add3A_152 : vector<192xf32>
      %logistic3A_154 = math.exp %logistic3A_153 : vector<192xf32>
      %logistic3A_155 = arith.constant 1.000000e+00 : f32
      %logistic3A_156 = vector.broadcast %logistic3A_155 : f32 to vector<192xf32>
      %logistic3A_157 = arith.addf %logistic3A_156, %logistic3A_154 : vector<192xf32>
      %logistic3A_158 = arith.divf %logistic3A_156, %logistic3A_157 : vector<192xf32>
      %get3A_159 = arith.constant 0 : index
      %get3A_160 = arith.constant 0 : index
      %get3A_161 = vector.load %arg22[%get3A_159, %get3A_160] : memref<1x128xf32, #tpu.memory_space<vmem>>, vector<1x128xf32>
      %eq3A_162 = arith.constant 0 : i32
      %eq3A_163 = vector.broadcast %eq3A_162 : i32 to vector<1x128xi32>
      %eq3A_164 = arith.cmpi eq, %iota3A_111, %eq3A_163 : vector<1x128xi32>
      %mul3A_165 = arith.mulf %logistic3A_128, %squeeze3A : vector<192xf32>
      %reduce_sum3A_166 = vector.shape_cast %mul3A_165 : vector<192xf32> to vector<1x192xf32>
      %reduce_sum3A_167 = arith.constant dense<0.000000e+00> : vector<1xf32>
      %reduce_sum3A_168 = vector.multi_reduction <add>, %reduce_sum3A_166, %reduce_sum3A_167 [1] : vector<1x192xf32> to vector<1xf32>
      %reduce_sum3A_169 = vector.shape_cast %reduce_sum3A_168 : vector<1xf32> to vector<1x1xf32>
      %reduce_sum3A_170 = vector.extract %reduce_sum3A_169[0, 0] : f32 from vector<1x1xf32>
      %jit3A_171 = arith.constant 0.000000e+00 : f32
      %broadcast_in_dim3A_172 = vector.broadcast %reduce_sum3A_170 : f32 to vector<1x128xf32>
      %broadcast_in_dim3A_173 = vector.broadcast %jit3A_171 : f32 to vector<1x128xf32>
      %select_n3A_174 = arith.select %eq3A_164, %broadcast_in_dim3A_172, %broadcast_in_dim3A_173 : vector<1x128xi1>, vector<1x128xf32>
      %eq3A_175 = arith.constant 1 : i32
      %eq3A_176 = vector.broadcast %eq3A_175 : i32 to vector<1x128xi32>
      %eq3A_177 = arith.cmpi eq, %iota3A_111, %eq3A_176 : vector<1x128xi32>
      %mul3A_178 = arith.mulf %logistic3A_158, %squeeze3A : vector<192xf32>
      %reduce_sum3A_179 = vector.shape_cast %mul3A_178 : vector<192xf32> to vector<1x192xf32>
      %reduce_sum3A_180 = arith.constant dense<0.000000e+00> : vector<1xf32>
      %reduce_sum3A_181 = vector.multi_reduction <add>, %reduce_sum3A_179, %reduce_sum3A_180 [1] : vector<1x192xf32> to vector<1xf32>
      %reduce_sum3A_182 = vector.shape_cast %reduce_sum3A_181 : vector<1xf32> to vector<1x1xf32>
      %reduce_sum3A_183 = vector.extract %reduce_sum3A_182[0, 0] : f32 from vector<1x1xf32>
      %jit3A_184 = arith.constant 0.000000e+00 : f32
      %broadcast_in_dim3A_185 = vector.broadcast %reduce_sum3A_183 : f32 to vector<1x128xf32>
      %broadcast_in_dim3A_186 = vector.broadcast %jit3A_184 : f32 to vector<1x128xf32>
      %select_n3A_187 = arith.select %eq3A_177, %broadcast_in_dim3A_185, %broadcast_in_dim3A_186 : vector<1x128xi1>, vector<1x128xf32>
      %add3A_188 = arith.addf %select_n3A_174, %select_n3A_187 : vector<1x128xf32>
      %add3A_189 = arith.addf %get3A_161, %add3A_188 : vector<1x128xf32>
      %swap3A_190 = arith.constant 0 : index
      %swap3A_191 = arith.constant 0 : index
      %swap3A_192 = vector.load %arg22[%swap3A_190, %swap3A_191] : memref<1x128xf32, #tpu.memory_space<vmem>>, vector<1x128xf32>
      tpu.vector_store %arg22[%swap3A_190, %swap3A_191], %add3A_189 {strides = array<i32>} : memref<1x128xf32, #tpu.memory_space<vmem>>, vector<1x128xf32>,
      %eq3A_193 = arith.constant 1 : i32
      %eq3A_194 = arith.cmpi eq, %get3A_1, %eq3A_193 : i32
      %convert_element_type3A_195 = arith.extui %eq3A_194 : i1 to i32
      %cond3A_196 = arith.constant 0 : i32
      %cond3A_197 = arith.cmpi ne, %convert_element_type3A_195, %cond3A_196 : i32
      scf.if %cond3A_197 {
        %get3A_208 = arith.constant 0 : index
        %get3A_209 = arith.constant 0 : index
        %get3A_210 = vector.load %arg7[%get3A_208, %get3A_209] : memref<1024x512xf32, #tpu.memory_space<vmem>>, vector<1024x512xf32>
        %dot_general3A_211 = arith.constant dense<0.000000e+00> : vector<192x512xf32>
        %dot_general3A_212 = tpu.matmul %add3A_96, %get3A_210, %dot_general3A_211 {dimension_numbers = #tpu.dot_dimension_numbers<[1], [0], [0], [1], [0, 0, 1, 1], [], []>, transpose_lhs_hint = false} : vector<192x1024xf32>, vector<1024x512xf32>, vector<192x512xf32> -> vector<192x512xf32>
        %get3A_213 = arith.constant 0 : index
        %get3A_214 = arith.constant 0 : index
        %get3A_215 = vector.load %arg8[%get3A_213, %get3A_214] : memref<1x512xf32, #tpu.memory_space<vmem>>, vector<1x512xf32>
        %add3A_216 = vector.broadcast %get3A_215 : vector<1x512xf32> to vector<192x512xf32>
        %add3A_217 = arith.addf %dot_general3A_212, %add3A_216 : vector<192x512xf32>
        %max3A_218 = arith.constant 0.000000e+00 : f32
        %max3A_219 = vector.broadcast %max3A_218 : f32 to vector<192x512xf32>
        %max3A_220 = arith.maximumf %add3A_217, %max3A_219 : vector<192x512xf32>
        %get3A_221 = arith.constant 0 : index
        %get3A_222 = arith.constant 0 : index
        %get3A_223 = vector.load %arg9[%get3A_221, %get3A_222] : memref<512x256xf32, #tpu.memory_space<vmem>>, vector<512x128xf32>
        %dot_general3A_224 = arith.constant dense<0.000000e+00> : vector<192x128xf32>
        %dot_general3A_225 = tpu.matmul %max3A_220, %get3A_223, %dot_general3A_224 {dimension_numbers = #tpu.dot_dimension_numbers<[1], [0], [0], [1], [0, 0, 1, 1], [], []>, transpose_lhs_hint = false} : vector<192x512xf32>, vector<512x128xf32>, vector<192x128xf32> -> vector<192x128xf32>
        %get3A_226 = arith.constant 0 : index
        %get3A_227 = arith.constant 0 : index
        %get3A_228 = vector.load %arg10[%get3A_226, %get3A_227] : memref<1x256xf32, #tpu.memory_space<vmem>>, vector<1x128xf32>
        %add3A_229 = vector.broadcast %get3A_228 : vector<1x128xf32> to vector<192x128xf32>
        %add3A_230 = arith.addf %dot_general3A_225, %add3A_229 : vector<192x128xf32>
        %reduce_max3A = arith.constant dense<0xFF800000> : vector<192xf32>
        %reduce_max3A_231 = vector.multi_reduction <maximumf>, %add3A_230, %reduce_max3A [1] : vector<192x128xf32> to vector<192xf32>
        %max3A_232 = arith.constant 0xFF800000 : f32
        %max3A_233 = vector.broadcast %max3A_232 : f32 to vector<192xf32>
        %max3A_234 = arith.maximumf %max3A_233, %reduce_max3A_231 : vector<192xf32>
        %broadcast_in_dim3A_235 = vector.shape_cast %max3A_234 : vector<192xf32> to vector<192x1xf32>
        %sub3A = vector.broadcast %broadcast_in_dim3A_235 : vector<192x1xf32> to vector<192x128xf32>
        %sub3A_236 = arith.subf %add3A_230, %sub3A : vector<192x128xf32>
        %exp3A = math.exp %sub3A_236 : vector<192x128xf32>
        %reduce_sum3A_237 = arith.constant dense<0.000000e+00> : vector<192xf32>
        %reduce_sum3A_238 = vector.multi_reduction <add>, %exp3A, %reduce_sum3A_237 [1] : vector<192x128xf32> to vector<192xf32>
        %broadcast_in_dim3A_239 = vector.shape_cast %reduce_sum3A_238 : vector<192xf32> to vector<192x1xf32>
        %div3A = vector.broadcast %broadcast_in_dim3A_239 : vector<192x1xf32> to vector<192x128xf32>
        %div3A_240 = arith.divf %exp3A, %div3A : vector<192x128xf32>
        %get3A_241 = arith.constant 0 : index
        %get3A_242 = arith.constant 0 : index
        %get3A_243 = vector.load %arg22[%get3A_241, %get3A_242] : memref<1x128xf32, #tpu.memory_space<vmem>>, vector<1x128xf32>
        %eq3A_244 = arith.constant 2 : i32
        %eq3A_245 = vector.broadcast %eq3A_244 : i32 to vector<1x128xi32>
        %eq3A_246 = arith.cmpi eq, %iota3A_111, %eq3A_245 : vector<1x128xi32>
        %mul3A_247 = vector.broadcast %convert_element_type3A_18 : vector<192x1xf32> to vector<192x128xf32>
        %mul3A_248 = arith.mulf %div3A_240, %mul3A_247 : vector<192x128xf32>
        %reduce_sum3A_249 = vector.shape_cast %mul3A_248 : vector<192x128xf32> to vector<1x192x128xf32>
        %reduce_sum3A_250 = arith.constant dense<0.000000e+00> : vector<1xf32>
        %reduce_sum3A_251 = vector.multi_reduction <add>, %reduce_sum3A_249, %reduce_sum3A_250 [1, 2] : vector<1x192x128xf32> to vector<1xf32>
        %reduce_sum3A_252 = vector.shape_cast %reduce_sum3A_251 : vector<1xf32> to vector<1x1x1xf32>
        %reduce_sum3A_253 = vector.extract %reduce_sum3A_252[0, 0, 0] : f32 from vector<1x1x1xf32>
        %jit3A_254 = arith.constant 0.000000e+00 : f32
        %broadcast_in_dim3A_255 = vector.broadcast %reduce_sum3A_253 : f32 to vector<1x128xf32>
        %broadcast_in_dim3A_256 = vector.broadcast %jit3A_254 : f32 to vector<1x128xf32>
        %select_n3A_257 = arith.select %eq3A_246, %broadcast_in_dim3A_255, %broadcast_in_dim3A_256 : vector<1x128xi1>, vector<1x128xf32>
        %add3A_258 = arith.addf %get3A_243, %select_n3A_257 : vector<1x128xf32>
        %swap3A_259 = arith.constant 0 : index
        %swap3A_260 = arith.constant 0 : index
        %swap3A_261 = vector.load %arg22[%swap3A_259, %swap3A_260] : memref<1x128xf32, #tpu.memory_space<vmem>>, vector<1x128xf32>
        tpu.vector_store %arg22[%swap3A_259, %swap3A_260], %add3A_258 {strides = array<i32>} : memref<1x128xf32, #tpu.memory_space<vmem>>, vector<1x128xf32>,
      } else {
      }
      %eq3A_198 = arith.constant 7 : i32
      %eq3A_199 = arith.cmpi eq, %get3A_1, %eq3A_198 : i32
      %convert_element_type3A_200 = arith.extui %eq3A_199 : i1 to i32
      %cond3A_201 = arith.constant 0 : i32
      %cond3A_202 = arith.cmpi ne, %convert_element_type3A_200, %cond3A_201 : i32
      scf.if %cond3A_202 {
        %get3A_208 = arith.constant 0 : index
        %get3A_209 = arith.constant 0 : index
        %get3A_210 = vector.load %arg11[%get3A_208, %get3A_209] : memref<1024x512xf32, #tpu.memory_space<vmem>>, vector<1024x512xf32>
        %dot_general3A_211 = arith.constant dense<0.000000e+00> : vector<192x512xf32>
        %dot_general3A_212 = tpu.matmul %add3A_96, %get3A_210, %dot_general3A_211 {dimension_numbers = #tpu.dot_dimension_numbers<[1], [0], [0], [1], [0, 0, 1, 1], [], []>, transpose_lhs_hint = false} : vector<192x1024xf32>, vector<1024x512xf32>, vector<192x512xf32> -> vector<192x512xf32>
        %get3A_213 = arith.constant 0 : index
        %get3A_214 = arith.constant 0 : index
        %get3A_215 = vector.load %arg12[%get3A_213, %get3A_214] : memref<1x512xf32, #tpu.memory_space<vmem>>, vector<1x512xf32>
        %add3A_216 = vector.broadcast %get3A_215 : vector<1x512xf32> to vector<192x512xf32>
        %add3A_217 = arith.addf %dot_general3A_212, %add3A_216 : vector<192x512xf32>
        %max3A_218 = arith.constant 0.000000e+00 : f32
        %max3A_219 = vector.broadcast %max3A_218 : f32 to vector<192x512xf32>
        %max3A_220 = arith.maximumf %add3A_217, %max3A_219 : vector<192x512xf32>
        %get3A_221 = arith.constant 0 : index
        %get3A_222 = arith.constant 0 : index
        %get3A_223 = vector.load %arg13[%get3A_221, %get3A_222] : memref<512x256xf32, #tpu.memory_space<vmem>>, vector<512x256xf32>
        %dot_general3A_224 = arith.constant dense<0.000000e+00> : vector<192x256xf32>
        %dot_general3A_225 = tpu.matmul %max3A_220, %get3A_223, %dot_general3A_224 {dimension_numbers = #tpu.dot_dimension_numbers<[1], [0], [0], [1], [0, 0, 1, 1], [], []>, transpose_lhs_hint = false} : vector<192x512xf32>, vector<512x256xf32>, vector<192x256xf32> -> vector<192x256xf32>
        %get3A_226 = arith.constant 0 : index
        %get3A_227 = arith.constant 0 : index
        %get3A_228 = vector.load %arg14[%get3A_226, %get3A_227] : memref<1x256xf32, #tpu.memory_space<vmem>>, vector<1x256xf32>
        %add3A_229 = vector.broadcast %get3A_228 : vector<1x256xf32> to vector<192x256xf32>
        %add3A_230 = arith.addf %dot_general3A_225, %add3A_229 : vector<192x256xf32>
        %max3A_231 = arith.constant 0.000000e+00 : f32
        %max3A_232 = vector.broadcast %max3A_231 : f32 to vector<192x256xf32>
        %max3A_233 = arith.maximumf %add3A_230, %max3A_232 : vector<192x256xf32>
        %get3A_234 = arith.constant 0 : index
        %get3A_235 = arith.constant 0 : index
        %get3A_236 = vector.load %arg15[%get3A_234, %get3A_235] : memref<1x256xf32, #tpu.memory_space<vmem>>, vector<1x256xf32>
        %mul3A_237 = vector.broadcast %get3A_236 : vector<1x256xf32> to vector<192x256xf32>
        %mul3A_238 = arith.mulf %max3A_233, %mul3A_237 : vector<192x256xf32>
        %reduce_sum3A_239 = arith.constant dense<0.000000e+00> : vector<192xf32>
        %reduce_sum3A_240 = vector.multi_reduction <add>, %mul3A_238, %reduce_sum3A_239 [1] : vector<192x256xf32> to vector<192xf32>
        %get3A_241 = arith.constant 0 : index
        %get3A_242 = arith.constant 0 : index
        %get3A_243 = arith.constant 5378 : index
        %get3A_244 = vector.load %arg5[%get3A_241, %get3A_242, %get3A_243] : memref<1x1x5504xf32, #tpu.memory_space<vmem>>, vector<1x1x1xf32>
        %get3A_245 = vector.extract %get3A_244[0, 0, 0] : f32 from vector<1x1x1xf32>
        %add3A_246 = vector.broadcast %get3A_245 : f32 to vector<192xf32>
        %add3A_247 = arith.addf %reduce_sum3A_240, %add3A_246 : vector<192xf32>
        %logistic3A_248 = arith.negf %add3A_247 : vector<192xf32>
        %logistic3A_249 = math.exp %logistic3A_248 : vector<192xf32>
        %logistic3A_250 = arith.constant 1.000000e+00 : f32
        %logistic3A_251 = vector.broadcast %logistic3A_250 : f32 to vector<192xf32>
        %logistic3A_252 = arith.addf %logistic3A_251, %logistic3A_249 : vector<192xf32>
        %logistic3A_253 = arith.divf %logistic3A_251, %logistic3A_252 : vector<192xf32>
        %get3A_254 = arith.constant 0 : index
        %get3A_255 = arith.constant 0 : index
        %get3A_256 = vector.load %arg22[%get3A_254, %get3A_255] : memref<1x128xf32, #tpu.memory_space<vmem>>, vector<1x128xf32>
        %eq3A_257 = arith.constant 3 : i32
        %eq3A_258 = vector.broadcast %eq3A_257 : i32 to vector<1x128xi32>
        %eq3A_259 = arith.cmpi eq, %iota3A_111, %eq3A_258 : vector<1x128xi32>
        %mul3A_260 = arith.mulf %logistic3A_253, %squeeze3A : vector<192xf32>
        %reduce_sum3A_261 = vector.shape_cast %mul3A_260 : vector<192xf32> to vector<1x192xf32>
        %reduce_sum3A_262 = arith.constant dense<0.000000e+00> : vector<1xf32>
        %reduce_sum3A_263 = vector.multi_reduction <add>, %reduce_sum3A_261, %reduce_sum3A_262 [1] : vector<1x192xf32> to vector<1xf32>
        %reduce_sum3A_264 = vector.shape_cast %reduce_sum3A_263 : vector<1xf32> to vector<1x1xf32>
        %reduce_sum3A_265 = vector.extract %reduce_sum3A_264[0, 0] : f32 from vector<1x1xf32>
        %jit3A_266 = arith.constant 0.000000e+00 : f32
        %broadcast_in_dim3A_267 = vector.broadcast %reduce_sum3A_265 : f32 to vector<1x128xf32>
        %broadcast_in_dim3A_268 = vector.broadcast %jit3A_266 : f32 to vector<1x128xf32>
        %select_n3A_269 = arith.select %eq3A_259, %broadcast_in_dim3A_267, %broadcast_in_dim3A_268 : vector<1x128xi1>, vector<1x128xf32>
        %add3A_270 = arith.addf %get3A_256, %select_n3A_269 : vector<1x128xf32>
        %swap3A_271 = arith.constant 0 : index
        %swap3A_272 = arith.constant 0 : index
        %swap3A_273 = vector.load %arg22[%swap3A_271, %swap3A_272] : memref<1x128xf32, #tpu.memory_space<vmem>>, vector<1x128xf32>
        tpu.vector_store %arg22[%swap3A_271, %swap3A_272], %add3A_270 {strides = array<i32>} : memref<1x128xf32, #tpu.memory_space<vmem>>, vector<1x128xf32>,
      } else {
      }
      %eq3A_203 = arith.constant 11 : i32
      %eq3A_204 = arith.cmpi eq, %get3A_1, %eq3A_203 : i32
      %convert_element_type3A_205 = arith.extui %eq3A_204 : i1 to i32
      %cond3A_206 = arith.constant 0 : i32
      %cond3A_207 = arith.cmpi ne, %convert_element_type3A_205, %cond3A_206 : i32
      scf.if %cond3A_207 {
        %get3A_208 = arith.constant 0 : index
        %get3A_209 = arith.constant 0 : index
        %get3A_210 = vector.load %arg16[%get3A_208, %get3A_209] : memref<1024x1024xf32, #tpu.memory_space<vmem>>, vector<1024x1024xf32>
        %dot_general3A_211 = arith.constant dense<0.000000e+00> : vector<192x1024xf32>
        %dot_general3A_212 = tpu.matmul %add3A_96, %get3A_210, %dot_general3A_211 {dimension_numbers = #tpu.dot_dimension_numbers<[1], [0], [0], [1], [0, 0, 1, 1], [], []>, transpose_lhs_hint = false} : vector<192x1024xf32>, vector<1024x1024xf32>, vector<192x1024xf32> -> vector<192x1024xf32>
        %get3A_213 = arith.constant 0 : index
        %get3A_214 = arith.constant 0 : index
        %get3A_215 = vector.load %arg17[%get3A_213, %get3A_214] : memref<1x1024xf32, #tpu.memory_space<vmem>>, vector<1x1024xf32>
        %add3A_216 = vector.broadcast %get3A_215 : vector<1x1024xf32> to vector<192x1024xf32>
        %add3A_217 = arith.addf %dot_general3A_212, %add3A_216 : vector<192x1024xf32>
        %max3A_218 = arith.constant 0.000000e+00 : f32
        %max3A_219 = vector.broadcast %max3A_218 : f32 to vector<192x1024xf32>
        %max3A_220 = arith.maximumf %add3A_217, %max3A_219 : vector<192x1024xf32>
        %get3A_221 = arith.constant 0 : index
        %get3A_222 = arith.constant 0 : index
        %get3A_223 = vector.load %arg18[%get3A_221, %get3A_222] : memref<1024x512xf32, #tpu.memory_space<vmem>>, vector<1024x512xf32>
        %dot_general3A_224 = arith.constant dense<0.000000e+00> : vector<192x512xf32>
        %dot_general3A_225 = tpu.matmul %max3A_220, %get3A_223, %dot_general3A_224 {dimension_numbers = #tpu.dot_dimension_numbers<[1], [0], [0], [1], [0, 0, 1, 1], [], []>, transpose_lhs_hint = false} : vector<192x1024xf32>, vector<1024x512xf32>, vector<192x512xf32> -> vector<192x512xf32>
        %get3A_226 = arith.constant 0 : index
        %get3A_227 = arith.constant 0 : index
        %get3A_228 = vector.load %arg19[%get3A_226, %get3A_227] : memref<1x512xf32, #tpu.memory_space<vmem>>, vector<1x512xf32>
        %add3A_229 = vector.broadcast %get3A_228 : vector<1x512xf32> to vector<192x512xf32>
        %add3A_230 = arith.addf %dot_general3A_225, %add3A_229 : vector<192x512xf32>
        %max3A_231 = arith.constant 0.000000e+00 : f32
        %max3A_232 = vector.broadcast %max3A_231 : f32 to vector<192x512xf32>
        %max3A_233 = arith.maximumf %add3A_230, %max3A_232 : vector<192x512xf32>
        %get3A_234 = arith.constant 0 : index
        %get3A_235 = arith.constant 128 : index
        %get3A_236 = vector.load %arg9[%get3A_234, %get3A_235] : memref<512x256xf32, #tpu.memory_space<vmem>>, vector<512x128xf32>
        %dot_general3A_237 = arith.constant dense<0.000000e+00> : vector<192x128xf32>
        %dot_general3A_238 = tpu.matmul %max3A_233, %get3A_236, %dot_general3A_237 {dimension_numbers = #tpu.dot_dimension_numbers<[1], [0], [0], [1], [0, 0, 1, 1], [], []>, transpose_lhs_hint = false} : vector<192x512xf32>, vector<512x128xf32>, vector<192x128xf32> -> vector<192x128xf32>
        %get3A_239 = arith.constant 0 : index
        %get3A_240 = arith.constant 128 : index
        %get3A_241 = vector.load %arg10[%get3A_239, %get3A_240] : memref<1x256xf32, #tpu.memory_space<vmem>>, vector<1x128xf32>
        %add3A_242 = vector.broadcast %get3A_241 : vector<1x128xf32> to vector<192x128xf32>
        %add3A_243 = arith.addf %dot_general3A_238, %add3A_242 : vector<192x128xf32>
        %logistic3A_244 = arith.negf %add3A_243 : vector<192x128xf32>
        %logistic3A_245 = math.exp %logistic3A_244 : vector<192x128xf32>
        %logistic3A_246 = arith.constant 1.000000e+00 : f32
        %logistic3A_247 = vector.broadcast %logistic3A_246 : f32 to vector<192x128xf32>
        %logistic3A_248 = arith.addf %logistic3A_247, %logistic3A_245 : vector<192x128xf32>
        %logistic3A_249 = arith.divf %logistic3A_247, %logistic3A_248 : vector<192x128xf32>
        %get3A_250 = arith.constant 0 : index
        %get3A_251 = arith.constant 0 : index
        %get3A_252 = vector.load %arg22[%get3A_250, %get3A_251] : memref<1x128xf32, #tpu.memory_space<vmem>>, vector<1x128xf32>
        %eq3A_253 = arith.constant 4 : i32
        %eq3A_254 = vector.broadcast %eq3A_253 : i32 to vector<1x128xi32>
        %eq3A_255 = arith.cmpi eq, %iota3A_111, %eq3A_254 : vector<1x128xi32>
        %mul3A_256 = vector.broadcast %convert_element_type3A_18 : vector<192x1xf32> to vector<192x128xf32>
        %mul3A_257 = arith.mulf %logistic3A_249, %mul3A_256 : vector<192x128xf32>
        %reduce_sum3A_258 = vector.shape_cast %mul3A_257 : vector<192x128xf32> to vector<1x192x128xf32>
        %reduce_sum3A_259 = arith.constant dense<0.000000e+00> : vector<1xf32>
        %reduce_sum3A_260 = vector.multi_reduction <add>, %reduce_sum3A_258, %reduce_sum3A_259 [1, 2] : vector<1x192x128xf32> to vector<1xf32>
        %reduce_sum3A_261 = vector.shape_cast %reduce_sum3A_260 : vector<1xf32> to vector<1x1x1xf32>
        %reduce_sum3A_262 = vector.extract %reduce_sum3A_261[0, 0, 0] : f32 from vector<1x1x1xf32>
        %jit3A_263 = arith.constant 0.000000e+00 : f32
        %broadcast_in_dim3A_264 = vector.broadcast %reduce_sum3A_262 : f32 to vector<1x128xf32>
        %broadcast_in_dim3A_265 = vector.broadcast %jit3A_263 : f32 to vector<1x128xf32>
        %select_n3A_266 = arith.select %eq3A_255, %broadcast_in_dim3A_264, %broadcast_in_dim3A_265 : vector<1x128xi1>, vector<1x128xf32>
        %add3A_267 = arith.addf %get3A_252, %select_n3A_266 : vector<1x128xf32>
        %swap3A_268 = arith.constant 0 : index
        %swap3A_269 = arith.constant 0 : index
        %swap3A_270 = vector.load %arg22[%swap3A_268, %swap3A_269] : memref<1x128xf32, #tpu.memory_space<vmem>>, vector<1x128xf32>
        tpu.vector_store %arg22[%swap3A_268, %swap3A_269], %add3A_267 {strides = array<i32>} : memref<1x128xf32, #tpu.memory_space<vmem>>, vector<1x128xf32>,
      } else {
      }
    } else {
    }
    return
  }
  func.func @transform_0(%arg0: i32, %arg1: memref<2x44xi32, #tpu.memory_space<smem>>) -> (i32, i32) {
    %c0_i32 = arith.constant 0 : i32
    %c0_i32_0 = arith.constant 0 : i32
    return %arg0, %c0_i32 : i32, i32
  }
  func.func @transform_1(%arg0: i32, %arg1: memref<2x44xi32, #tpu.memory_space<smem>>) -> (i32, i32, i32) {
    %get3A = arith.constant 0 : index
    %get3A_0 = arith.index_cast %arg0 : i32 to index
    %get3A_1 = memref.load %arg1[%get3A, %get3A_0] : memref<2x44xi32, #tpu.memory_space<smem>>
    %c0_i32 = arith.constant 0 : i32
    %c0_i32_2 = arith.constant 0 : i32
    %c0_i32_3 = arith.constant 0 : i32
    return %get3A_1, %c0_i32, %c0_i32_2 : i32, i32, i32
  }
  func.func @transform_2(%arg0: i32, %arg1: memref<2x44xi32, #tpu.memory_space<smem>>) -> (i32, i32, i32) {
    %get3A = arith.constant 0 : index
    %get3A_0 = arith.index_cast %arg0 : i32 to index
    %get3A_1 = memref.load %arg1[%get3A, %get3A_0] : memref<2x44xi32, #tpu.memory_space<smem>>
    %c0_i32 = arith.constant 0 : i32
    %c0_i32_2 = arith.constant 0 : i32
    %c0_i32_3 = arith.constant 0 : i32
    return %get3A_1, %c0_i32, %c0_i32_2 : i32, i32, i32
  }
  func.func @transform_3(%arg0: i32, %arg1: memref<2x44xi32, #tpu.memory_space<smem>>) -> (i32, i32, i32) {
    %get3A = arith.constant 0 : index
    %get3A_0 = arith.index_cast %arg0 : i32 to index
    %get3A_1 = memref.load %arg1[%get3A, %get3A_0] : memref<2x44xi32, #tpu.memory_space<smem>>
    %c0_i32 = arith.constant 0 : i32
    %c0_i32_2 = arith.constant 0 : i32
    %c0_i32_3 = arith.constant 0 : i32
    return %get3A_1, %c0_i32, %c0_i32_2 : i32, i32, i32
  }
  func.func @transform_4(%arg0: i32, %arg1: memref<2x44xi32, #tpu.memory_space<smem>>) -> (i32, i32, i32) {
    %get3A = arith.constant 0 : index
    %get3A_0 = arith.index_cast %arg0 : i32 to index
    %get3A_1 = memref.load %arg1[%get3A, %get3A_0] : memref<2x44xi32, #tpu.memory_space<smem>>
    %c0_i32 = arith.constant 0 : i32
    %c0_i32_2 = arith.constant 0 : i32
    %c0_i32_3 = arith.constant 0 : i32
    return %get3A_1, %c0_i32, %c0_i32_2 : i32, i32, i32
  }
  func.func @transform_5(%arg0: i32, %arg1: memref<2x44xi32, #tpu.memory_space<smem>>) -> (i32, i32) {
    %c0_i32 = arith.constant 0 : i32
    %c0_i32_0 = arith.constant 0 : i32
    %c0_i32_1 = arith.constant 0 : i32
    return %c0_i32, %c0_i32_0 : i32, i32
  }
  func.func @transform_6(%arg0: i32, %arg1: memref<2x44xi32, #tpu.memory_space<smem>>) -> (i32, i32) {
    %c0_i32 = arith.constant 0 : i32
    %c0_i32_0 = arith.constant 0 : i32
    %c0_i32_1 = arith.constant 0 : i32
    return %c0_i32, %c0_i32_0 : i32, i32
  }
  func.func @transform_7(%arg0: i32, %arg1: memref<2x44xi32, #tpu.memory_space<smem>>) -> (i32, i32) {
    %c0_i32 = arith.constant 0 : i32
    %c0_i32_0 = arith.constant 0 : i32
    %c0_i32_1 = arith.constant 0 : i32
    return %c0_i32, %c0_i32_0 : i32, i32
  }
  func.func @transform_8(%arg0: i32, %arg1: memref<2x44xi32, #tpu.memory_space<smem>>) -> (i32, i32) {
    %c0_i32 = arith.constant 0 : i32
    %c0_i32_0 = arith.constant 0 : i32
    %c0_i32_1 = arith.constant 0 : i32
    return %c0_i32, %c0_i32_0 : i32, i32
  }
  func.func @transform_9(%arg0: i32, %arg1: memref<2x44xi32, #tpu.memory_space<smem>>) -> (i32, i32) {
    %c0_i32 = arith.constant 0 : i32
    %c0_i32_0 = arith.constant 0 : i32
    %c0_i32_1 = arith.constant 0 : i32
    return %c0_i32, %c0_i32_0 : i32, i32
  }
  func.func @transform_10(%arg0: i32, %arg1: memref<2x44xi32, #tpu.memory_space<smem>>) -> (i32, i32) {
    %c0_i32 = arith.constant 0 : i32
    %c0_i32_0 = arith.constant 0 : i32
    %c0_i32_1 = arith.constant 0 : i32
    return %c0_i32, %c0_i32_0 : i32, i32
  }
  func.func @transform_11(%arg0: i32, %arg1: memref<2x44xi32, #tpu.memory_space<smem>>) -> (i32, i32) {
    %c0_i32 = arith.constant 0 : i32
    %c0_i32_0 = arith.constant 0 : i32
    %c0_i32_1 = arith.constant 0 : i32
    return %c0_i32, %c0_i32_0 : i32, i32
  }
  func.func @transform_12(%arg0: i32, %arg1: memref<2x44xi32, #tpu.memory_space<smem>>) -> (i32, i32) {
    %c0_i32 = arith.constant 0 : i32
    %c0_i32_0 = arith.constant 0 : i32
    %c0_i32_1 = arith.constant 0 : i32
    return %c0_i32, %c0_i32_0 : i32, i32
  }
  func.func @transform_13(%arg0: i32, %arg1: memref<2x44xi32, #tpu.memory_space<smem>>) -> (i32, i32) {
    %c0_i32 = arith.constant 0 : i32
    %c0_i32_0 = arith.constant 0 : i32
    %c0_i32_1 = arith.constant 0 : i32
    return %c0_i32, %c0_i32_0 : i32, i32
  }
  func.func @transform_14(%arg0: i32, %arg1: memref<2x44xi32, #tpu.memory_space<smem>>) -> (i32, i32) {
    %c0_i32 = arith.constant 0 : i32
    %c0_i32_0 = arith.constant 0 : i32
    %c0_i32_1 = arith.constant 0 : i32
    return %c0_i32, %c0_i32_0 : i32, i32
  }
  func.func @transform_15(%arg0: i32, %arg1: memref<2x44xi32, #tpu.memory_space<smem>>) -> (i32, i32) {
    %c0_i32 = arith.constant 0 : i32
    %c0_i32_0 = arith.constant 0 : i32
    %c0_i32_1 = arith.constant 0 : i32
    return %c0_i32, %c0_i32_0 : i32, i32
  }
  func.func @transform_16(%arg0: i32, %arg1: memref<2x44xi32, #tpu.memory_space<smem>>) -> (i32, i32) {
    %c0_i32 = arith.constant 0 : i32
    %c0_i32_0 = arith.constant 0 : i32
    %c0_i32_1 = arith.constant 0 : i32
    return %c0_i32, %c0_i32_0 : i32, i32
  }
  func.func @transform_17(%arg0: i32, %arg1: memref<2x44xi32, #tpu.memory_space<smem>>) -> (i32, i32) {
    %c0_i32 = arith.constant 0 : i32
    %c0_i32_0 = arith.constant 0 : i32
    %c0_i32_1 = arith.constant 0 : i32
    return %c0_i32, %c0_i32_0 : i32, i32
  }
  func.func @transform_18(%arg0: i32, %arg1: memref<2x44xi32, #tpu.memory_space<smem>>) -> i32 {
    %c0_i32 = arith.constant 0 : i32
    %c0_i32_0 = arith.constant 0 : i32
    return %c0_i32 : i32
  }
  func.func @transform_19(%arg0: i32, %arg1: memref<2x44xi32, #tpu.memory_space<smem>>) -> (i32, i32) {
    %c0_i32 = arith.constant 0 : i32
    %c0_i32_0 = arith.constant 0 : i32
    return %arg0, %c0_i32 : i32, i32
  }
  func.func @transform_20(%arg0: i32, %arg1: memref<2x44xi32, #tpu.memory_space<smem>>) -> (i32, i32) {
    %c0_i32 = arith.constant 0 : i32
    %c0_i32_0 = arith.constant 0 : i32
    %c0_i32_1 = arith.constant 0 : i32
    return %c0_i32, %c0_i32_0 : i32, i32
  }
  func.func @transform_21(%arg0: i32, %arg1: memref<2x44xi32, #tpu.memory_space<smem>>) -> (i32, i32) {
    %c0_i32 = arith.constant 0 : i32
    %c0_i32_0 = arith.constant 0 : i32
    %c0_i32_1 = arith.constant 0 : i32
    return %c0_i32, %c0_i32_0 : i32, i32
  }
}

module attributes {stable_mosaic.version = 14 : i64} {
  func.func @_combine_kernel(%arg0: i32, %arg1: memref<3x256x1024xf32, #tpu.memory_space<vmem>>, %arg2: memref<1x1024xf32, #tpu.memory_space<vmem>>, %arg3: memref<1x128xf32, #tpu.memory_space<vmem>>, %arg4: memref<1x128xf32, #tpu.memory_space<vmem>>, %arg5: memref<1024x512xf32, #tpu.memory_space<vmem>>, %arg6: memref<1x512xf32, #tpu.memory_space<vmem>>, %arg7: memref<1x512xf32, #tpu.memory_space<vmem>>, %arg8: memref<1024x256xf32, #tpu.memory_space<vmem>>, %arg9: memref<1x256xf32, #tpu.memory_space<vmem>>, %arg10: memref<1x256xf32, #tpu.memory_space<vmem>>, %arg11: memref<1x128xf32, #tpu.memory_space<vmem>>, %arg12: memref<256x1024xf32, #tpu.memory_space<vmem>>, %arg13: memref<1x128xf32, #tpu.memory_space<vmem>>) attributes {dimension_semantics = [#tpu.dimension_semantics<arbitrary>], iteration_bounds = array<i64: 8>, scalar_prefetch = 0 : i64, scratch_operands = 0 : i64, tpu.core_type = #tpu.core_type<tc>, window_params = [{transform_indices = @transform_0, window_bounds = array<i64: 3, 256, 1024>}, {pipeline_mode = #tpu.pipeline_mode<synchronous>, transform_indices = @transform_1, window_bounds = array<i64: 1, 1024>}, {pipeline_mode = #tpu.pipeline_mode<synchronous>, transform_indices = @transform_2, window_bounds = array<i64: 1, 128>}, {pipeline_mode = #tpu.pipeline_mode<synchronous>, transform_indices = @transform_3, window_bounds = array<i64: 1, 128>}, {pipeline_mode = #tpu.pipeline_mode<synchronous>, transform_indices = @transform_4, window_bounds = array<i64: 1024, 512>}, {pipeline_mode = #tpu.pipeline_mode<synchronous>, transform_indices = @transform_5, window_bounds = array<i64: 1, 512>}, {pipeline_mode = #tpu.pipeline_mode<synchronous>, transform_indices = @transform_6, window_bounds = array<i64: 1, 512>}, {pipeline_mode = #tpu.pipeline_mode<synchronous>, transform_indices = @transform_7, window_bounds = array<i64: 1024, 256>}, {pipeline_mode = #tpu.pipeline_mode<synchronous>, transform_indices = @transform_8, window_bounds = array<i64: 1, 256>}, {pipeline_mode = #tpu.pipeline_mode<synchronous>, transform_indices = @transform_9, window_bounds = array<i64: 1, 256>}, {pipeline_mode = #tpu.pipeline_mode<synchronous>, transform_indices = @transform_10, window_bounds = array<i64: 1, 128>}, {transform_indices = @transform_11, window_bounds = array<i64: 256, 1024>}, {pipeline_mode = #tpu.pipeline_mode<synchronous>, transform_indices = @transform_12, window_bounds = array<i64: 1, 128>}]} {
    %get3A = arith.constant 0 : index
    %get3A_0 = arith.constant 0 : index
    %get3A_1 = vector.load %arg2[%get3A, %get3A_0] : memref<1x1024xf32, #tpu.memory_space<vmem>>, vector<1x1024xf32>
    %mul3A = arith.constant 4.8828125E-4 : f32
    %mul3A_2 = vector.broadcast %mul3A : f32 to vector<1x1024xf32>
    %mul3A_3 = arith.mulf %get3A_1, %mul3A_2 : vector<1x1024xf32>
    %get3A_4 = arith.constant 0 : index
    %get3A_5 = arith.constant 0 : index
    %get3A_6 = vector.load %arg5[%get3A_4, %get3A_5] : memref<1024x512xf32, #tpu.memory_space<vmem>>, vector<1024x512xf32>
    %dot_general3A = arith.constant dense<0.000000e+00> : vector<1x512xf32>
    %dot_general3A_7 = tpu.matmul %mul3A_3, %get3A_6, %dot_general3A {dimension_numbers = #tpu.dot_dimension_numbers<[1], [0], [0], [1], [0, 0, 1, 1], [], []>, transpose_lhs_hint = false} : vector<1x1024xf32>, vector<1024x512xf32>, vector<1x512xf32> -> vector<1x512xf32>
    %get3A_8 = arith.constant 0 : index
    %get3A_9 = arith.constant 0 : index
    %get3A_10 = vector.load %arg6[%get3A_8, %get3A_9] : memref<1x512xf32, #tpu.memory_space<vmem>>, vector<1x512xf32>
    %add3A = arith.addf %dot_general3A_7, %get3A_10 : vector<1x512xf32>
    %max3A = arith.constant 0.000000e+00 : f32
    %max3A_11 = vector.broadcast %max3A : f32 to vector<1x512xf32>
    %max3A_12 = arith.maximumf %add3A, %max3A_11 : vector<1x512xf32>
    %get3A_13 = arith.constant 0 : index
    %get3A_14 = arith.constant 0 : index
    %get3A_15 = vector.load %arg7[%get3A_13, %get3A_14] : memref<1x512xf32, #tpu.memory_space<vmem>>, vector<1x512xf32>
    %mul3A_16 = arith.mulf %max3A_12, %get3A_15 : vector<1x512xf32>
    %reduce_sum3A = arith.constant dense<0.000000e+00> : vector<1xf32>
    %reduce_sum3A_17 = vector.multi_reduction <add>, %mul3A_16, %reduce_sum3A [1] : vector<1x512xf32> to vector<1xf32>
    %broadcast_in_dim3A = vector.shape_cast %reduce_sum3A_17 : vector<1xf32> to vector<1x1xf32>
    %get3A_18 = arith.constant 0 : index
    %get3A_19 = arith.constant 0 : index
    %get3A_20 = vector.load %arg11[%get3A_18, %get3A_19] : memref<1x128xf32, #tpu.memory_space<vmem>>, vector<1x1xf32>
    %get3A_21 = vector.extract %get3A_20[0, 0] : f32 from vector<1x1xf32>
    %add3A_22 = vector.broadcast %get3A_21 : f32 to vector<1x1xf32>
    %add3A_23 = arith.addf %broadcast_in_dim3A, %add3A_22 : vector<1x1xf32>
    %logistic3A = arith.negf %add3A_23 : vector<1x1xf32>
    %logistic3A_24 = math.exp %logistic3A : vector<1x1xf32>
    %logistic3A_25 = arith.constant 1.000000e+00 : f32
    %logistic3A_26 = vector.broadcast %logistic3A_25 : f32 to vector<1x1xf32>
    %logistic3A_27 = arith.addf %logistic3A_26, %logistic3A_24 : vector<1x1xf32>
    %logistic3A_28 = arith.divf %logistic3A_26, %logistic3A_27 : vector<1x1xf32>
    %gt3A = arith.constant 0.699999988 : f32
    %gt3A_29 = vector.broadcast %gt3A : f32 to vector<1x1xf32>
    %gt3A_30 = arith.cmpf ogt, %logistic3A_28, %gt3A_29 : vector<1x1xf32>
    %convert_element_type3A = arith.extui %gt3A_30 : vector<1x1xi1> to vector<1x1xi32>
    %convert_element_type3A_31 = arith.sitofp %convert_element_type3A : vector<1x1xi32> to vector<1x1xf32>
    %mul3A_32 = arith.constant 8.000000e-01 : f32
    %mul3A_33 = vector.broadcast %mul3A_32 : f32 to vector<1x1xf32>
    %mul3A_34 = arith.mulf %mul3A_33, %convert_element_type3A_31 : vector<1x1xf32>
    %sub3A = arith.constant 1.000000e+00 : f32
    %sub3A_35 = vector.broadcast %sub3A : f32 to vector<1x1xf32>
    %sub3A_36 = arith.subf %sub3A_35, %mul3A_34 : vector<1x1xf32>
    %get3A_37 = arith.constant 0 : index
    %get3A_38 = arith.constant 0 : index
    %get3A_39 = arith.constant 0 : index
    %get3A_40 = vector.load %arg1[%get3A_37, %get3A_38, %get3A_39] : memref<3x256x1024xf32, #tpu.memory_space<vmem>>, vector<3x256x1024xf32>
    %reduce_sum3A_41 = arith.constant dense<0.000000e+00> : vector<256x1024xf32>
    %reduce_sum3A_42 = vector.multi_reduction <add>, %get3A_40, %reduce_sum3A_41 [0] : vector<3x256x1024xf32> to vector<256x1024xf32>
    %squeeze3A = vector.extract %sub3A_36[0, 0] : f32 from vector<1x1xf32>
    %mul3A_43 = vector.broadcast %squeeze3A : f32 to vector<256x1024xf32>
    %mul3A_44 = arith.mulf %reduce_sum3A_42, %mul3A_43 : vector<256x1024xf32>
    %swap3A = arith.constant 0 : index
    %swap3A_45 = arith.constant 0 : index
    %swap3A_46 = vector.load %arg12[%swap3A, %swap3A_45] : memref<256x1024xf32, #tpu.memory_space<vmem>>, vector<256x1024xf32>
    tpu.vector_store %arg12[%swap3A, %swap3A_45], %mul3A_44 {strides = array<i32>} : memref<256x1024xf32, #tpu.memory_space<vmem>>, vector<256x1024xf32>,
    %eq3A = arith.constant 0 : i32
    %eq3A_47 = arith.cmpi eq, %arg0, %eq3A : i32
    %convert_element_type3A_48 = arith.extui %eq3A_47 : i1 to i32
    %cond3A = arith.constant 0 : i32
    %cond3A_49 = arith.cmpi ne, %convert_element_type3A_48, %cond3A : i32
    scf.if %cond3A_49 {
      %mul3A_50 = vector.broadcast %sub3A_36 : vector<1x1xf32> to vector<1x1024xf32>
      %mul3A_51 = arith.mulf %mul3A_3, %mul3A_50 : vector<1x1024xf32>
      %get3A_52 = arith.constant 0 : index
      %get3A_53 = arith.constant 0 : index
      %get3A_54 = vector.load %arg8[%get3A_52, %get3A_53] : memref<1024x256xf32, #tpu.memory_space<vmem>>, vector<1024x256xf32>
      %dot_general3A_55 = arith.constant dense<0.000000e+00> : vector<1x256xf32>
      %dot_general3A_56 = tpu.matmul %mul3A_51, %get3A_54, %dot_general3A_55 {dimension_numbers = #tpu.dot_dimension_numbers<[1], [0], [0], [1], [0, 0, 1, 1], [], []>, transpose_lhs_hint = false} : vector<1x1024xf32>, vector<1024x256xf32>, vector<1x256xf32> -> vector<1x256xf32>
      %get3A_57 = arith.constant 0 : index
      %get3A_58 = arith.constant 0 : index
      %get3A_59 = vector.load %arg9[%get3A_57, %get3A_58] : memref<1x256xf32, #tpu.memory_space<vmem>>, vector<1x256xf32>
      %add3A_60 = arith.addf %dot_general3A_56, %get3A_59 : vector<1x256xf32>
      %max3A_61 = arith.constant 0.000000e+00 : f32
      %max3A_62 = vector.broadcast %max3A_61 : f32 to vector<1x256xf32>
      %max3A_63 = arith.maximumf %add3A_60, %max3A_62 : vector<1x256xf32>
      %get3A_64 = arith.constant 0 : index
      %get3A_65 = arith.constant 0 : index
      %get3A_66 = vector.load %arg10[%get3A_64, %get3A_65] : memref<1x256xf32, #tpu.memory_space<vmem>>, vector<1x256xf32>
      %mul3A_67 = arith.mulf %max3A_63, %get3A_66 : vector<1x256xf32>
      %reduce_sum3A_68 = arith.constant dense<0.000000e+00> : vector<1xf32>
      %reduce_sum3A_69 = vector.multi_reduction <add>, %mul3A_67, %reduce_sum3A_68 [1] : vector<1x256xf32> to vector<1xf32>
      %broadcast_in_dim3A_70 = vector.shape_cast %reduce_sum3A_69 : vector<1xf32> to vector<1x1xf32>
      %get3A_71 = arith.constant 0 : index
      %get3A_72 = arith.constant 1 : index
      %get3A_73 = vector.load %arg11[%get3A_71, %get3A_72] : memref<1x128xf32, #tpu.memory_space<vmem>>, vector<1x1xf32>
      %get3A_74 = vector.extract %get3A_73[0, 0] : f32 from vector<1x1xf32>
      %add3A_75 = vector.broadcast %get3A_74 : f32 to vector<1x1xf32>
      %add3A_76 = arith.addf %broadcast_in_dim3A_70, %add3A_75 : vector<1x1xf32>
      %logistic3A_77 = arith.negf %add3A_76 : vector<1x1xf32>
      %logistic3A_78 = math.exp %logistic3A_77 : vector<1x1xf32>
      %logistic3A_79 = arith.constant 1.000000e+00 : f32
      %logistic3A_80 = vector.broadcast %logistic3A_79 : f32 to vector<1x1xf32>
      %logistic3A_81 = arith.addf %logistic3A_80, %logistic3A_78 : vector<1x1xf32>
      %logistic3A_82 = arith.divf %logistic3A_80, %logistic3A_81 : vector<1x1xf32>
      %get3A_83 = arith.constant 0 : index
      %get3A_84 = arith.constant 0 : index
      %get3A_85 = vector.load %arg3[%get3A_83, %get3A_84] : memref<1x128xf32, #tpu.memory_space<vmem>>, vector<1x1xf32>
      %get3A_86 = vector.extract %get3A_85[0, 0] : f32 from vector<1x1xf32>
      %div3A = arith.constant 6.144000e+03 : f32
      %div3A_87 = arith.divf %get3A_86, %div3A : f32
      %get3A_88 = arith.constant 0 : index
      %get3A_89 = arith.constant 1 : index
      %get3A_90 = vector.load %arg3[%get3A_88, %get3A_89] : memref<1x128xf32, #tpu.memory_space<vmem>>, vector<1x1xf32>
      %get3A_91 = vector.extract %get3A_90[0, 0] : f32 from vector<1x1xf32>
      %div3A_92 = arith.constant 6.144000e+03 : f32
      %div3A_93 = arith.divf %get3A_91, %div3A_92 : f32
      %get3A_94 = arith.constant 0 : index
      %get3A_95 = arith.constant 1 : index
      %get3A_96 = vector.load %arg4[%get3A_94, %get3A_95] : memref<1x128xf32, #tpu.memory_space<vmem>>, vector<1x1xf32>
      %get3A_97 = vector.extract %get3A_96[0, 0] : f32 from vector<1x1xf32>
      %get3A_98 = arith.constant 0 : index
      %get3A_99 = arith.constant 7 : index
      %get3A_100 = vector.load %arg4[%get3A_98, %get3A_99] : memref<1x128xf32, #tpu.memory_space<vmem>>, vector<1x1xf32>
      %get3A_101 = vector.extract %get3A_100[0, 0] : f32 from vector<1x1xf32>
      %get3A_102 = arith.constant 0 : index
      %get3A_103 = arith.constant 11 : index
      %get3A_104 = vector.load %arg4[%get3A_102, %get3A_103] : memref<1x128xf32, #tpu.memory_space<vmem>>, vector<1x1xf32>
      %get3A_105 = vector.extract %get3A_104[0, 0] : f32 from vector<1x1xf32>
      %gt3A_106 = arith.constant 0.000000e+00 : f32
      %gt3A_107 = arith.cmpf ogt, %get3A_97, %gt3A_106 : f32
      %get3A_108 = arith.constant 0 : index
      %get3A_109 = arith.constant 2 : index
      %get3A_110 = vector.load %arg3[%get3A_108, %get3A_109] : memref<1x128xf32, #tpu.memory_space<vmem>>, vector<1x1xf32>
      %get3A_111 = vector.extract %get3A_110[0, 0] : f32 from vector<1x1xf32>
      %max3A_112 = arith.constant 1.000000e+00 : f32
      %max3A_113 = arith.maximumf %get3A_97, %max3A_112 : f32
      %mul3A_114 = arith.constant 4.000000e+00 : f32
      %mul3A_115 = arith.mulf %max3A_113, %mul3A_114 : f32
      %div3A_116 = arith.divf %get3A_111, %mul3A_115 : f32
      %jit3A = arith.constant 0.000000e+00 : f32
      %select_n3A = arith.select %gt3A_107, %div3A_116, %jit3A : f32
      %gt3A_117 = arith.constant 0.000000e+00 : f32
      %gt3A_118 = arith.cmpf ogt, %get3A_101, %gt3A_117 : f32
      %get3A_119 = arith.constant 0 : index
      %get3A_120 = arith.constant 3 : index
      %get3A_121 = vector.load %arg3[%get3A_119, %get3A_120] : memref<1x128xf32, #tpu.memory_space<vmem>>, vector<1x1xf32>
      %get3A_122 = vector.extract %get3A_121[0, 0] : f32 from vector<1x1xf32>
      %max3A_123 = arith.constant 1.000000e+00 : f32
      %max3A_124 = arith.maximumf %get3A_101, %max3A_123 : f32
      %div3A_125 = arith.divf %get3A_122, %max3A_124 : f32
      %jit3A_126 = arith.constant 0.000000e+00 : f32
      %select_n3A_127 = arith.select %gt3A_118, %div3A_125, %jit3A_126 : f32
      %gt3A_128 = arith.constant 0.000000e+00 : f32
      %gt3A_129 = arith.cmpf ogt, %get3A_105, %gt3A_128 : f32
      %get3A_130 = arith.constant 0 : index
      %get3A_131 = arith.constant 4 : index
      %get3A_132 = vector.load %arg3[%get3A_130, %get3A_131] : memref<1x128xf32, #tpu.memory_space<vmem>>, vector<1x1xf32>
      %get3A_133 = vector.extract %get3A_132[0, 0] : f32 from vector<1x1xf32>
      %max3A_134 = arith.constant 1.000000e+00 : f32
      %max3A_135 = arith.maximumf %get3A_105, %max3A_134 : f32
      %mul3A_136 = arith.constant 1.000000e+01 : f32
      %mul3A_137 = arith.mulf %max3A_135, %mul3A_136 : f32
      %div3A_138 = arith.divf %get3A_133, %mul3A_137 : f32
      %jit3A_139 = arith.constant 0.000000e+00 : f32
      %select_n3A_140 = arith.select %gt3A_129, %div3A_138, %jit3A_139 : f32
      %iota3A = tpu.iota {dimensions = array<i32: 1>} : vector<1x128xi32>
      %eq3A_141 = arith.constant 0 : i32
      %eq3A_142 = vector.broadcast %eq3A_141 : i32 to vector<1x128xi32>
      %eq3A_143 = arith.cmpi eq, %iota3A, %eq3A_142 : vector<1x128xi32>
      %convert_element_type3A_144 = arith.extui %eq3A_143 : vector<1x128xi1> to vector<1x128xi32>
      %convert_element_type3A_145 = arith.sitofp %convert_element_type3A_144 : vector<1x128xi32> to vector<1x128xf32>
      %mul3A_146 = vector.broadcast %div3A_87 : f32 to vector<1x128xf32>
      %mul3A_147 = arith.mulf %mul3A_146, %convert_element_type3A_145 : vector<1x128xf32>
      %eq3A_148 = arith.constant 1 : i32
      %eq3A_149 = vector.broadcast %eq3A_148 : i32 to vector<1x128xi32>
      %eq3A_150 = arith.cmpi eq, %iota3A, %eq3A_149 : vector<1x128xi32>
      %convert_element_type3A_151 = arith.extui %eq3A_150 : vector<1x128xi1> to vector<1x128xi32>
      %convert_element_type3A_152 = arith.sitofp %convert_element_type3A_151 : vector<1x128xi32> to vector<1x128xf32>
      %mul3A_153 = vector.broadcast %select_n3A : f32 to vector<1x128xf32>
      %mul3A_154 = arith.mulf %mul3A_153, %convert_element_type3A_152 : vector<1x128xf32>
      %add3A_155 = arith.addf %mul3A_147, %mul3A_154 : vector<1x128xf32>
      %eq3A_156 = arith.constant 2 : i32
      %eq3A_157 = vector.broadcast %eq3A_156 : i32 to vector<1x128xi32>
      %eq3A_158 = arith.cmpi eq, %iota3A, %eq3A_157 : vector<1x128xi32>
      %convert_element_type3A_159 = arith.extui %eq3A_158 : vector<1x128xi1> to vector<1x128xi32>
      %convert_element_type3A_160 = arith.sitofp %convert_element_type3A_159 : vector<1x128xi32> to vector<1x128xf32>
      %mul3A_161 = vector.broadcast %select_n3A_127 : f32 to vector<1x128xf32>
      %mul3A_162 = arith.mulf %mul3A_161, %convert_element_type3A_160 : vector<1x128xf32>
      %add3A_163 = arith.addf %add3A_155, %mul3A_162 : vector<1x128xf32>
      %eq3A_164 = arith.constant 3 : i32
      %eq3A_165 = vector.broadcast %eq3A_164 : i32 to vector<1x128xi32>
      %eq3A_166 = arith.cmpi eq, %iota3A, %eq3A_165 : vector<1x128xi32>
      %convert_element_type3A_167 = arith.extui %eq3A_166 : vector<1x128xi1> to vector<1x128xi32>
      %convert_element_type3A_168 = arith.sitofp %convert_element_type3A_167 : vector<1x128xi32> to vector<1x128xf32>
      %mul3A_169 = vector.broadcast %select_n3A_140 : f32 to vector<1x128xf32>
      %mul3A_170 = arith.mulf %mul3A_169, %convert_element_type3A_168 : vector<1x128xf32>
      %add3A_171 = arith.addf %add3A_163, %mul3A_170 : vector<1x128xf32>
      %eq3A_172 = arith.constant 4 : i32
      %eq3A_173 = vector.broadcast %eq3A_172 : i32 to vector<1x128xi32>
      %eq3A_174 = arith.cmpi eq, %iota3A, %eq3A_173 : vector<1x128xi32>
      %convert_element_type3A_175 = arith.extui %eq3A_174 : vector<1x128xi1> to vector<1x128xi32>
      %convert_element_type3A_176 = arith.sitofp %convert_element_type3A_175 : vector<1x128xi32> to vector<1x128xf32>
      %mul3A_177 = vector.broadcast %div3A_93 : f32 to vector<1x128xf32>
      %mul3A_178 = arith.mulf %mul3A_177, %convert_element_type3A_176 : vector<1x128xf32>
      %add3A_179 = arith.addf %add3A_171, %mul3A_178 : vector<1x128xf32>
      %eq3A_180 = arith.constant 5 : i32
      %eq3A_181 = vector.broadcast %eq3A_180 : i32 to vector<1x128xi32>
      %eq3A_182 = arith.cmpi eq, %iota3A, %eq3A_181 : vector<1x128xi32>
      %convert_element_type3A_183 = arith.extui %eq3A_182 : vector<1x128xi1> to vector<1x128xi32>
      %convert_element_type3A_184 = arith.sitofp %convert_element_type3A_183 : vector<1x128xi32> to vector<1x128xf32>
      %mul3A_185 = vector.broadcast %logistic3A_28 : vector<1x1xf32> to vector<1x128xf32>
      %mul3A_186 = arith.mulf %mul3A_185, %convert_element_type3A_184 : vector<1x128xf32>
      %add3A_187 = arith.addf %add3A_179, %mul3A_186 : vector<1x128xf32>
      %eq3A_188 = arith.constant 6 : i32
      %eq3A_189 = vector.broadcast %eq3A_188 : i32 to vector<1x128xi32>
      %eq3A_190 = arith.cmpi eq, %iota3A, %eq3A_189 : vector<1x128xi32>
      %convert_element_type3A_191 = arith.extui %eq3A_190 : vector<1x128xi1> to vector<1x128xi32>
      %convert_element_type3A_192 = arith.sitofp %convert_element_type3A_191 : vector<1x128xi32> to vector<1x128xf32>
      %mul3A_193 = vector.broadcast %logistic3A_82 : vector<1x1xf32> to vector<1x128xf32>
      %mul3A_194 = arith.mulf %mul3A_193, %convert_element_type3A_192 : vector<1x128xf32>
      %add3A_195 = arith.addf %add3A_187, %mul3A_194 : vector<1x128xf32>
      %eq3A_196 = arith.constant 7 : i32
      %eq3A_197 = vector.broadcast %eq3A_196 : i32 to vector<1x128xi32>
      %eq3A_198 = arith.cmpi eq, %iota3A, %eq3A_197 : vector<1x128xi32>
      %convert_element_type3A_199 = arith.extui %eq3A_198 : vector<1x128xi1> to vector<1x128xi32>
      %convert_element_type3A_200 = arith.sitofp %convert_element_type3A_199 : vector<1x128xi32> to vector<1x128xf32>
      %mul3A_201 = vector.broadcast %sub3A_36 : vector<1x1xf32> to vector<1x128xf32>
      %mul3A_202 = arith.mulf %mul3A_201, %convert_element_type3A_200 : vector<1x128xf32>
      %add3A_203 = arith.addf %add3A_195, %mul3A_202 : vector<1x128xf32>
      %swap3A_204 = arith.constant 0 : index
      %swap3A_205 = arith.constant 0 : index
      %swap3A_206 = vector.load %arg13[%swap3A_204, %swap3A_205] : memref<1x128xf32, #tpu.memory_space<vmem>>, vector<1x128xf32>
      tpu.vector_store %arg13[%swap3A_204, %swap3A_205], %add3A_203 {strides = array<i32>} : memref<1x128xf32, #tpu.memory_space<vmem>>, vector<1x128xf32>,
    } else {
    }
    return
  }
  func.func @transform_0(%arg0: i32) -> (i32, i32, i32) {
    %c0_i32 = arith.constant 0 : i32
    %c0_i32_0 = arith.constant 0 : i32
    %c0_i32_1 = arith.constant 0 : i32
    return %c0_i32, %arg0, %c0_i32_0 : i32, i32, i32
  }
  func.func @transform_1(%arg0: i32) -> (i32, i32) {
    %c0_i32 = arith.constant 0 : i32
    %c0_i32_0 = arith.constant 0 : i32
    %c0_i32_1 = arith.constant 0 : i32
    return %c0_i32, %c0_i32_0 : i32, i32
  }
  func.func @transform_2(%arg0: i32) -> (i32, i32) {
    %c0_i32 = arith.constant 0 : i32
    %c0_i32_0 = arith.constant 0 : i32
    %c0_i32_1 = arith.constant 0 : i32
    return %c0_i32, %c0_i32_0 : i32, i32
  }
  func.func @transform_3(%arg0: i32) -> (i32, i32) {
    %c0_i32 = arith.constant 0 : i32
    %c0_i32_0 = arith.constant 0 : i32
    %c0_i32_1 = arith.constant 0 : i32
    return %c0_i32, %c0_i32_0 : i32, i32
  }
  func.func @transform_4(%arg0: i32) -> (i32, i32) {
    %c0_i32 = arith.constant 0 : i32
    %c0_i32_0 = arith.constant 0 : i32
    %c0_i32_1 = arith.constant 0 : i32
    return %c0_i32, %c0_i32_0 : i32, i32
  }
  func.func @transform_5(%arg0: i32) -> (i32, i32) {
    %c0_i32 = arith.constant 0 : i32
    %c0_i32_0 = arith.constant 0 : i32
    %c0_i32_1 = arith.constant 0 : i32
    return %c0_i32, %c0_i32_0 : i32, i32
  }
  func.func @transform_6(%arg0: i32) -> (i32, i32) {
    %c0_i32 = arith.constant 0 : i32
    %c0_i32_0 = arith.constant 0 : i32
    %c0_i32_1 = arith.constant 0 : i32
    return %c0_i32, %c0_i32_0 : i32, i32
  }
  func.func @transform_7(%arg0: i32) -> (i32, i32) {
    %c0_i32 = arith.constant 0 : i32
    %c0_i32_0 = arith.constant 0 : i32
    %c0_i32_1 = arith.constant 0 : i32
    return %c0_i32, %c0_i32_0 : i32, i32
  }
  func.func @transform_8(%arg0: i32) -> (i32, i32) {
    %c0_i32 = arith.constant 0 : i32
    %c0_i32_0 = arith.constant 0 : i32
    %c0_i32_1 = arith.constant 0 : i32
    return %c0_i32, %c0_i32_0 : i32, i32
  }
  func.func @transform_9(%arg0: i32) -> (i32, i32) {
    %c0_i32 = arith.constant 0 : i32
    %c0_i32_0 = arith.constant 0 : i32
    %c0_i32_1 = arith.constant 0 : i32
    return %c0_i32, %c0_i32_0 : i32, i32
  }
  func.func @transform_10(%arg0: i32) -> (i32, i32) {
    %c0_i32 = arith.constant 0 : i32
    %c0_i32_0 = arith.constant 0 : i32
    %c0_i32_1 = arith.constant 0 : i32
    return %c0_i32, %c0_i32_0 : i32, i32
  }
  func.func @transform_11(%arg0: i32) -> (i32, i32) {
    %c0_i32 = arith.constant 0 : i32
    %c0_i32_0 = arith.constant 0 : i32
    return %arg0, %c0_i32 : i32, i32
  }
  func.func @transform_12(%arg0: i32) -> (i32, i32) {
    %c0_i32 = arith.constant 0 : i32
    %c0_i32_0 = arith.constant 0 : i32
    %c0_i32_1 = arith.constant 0 : i32
    return %c0_i32, %c0_i32_0 : i32, i32
  }
}

</mosaic_0001>

<sc_bundles>
// kernel: kernel.10.cloned.1.call-start
scs
__scs_entry_jumppad:
0x0: {  	(pc) =	sbr.rel $0x88, $3  }
0x1: {  	(tag) =	ssettag $0x0;
	lr =	simm.s32 $0x1  }
0x2: {  	[smem:$0x3F7A] =	sst lr;
	_ =	strace $0xD0000000  }
0x3: {  	_ = 	snop  }
0x4: {  	_ = 	snop  }
0x5: {  	_ = 	snop  }
0x6: {  	_ = 	snop  }
0x7: {  	_ = 	snop  }
__scs_overlays_trampoline_lowered:
0x8: {  	[smem:$0x3F89] =	sst s0  }
0x9: {  	[smem:$0x3F8A] =	sst s1  }
0xa: {  	[smem:$0x3F8B] =	sst s2  }
0xb: {  	[smem:$0x3F8C] =	sst s3  }
0xc: {  	[smem:$0x3F8D] =	sst s4  }
0xd: {  	[smem:$0x3F8E] =	sst s5  }
0xe: {  	[smem:$0x3F8F] =	sst s6  }
0xf: {  	[smem:$0x3F90] =	sst s7  }
0x10: {  	[smem:$0x3F91] =	sst s8  }
0x11: {  	[smem:$0x3F92] =	sst s9;
	s0 =	simm.s32 @!p0 $0x0  }
0x12: {  	s1 =	sld [smem:$0x3F78];
	s0 =	simm.s32 @p0 $0x1  }
0x13: {  	[smem:$0x3F93] =	sst s0;
	s0 =	simm.s32 @!p1 $0x0  }
0x14: {  	s2 =	sld [smem:$0x3F77];
	s0 =	simm.s32 @p1 $0x1  }
0x15: {  	[smem:$0x3F94] =	sst s0;
	s0 =	simm.s32 @!p2 $0x0  }
0x16: {  	s3 =	sld [smem:$0x3FDB];
	s0 =	simm.s32 @p2 $0x1  }
0x17: {  	s4 =	simm.s32 $0x1BF5;
	[smem:$0x3F96] =	sst s0  }
0x18: {  	s0 =	sld [smem:$0x3F79];
	_ =	swait.ge [sflag:s4], $0x0  }
0x19: {  	s7 =	sld [smem:$0x3F7A]  }
0x1a: {  	s8 =	sadd.s32 $0xFFFFE003, lr  }
0x1b: {  	s9 =	sadd.s32 $0xFFFFFEF7, lr;
	s5 =	simm.s32 $0xFFFFFFFF;
	p2 =	slt.u32 s8, $0xFFFFF086  }
0x1c: {  	p1 =	slt.u32 s9, $0xF7A;
	s5 =	simm.s32 @!p2 $0x0  }
0x1d: {  	s5 =	simm.s32 @p1 $0x1;
	p0 =	seq.s32 s7, s2  }
0x1e: {  	s7 =	smul.u32 @!p0 $0xF7A, s2;
	p2 =	seq.s32 @!p0 s5, $0x0  }
0x1f: {  	s9 =	smul.u32 $0xF7A, s1;
	s8 =	simm.s32 @!p0 $0x1BF5;
	p2 =	por !p2, p0  }
0x20: {  	[sflag:s8] =	ssyncset.s32 @!p0 $0xFFFFF086;
	s6 =	sadd.s32 @!p0 s3, s7;
	s7 =	simm.s32 @!p0 $0x108  }
0x21: {  	s3 =	sadd.s32 s3, s9;
	s6 =	sadd.s32 @!p0 $0x88, s6;
	s7 =	simm.s32 @p2 $0x1082  }
0x22: {  	[simem:s7], [sflag:s8] =	dma.local @!p0 [hbm:s6], $0xF7A  }
0x23: {  	s9 =	sor.u32 $0xD0000000, s2;
	s6 =	simm.s32 $0x108;
	_ =	swait.ge @!p0 [sflag:s8], $0x0  }
0x24: {  	s3 =	sadd.s32 $0x88, s3;
	s6 =	simm.s32 @!p1 $0x1082;
	[sflag:s4] =	ssyncset.s32 $0xFFFFF086  }
0x25: {  	[simem:s6], [sflag:s4] =	dma.local [hbm:s3], $0xF7A  }
0x26: {  	[smem:$0x3F7A] =	sst s1;
	(tag) =	ssettag s2;
	_ =	strace s9  }
0x27: {  	s1 =	sld [smem:$0x3F8A]  }
0x28: {  	s2 =	sld [smem:$0x3F8B]  }
0x29: {  	s4 =	sld [smem:$0x3F8D]  }
0x2a: {  	p0 =	seq.s32 s5, $0x0;
	s5 =	sld [smem:$0x3F8E]  }
0x2b: {  	s6 =	sld [smem:$0x3F8F]  }
0x2c: {  	s7 =	sld [smem:$0x3F90]  }
0x2d: {  	s3 =	simm.s32 $0x108;
	s8 =	sld [smem:$0x3F91]  }
0x2e: {  	s3 =	simm.s32 @!p0 $0x1082;
	s9 =	sld [smem:$0x3F92]  }
0x2f: {  	lr =	sadd.s32 s0, s3;
	s0 =	sld [smem:$0x3F89]  }
0x30: {  	s3 =	sld [smem:$0x3F8C]  }
0x31: {  	[smem:$0x3F95] =	sst s10  }
0x32: {  	s10 =	sld [smem:$0x3F93];
	_ =	sdelay $0x3  }
0x33: {  	p0 =	seq.s32 s10, $0x1;
	s10 =	sld [smem:$0x3F95];
	_ =	sdelay $0x3  }
0x34: {  	[smem:$0x3F95] =	sst s10  }
0x35: {  	s10 =	sld [smem:$0x3F94];
	_ =	sdelay $0x3  }
0x36: {  	p1 =	seq.s32 s10, $0x1;
	s10 =	sld [smem:$0x3F95];
	_ =	sdelay $0x3  }
0x37: {  	[smem:$0x3F95] =	sst s10  }
0x38: {  	s10 =	sld [smem:$0x3F96]  }
0x39: {  	_ = 	snop;
	(pc) =	sbr.ind lr, $3  }
0x3a: {  	_ = 	snop  }
0x3b: {  	_ = 	snop  }
0x3c: {  	p2 =	seq.s32 s10, $0x1;
	s10 =	sld [smem:$0x3F95]  }
0x3d: {  	_ =	shalt  }
0x3e: {  	_ =	shalt  }
0x3f: {  	_ =	shalt  }
0x40: {  	_ =	shalt  }
0x41: {  	_ =	shalt  }
0x42: {  	_ =	shalt  }
0x43: {  	_ =	shalt  }
0x44: {  	_ =	shalt  }
0x45: {  	_ =	shalt  }
0x46: {  	_ =	shalt  }
0x47: {  	_ =	shalt  }
0x48: {  	_ =	shalt  }
0x49: {  	_ =	shalt  }
0x4a: {  	_ =	shalt  }
0x4b: {  	_ =	shalt  }
0x4c: {  	_ =	shalt  }
0x4d: {  	_ =	shalt  }
0x4e: {  	_ =	shalt  }
0x4f: {  	_ =	shalt  }
0x50: {  	_ =	shalt  }
0x51: {  	_ =	shalt  }
0x52: {  	_ =	shalt  }
0x53: {  	_ =	shalt  }
0x54: {  	_ =	shalt  }
0x55: {  	_ =	shalt  }
0x56: {  	_ =	shalt  }
0x57: {  	_ =	shalt  }
0x58: {  	_ =	shalt  }
0x59: {  	_ =	shalt  }
0x5a: {  	_ =	shalt  }
0x5b: {  	_ =	shalt  }
0x5c: {  	_ =	shalt  }
0x5d: {  	_ =	shalt  }
0x5e: {  	_ =	shalt  }
0x5f: {  	_ =	shalt  }
0x60: {  	_ =	shalt  }
0x61: {  	_ =	shalt  }
0x62: {  	_ =	shalt  }
0x63: {  	_ =	shalt  }
0x64: {  	_ =	shalt  }
0x65: {  	_ =	shalt  }
0x66: {  	_ =	shalt  }
0x67: {  	_ =	shalt  }
0x68: {  	_ =	shalt  }
0x69: {  	_ =	shalt  }
0x6a: {  	_ =	shalt  }
0x6b: {  	_ =	shalt  }
0x6c: {  	_ =	shalt  }
0x6d: {  	_ =	shalt  }
0x6e: {  	_ =	shalt  }
0x6f: {  	_ =	shalt  }
0x70: {  	_ =	shalt  }
0x71: {  	_ =	shalt  }
0x72: {  	_ =	shalt  }
0x73: {  	_ =	shalt  }
0x74: {  	_ =	shalt  }
0x75: {  	_ =	shalt  }
0x76: {  	_ =	shalt  }
0x77: {  	_ =	shalt  }
0x78: {  	_ =	shalt  }
0x79: {  	_ =	shalt  }
0x7a: {  	_ =	shalt  }
0x7b: {  	_ =	shalt  }
0x7c: {  	_ =	shalt  }
0x7d: {  	_ =	shalt  }
0x7e: {  	_ =	shalt  }
0x7f: {  	_ =	shalt  }
0x80: {  	_ =	shalt  }
0x81: {  	_ =	shalt  }
0x82: {  	_ =	shalt  }
0x83: {  	_ =	shalt  }
0x84: {  	_ =	shalt  }
0x85: {  	_ =	shalt  }
0x86: {  	_ =	shalt  }
0x87: {  	_ =	shalt  }
.Lfunc_end0:
.L_simem_size_0:
called_computation.1_lowered:
.L_overlay_start_0:
0x88: {  	s2 =	sld [smem:$0x3FD9]  }
0x89: {  	s3 =	sld [smem:$0x3FFE];
	_ =	sdelay $0x1  }
0x8a: {  	s1 =	srdreg.scid  }
0x8b: {  	s0 =	sand.u32 $0x1, s1  }
0x8c: {  	s16 =	sshll.u32 s0, $0xA;
	s2 =	sadd.s32 s3, s2  }
0x8d: {  	s2 =	sadd.s32 s2, s16  }
0x8e: {  	[smem:$0x3FA1] =	sst s2  }
0x8f: {  	_ = 	snop  }
0x90: {  	(tm) =	ssettm $0x1  }
0x91: {  	s17 =	sld [smem:$0x3FFB];
	_ =	sdelay $0x3  }
0x92: {  	_ =	strace s17  }
0x93: {  	s2 =	sld [smem:$0x3FFC];
	_ =	sdelay $0x3  }
0x94: {  	_ =	strace s2  }
0x95: {  	s2 =	sld [smem:$0x3FFD];
	_ =	sdelay $0x3  }
0x96: {  	_ =	strace s2  }
0x97: {  	_ =	strace $0x8FFFFFFF  }
0x98: {  	s18 =	sld [smem:$0x3FDB];
	_ =	sdelay $0x1  }
0x99: {  	s19 =	simm.s32 $_scs_section_size  }
0x9a: {  	s4 =	simm.s32 $_size__tile_overlayer_lowered;
	s5 =	simm.s32 $_tile_overlayer_lowered  }
0x9b: {  	s22 =	simm.s32 $0x1BFF;
	s21 =	sshll.u32 s5, $0x1;
	s2 =	sadd.s32 s19, s18  }
0x9c: {  	s6 =	simm.s32 $0x0;
	s20 =	sshll.u32 s4, $0x1;
	s4 =	sadd.s32 s21, s2  }
0x9d: {  	[timem:s6], [sflag:s22] =	dma.local [hbm:s4], s20  }
0x9e: {  	_ =	swait.ge [sflag:s22], s20  }
0x9f: {  	s3 =	ssub.s32 $0x0, s20;
	[sflag:s22] =	ssyncset.done $0x0  }
0xa0: {  	[sflag:s22] =	ssyncadd.s32 s3;
	_ =	sdelay $0x1  }
0xa1: {  	s23 =	simm.s32 $0x1B8B  }
0xa2: {  	_ =	swait.ge [sflag:s23], $0x1  }
0xa3: {  	[sflag:s23] =	ssyncset.done $0x0  }
0xa4: {  	s25 =	simm.s32 $0x1B8E;
	s24 =	sld [smem:$0x3FFE];
	[sflag:s23] =	ssyncadd.s32 $0xFFFFFFFF  }
0xa5: {  	s26 =	simm.s32 $execute0_lowered;
	[smem:$0x3FD2] =	sst s25  }
0xa6: {  	s4 =	sshll.u32 s26, $0x1;
	_ =	strace $0x80000049;
	[dreg:$0x1] =	wrdreg $0xFFFFFFFF  }
0xa7: {  	s28 =	simm.s32 $_size_execute0_lowered;
	s2 =	sadd.s32 s2, s4;
	[dreg:$0x0] =	wrdreg $0x0  }
0xa8: {  	s4 =	sshll.u32 s28, $0x1;
	[dreg:$0x2] =	wrdreg s2  }
0xa9: {  	[dreg:$0x3] =	wrdreg s4  }
0xaa: {  	[dreg:$0x4] =	wrdreg $0xC0  }
0xab: {  	_ =	task [dreg:s6], $0x5FFFF  }
0xac: {  	[dreg:$0x1] =	wrdreg $0xFFFFFFFF  }
0xad: {  	[dreg:$0x0] =	wrdreg $0x60  }
0xae: {  	[dreg:$0x2] =	wrdreg s24  }
0xaf: {  	[dreg:$0x3] =	wrdreg $0x9  }
0xb0: {  	_ =	task.clear_ibuf [dreg:s6], $0x4FFFF;
	_ =	strace $0x90000049  }
0xb1: {  	s29 =	simm.s32 $0x9;
	_ =	strace $0x8000004B  }
0xb2: {  	_ =	swait.ge [sflag:s29], $0x1  }
0xb3: {  	[sflag:s29] =	ssyncadd.s32 $0xFFFFFFFF  }
0xb4: {  	_ =	strace $0x9000004B  }
0xb5: {  	_ =	sfence  }
0xb6: {  	s30 =	sld [smem:$0x0];
	_ =	sdelay $0x2  }
0xb7: {  	s31 =	sshll.u32 s1, $0xD;
	s1 =	sshrl.u32 s1, $0x2  }
0xb8: {  	s3 =	sand.u32 $0x4000, s31;
	s1 =	sadd.s32 s1, s30  }
0xb9: {  	s0 =	sor.u32 s3, s0;
	s1 =	sshll.u32 s1, $0x11  }
0xba: {  	s0 =	sor.u32 s1, s0  }
0xbb: {  	s0 =	sadd.s32 $0x8F2B, s0  }
0xbc: {  	[sflag:s0] =	ssyncadd.remote.s32 $0x1  }
0xbd: {  	_ =	sfence.sel $0xFFFF  }
0xbe: {  	[dreg:$0x0] =	wrdreg $0xFFFFFFFF;
	(pc) =	sbr.abs _section_cstart, $3  }
0xbf: {  	[dreg:$0x1] =	wrdreg $0xFFFFFFFF  }
0xc0: {  	_ =	task.clear_ibuf [dreg:s6], $0x2FFFF;
	_ =	strace $0x9FFFFFFF  }
0xc1: {  	(tm) =	ssettm $0x7FFFFFFF  }
tec
execute0_lowered:
.L_overlay_start_1:
0x0: {  	(tag) =	ssettag $0x1  }
0x1: {  	s0 =	rddreg [dreg:$0x0]  }
0x2: {  	s2 =	simm.s32 $0x0;
	s1 =	srdreg.scid;
	s3 =	stileid.u32  }
0x3: {  	s14 =	simm.s32 $0x2;
	s16 =	simm.s32 $0x900;
	s28 =	simm.s32 $0x6100  }
0x4: {  	s29 =	simm.s32 $0x6900;
	s30 =	simm.s32 $0x7100;
	s31 =	simm.s32 $0x7900  }
0x5: {  	s12 =	simm.s32 $0x9900;
	s1 =	sand.u32 $0x1, s1;
	s3 =	sshll.u32 s3, $0x1  }
0x6: {  	[smem:$0x7FF] =	sst s2;
	s7 =	sadd.s32 $0x11A600, s0;
	s4 =	sor.u32 s1, s3  }
0x7: {  	s8 =	sadd.s32 $0x12600, s0;
	s1 =	ssub.s32 $0x2, s1;
	s6 =	smul.u32 $0xC0, s4  }
0x8: {  	_ =	strace $0x8000004A;
	s5 =	sshrl.u32 s1, $0x1;
	s11 =	smul.u32 $0x6000, s4  }
0x9: {  	s3 =	sadd.s32 $0x120C00, s0;
	s4 =	sadd.s32 $0x120D00, s0;
	s1 =	ssub.s32 s1, s5  }
0xa: {  	s17 =	sshrl.u32 s6, $0x3;
	s9 =	sor.u32 $0x30, s6;
	s19 =	sadd.s32 s8, s11  }
0xb: {  	s20 =	sadd.s32 $0x60, s6;
	s6 =	sadd.s32 $0x90, s6;
	s11 =	simm.s32 $0xA900  }
0xc: {  	s5 =	sadd.s32 s7, s17;
	s10 =	sshrl.u32 s9, $0x3;
	[dreg:$0x4] =	wrdreg s19  }
0xd: {  	s21 =	sshrl.u32 s20, $0x3;
	s9 =	sshll.u32 s9, $0x7;
	s22 =	sshrl.u32 s6, $0x3  }
0xe: {  	s23 =	sshll.u32 s20, $0x7;
	s25 =	sshll.u32 s6, $0x7;
	s6 =	sadd.s32 $0x120F00, s0  }
0xf: {  	s17 =	simm.s32 $0x1100;
	s19 =	simm.s32 $0x2100;
	s20 =	simm.s32 $0x2900  }
0x10: {  	[dreg:$0x2] =	wrdreg s5;
	s18 =	sadd.s32 s7, s10;
	s5 =	sadd.s32 $0x120E00, s0  }
0x11: {  	s10 =	sadd.s32 s7, s21;
	s9 =	sadd.s32 s8, s9;
	[dreg:$0x3] =	wrdreg s18  }
0x12: {  	s7 =	sadd.s32 s7, s22;
	s24 =	sadd.s32 s8, s23;
	[dreg:$0x5] =	wrdreg s10  }
0x13: {  	s26 =	sadd.s32 s8, s25;
	s8 =	simm.s32 $0x3;
	[dreg:$0x6] =	wrdreg s9  }
0x14: {  	s21 =	simm.s32 $0x3100;
	s22 =	simm.s32 $0x3900;
	[dreg:$0x7] =	wrdreg s7  }
0x15: {  	v2 =	vlaneseq.u32;
	s23 =	simm.s32 $0x4100;
	s25 =	simm.s32 $0x5100;
	[dreg:$0x8] =	wrdreg s24  }
0x16: {  	vm0 =	vmmov $0xffff;
	v1 =	vshrl.u32 v2, $0x3;
	[dreg:$0x9] =	wrdreg s26;
	s7 =	smax.u32 s1, $0x1;
	s9 =	simm.s32 $0x1  }
0x17: {  	v0 =	vand.u32 $0x7, v2;
	v2 =	vor.u32 $0x8, v2;
	v1 =	vmul.u32 $0x8, v1;
	s18 =	simm.s32 $0x1900;
	s24 =	simm.s32 $0x4900;
	s26 =	simm.s32 $0x5900  }
.LBB2_1:
0x18: {  	s15 =	rddreg [dreg:$0x2]  }
0x19: {  	[tilespmem:s2], [sflag:$0x3] =	stream.linear.gather [hbm4b:s15+s2], $0x30, $0x38;
	[tilespmem:$0x18100] =	vst v63  }
0x1a: {  	_ =	swait.ge [sflag:s8], $0x30  }
0x1b: {  	[sflag:s8] =	ssyncset.done $0x0  }
0x1c: {  	[sflag:s8] =	ssyncadd.s32 $0xFFFFFFD0  }
0x1d: {  	v3 =	vld [tilespmem:$0x0];
	_ =	sdelay $0x4  }
0x1e: {  	v4 =	vshll.u32 v3, $0x3  }
0x1f: {  	v3 =	vand.u32 $0x7, v3;
	v4 =	vand.u32 $0xFFFFFFC0, v4  }
0x20: {  	v3 =	vor.u32 v3, v4  }
0x21: {  	v4 =	vperm.xlane v3, v0;
	_ =	sdelay $0x1  }
0x22: {  	v4 =	vadd.s32 v1, v4;
	_ =	sdelay $0x3  }
0x23: {  	s0 =	simm.s32 $0x100  }
0x24: {  	[tilespmem:s0], [sflag:$0x1] =	stream.indirect_vreg.gather [hbm4b:s3+s2], $0x80, v4, vm0, $0xb8;
	[tilespmem:$0x18100] =	vst v63  }
0x25: {  	v3 =	vperm.xlane v3, v2  }
0x26: {  	[tilespmem:s16], [sflag:$0x1] =	stream.indirect_vreg.gather [hbm4b:s4+s2], $0x80, v4, vm0, $0xb8;
	[tilespmem:$0x18100] =	vst v63  }
0x27: {  	v3 =	vadd.s32 v1, v3  }
0x28: {  	[tilespmem:s17], [sflag:$0x1] =	stream.indirect_vreg.gather [hbm4b:s5+s2], $0x80, v4, vm0, $0xb8;
	[tilespmem:$0x18100] =	vst v63  }
0x29: {  	_ = 	snop  }
0x2a: {  	[tilespmem:s18], [sflag:$0x1] =	stream.indirect_vreg.gather [hbm4b:s6+s2], $0x80, v4, vm0, $0xb8;
	[tilespmem:$0x18100] =	vst v63  }
0x2b: {  	_ = 	snop  }
0x2c: {  	[tilespmem:s19], [sflag:$0x1] =	stream.indirect_vreg.gather [hbm4b:s3+s2], $0x80, v3, vm0, $0xb8;
	[tilespmem:$0x18100] =	vst v63  }
0x2d: {  	_ = 	snop  }
0x2e: {  	[tilespmem:s20], [sflag:$0x1] =	stream.indirect_vreg.gather [hbm4b:s4+s2], $0x80, v3, vm0, $0xb8;
	[tilespmem:$0x18100] =	vst v63  }
0x2f: {  	_ = 	snop  }
0x30: {  	[tilespmem:s21], [sflag:$0x1] =	stream.indirect_vreg.gather [hbm4b:s5+s2], $0x80, v3, vm0, $0xb8;
	[tilespmem:$0x18100] =	vst v63  }
0x31: {  	_ = 	snop  }
0x32: {  	[tilespmem:s22], [sflag:$0x1] =	stream.indirect_vreg.gather [hbm4b:s6+s2], $0x80, v3, vm0, $0xb8;
	[tilespmem:$0x18100] =	vst v63  }
0x33: {  	v3 =	vld [tilespmem:$0x10];
	_ =	sdelay $0x4  }
0x34: {  	v53 =	vshll.u32 v3, $0x3  }
0x35: {  	v3 =	vand.u32 $0x7, v3;
	v4 =	vand.u32 $0xFFFFFFC0, v53  }
0x36: {  	v3 =	vor.u32 v3, v4  }
0x37: {  	v4 =	vperm.xlane v3, v0;
	_ =	sdelay $0x1  }
0x38: {  	v4 =	vadd.s32 v1, v4;
	_ =	sdelay $0x4  }
0x39: {  	[tilespmem:s23], [sflag:$0x1] =	stream.indirect_vreg.gather [hbm4b:s3+s2], $0x80, v4, vm0, $0xb8;
	[tilespmem:$0x18100] =	vst v63  }
0x3a: {  	v3 =	vperm.xlane v3, v2  }
0x3b: {  	[tilespmem:s24], [sflag:$0x1] =	stream.indirect_vreg.gather [hbm4b:s4+s2], $0x80, v4, vm0, $0xb8;
	[tilespmem:$0x18100] =	vst v63  }
0x3c: {  	v3 =	vadd.s32 v1, v3  }
0x3d: {  	[tilespmem:s25], [sflag:$0x1] =	stream.indirect_vreg.gather [hbm4b:s5+s2], $0x80, v4, vm0, $0xb8;
	[tilespmem:$0x18100] =	vst v63  }
0x3e: {  	_ = 	snop  }
0x3f: {  	[tilespmem:s26], [sflag:$0x1] =	stream.indirect_vreg.gather [hbm4b:s6+s2], $0x80, v4, vm0, $0xb8;
	[tilespmem:$0x18100] =	vst v63  }
0x40: {  	_ = 	snop  }
0x41: {  	[tilespmem:s28], [sflag:$0x1] =	stream.indirect_vreg.gather [hbm4b:s3+s2], $0x80, v3, vm0, $0xb8;
	[tilespmem:$0x18100] =	vst v63  }
0x42: {  	_ = 	snop  }
0x43: {  	[tilespmem:s29], [sflag:$0x1] =	stream.indirect_vreg.gather [hbm4b:s4+s2], $0x80, v3, vm0, $0xb8;
	[tilespmem:$0x18100] =	vst v63  }
0x44: {  	_ = 	snop  }
0x45: {  	[tilespmem:s30], [sflag:$0x1] =	stream.indirect_vreg.gather [hbm4b:s5+s2], $0x80, v3, vm0, $0xb8;
	[tilespmem:$0x18100] =	vst v63  }
0x46: {  	_ = 	snop  }
0x47: {  	[tilespmem:s31], [sflag:$0x1] =	stream.indirect_vreg.gather [hbm4b:s6+s2], $0x80, v3, vm0, $0xb8;
	[tilespmem:$0x18100] =	vst v63  }
0x48: {  	v3 =	vld [tilespmem:$0x20];
	_ =	sdelay $0x4  }
0x49: {  	v54 =	vshll.u32 v3, $0x3  }
0x4a: {  	v3 =	vand.u32 $0x7, v3;
	v4 =	vand.u32 $0xFFFFFFC0, v54  }
0x4b: {  	v3 =	vor.u32 v3, v4  }
0x4c: {  	v4 =	vperm.xlane v3, v0;
	_ =	sdelay $0x1  }
0x4d: {  	v4 =	vadd.s32 v1, v4;
	_ =	sdelay $0x3  }
0x4e: {  	s1 =	simm.s32 $0x8100  }
0x4f: {  	[tilespmem:s1], [sflag:$0x1] =	stream.indirect_vreg.gather [hbm4b:s3+s2], $0x80, v4, vm0, $0xb8;
	[tilespmem:$0x18100] =	vst v63  }
0x50: {  	s10 =	simm.s32 $0x8900;
	v3 =	vperm.xlane v3, v2  }
0x51: {  	[tilespmem:s10], [sflag:$0x1] =	stream.indirect_vreg.gather [hbm4b:s4+s2], $0x80, v4, vm0, $0xb8;
	[tilespmem:$0x18100] =	vst v63  }
0x52: {  	v3 =	vadd.s32 v1, v3;
	s10 =	simm.s32 $0x9100  }
0x53: {  	[tilespmem:s10], [sflag:$0x1] =	stream.indirect_vreg.gather [hbm4b:s5+s2], $0x80, v4, vm0, $0xb8;
	[tilespmem:$0x18100] =	vst v63  }
0x54: {  	_ = 	snop  }
0x55: {  	[tilespmem:s12], [sflag:$0x1] =	stream.indirect_vreg.gather [hbm4b:s6+s2], $0x80, v4, vm0, $0xb8;
	[tilespmem:$0x18100] =	vst v63  }
0x56: {  	s13 =	simm.s32 $0xA100  }
0x57: {  	[tilespmem:s13], [sflag:$0x1] =	stream.indirect_vreg.gather [hbm4b:s3+s2], $0x80, v3, vm0, $0xb8;
	[tilespmem:$0x18100] =	vst v63  }
0x58: {  	_ = 	snop  }
0x59: {  	[tilespmem:s11], [sflag:$0x1] =	stream.indirect_vreg.gather [hbm4b:s4+s2], $0x80, v3, vm0, $0xb8;
	[tilespmem:$0x18100] =	vst v63  }
0x5a: {  	s15 =	simm.s32 $0xB100  }
0x5b: {  	[tilespmem:s15], [sflag:$0x1] =	stream.indirect_vreg.gather [hbm4b:s5+s2], $0x80, v3, vm0, $0xb8;
	[tilespmem:$0x18100] =	vst v63  }
0x5c: {  	s1 =	simm.s32 $0xB900  }
0x5d: {  	[tilespmem:s1], [sflag:$0x1] =	stream.indirect_vreg.gather [hbm4b:s6+s2], $0x80, v3, vm0, $0xb8;
	[tilespmem:$0x18100] =	vst v63  }
0x5e: {  	s0 =	rddreg [dreg:$0x3];
	s13 =	simm.s32 $0x80  }
0x5f: {  	[tilespmem:s13], [sflag:$0x3] =	stream.linear.gather [hbm4b:s0+s2], $0x30, $0x38;
	[tilespmem:$0x18100] =	vst v63  }
0x60: {  	_ =	swait.ge [sflag:s8], $0x30  }
0x61: {  	[sflag:s8] =	ssyncset.done $0x0  }
0x62: {  	[sflag:s8] =	ssyncadd.s32 $0xFFFFFFD0  }
0x63: {  	v3 =	vld [tilespmem:$0x80];
	_ =	sdelay $0x4  }
0x64: {  	v55 =	vshll.u32 v3, $0x3  }
0x65: {  	v3 =	vand.u32 $0x7, v3;
	v4 =	vand.u32 $0xFFFFFFC0, v55  }
0x66: {  	v3 =	vor.u32 v3, v4  }
0x67: {  	v4 =	vperm.xlane v3, v0;
	_ =	sdelay $0x1  }
0x68: {  	v4 =	vadd.s32 v1, v4;
	_ =	sdelay $0x3  }
0x69: {  	s0 =	simm.s32 $0xC100  }
0x6a: {  	[tilespmem:s0], [sflag:$0x2] =	stream.indirect_vreg.gather [hbm4b:s3+s2], $0x80, v4, vm0, $0xb8;
	[tilespmem:$0x18100] =	vst v63  }
0x6b: {  	s13 =	simm.s32 $0xC900;
	v3 =	vperm.xlane v3, v2  }
0x6c: {  	[tilespmem:s13], [sflag:$0x2] =	stream.indirect_vreg.gather [hbm4b:s4+s2], $0x80, v4, vm0, $0xb8;
	[tilespmem:$0x18100] =	vst v63  }
0x6d: {  	s15 =	simm.s32 $0xD100;
	v3 =	vadd.s32 v1, v3  }
0x6e: {  	[tilespmem:s15], [sflag:$0x2] =	stream.indirect_vreg.gather [hbm4b:s5+s2], $0x80, v4, vm0, $0xb8;
	[tilespmem:$0x18100] =	vst v63  }
0x6f: {  	s15 =	simm.s32 $0xD900  }
0x70: {  	[tilespmem:s15], [sflag:$0x2] =	stream.indirect_vreg.gather [hbm4b:s6+s2], $0x80, v4, vm0, $0xb8;
	[tilespmem:$0x18100] =	vst v63  }
0x71: {  	s15 =	simm.s32 $0xE100  }
0x72: {  	[tilespmem:s15], [sflag:$0x2] =	stream.indirect_vreg.gather [hbm4b:s3+s2], $0x80, v3, vm0, $0xb8;
	[tilespmem:$0x18100] =	vst v63  }
0x73: {  	s15 =	simm.s32 $0xE900  }
0x74: {  	[tilespmem:s15], [sflag:$0x2] =	stream.indirect_vreg.gather [hbm4b:s4+s2], $0x80, v3, vm0, $0xb8;
	[tilespmem:$0x18100] =	vst v63  }
0x75: {  	s15 =	simm.s32 $0xF100  }
0x76: {  	[tilespmem:s15], [sflag:$0x2] =	stream.indirect_vreg.gather [hbm4b:s5+s2], $0x80, v3, vm0, $0xb8;
	[tilespmem:$0x18100] =	vst v63  }
0x77: {  	s15 =	simm.s32 $0xF900  }
0x78: {  	[tilespmem:s15], [sflag:$0x2] =	stream.indirect_vreg.gather [hbm4b:s6+s2], $0x80, v3, vm0, $0xb8;
	[tilespmem:$0x18100] =	vst v63  }
0x79: {  	v3 =	vld [tilespmem:$0x90];
	_ =	sdelay $0x4  }
0x7a: {  	v56 =	vshll.u32 v3, $0x3  }
0x7b: {  	v3 =	vand.u32 $0x7, v3;
	v4 =	vand.u32 $0xFFFFFFC0, v56  }
0x7c: {  	v3 =	vor.u32 v3, v4  }
0x7d: {  	v4 =	vperm.xlane v3, v0;
	_ =	sdelay $0x1  }
0x7e: {  	v4 =	vadd.s32 v1, v4;
	_ =	sdelay $0x3  }
0x7f: {  	s15 =	simm.s32 $0x10100  }
0x80: {  	[tilespmem:s15], [sflag:$0x2] =	stream.indirect_vreg.gather [hbm4b:s3+s2], $0x80, v4, vm0, $0xb8;
	[tilespmem:$0x18100] =	vst v63  }
0x81: {  	v3 =	vperm.xlane v3, v2;
	s15 =	simm.s32 $0x10900  }
0x82: {  	[tilespmem:s15], [sflag:$0x2] =	stream.indirect_vreg.gather [hbm4b:s4+s2], $0x80, v4, vm0, $0xb8;
	[tilespmem:$0x18100] =	vst v63  }
0x83: {  	v3 =	vadd.s32 v1, v3;
	s15 =	simm.s32 $0x11100  }
0x84: {  	[tilespmem:s15], [sflag:$0x2] =	stream.indirect_vreg.gather [hbm4b:s5+s2], $0x80, v4, vm0, $0xb8;
	[tilespmem:$0x18100] =	vst v63  }
0x85: {  	s15 =	simm.s32 $0x11900  }
0x86: {  	[tilespmem:s15], [sflag:$0x2] =	stream.indirect_vreg.gather [hbm4b:s6+s2], $0x80, v4, vm0, $0xb8;
	[tilespmem:$0x18100] =	vst v63  }
0x87: {  	s15 =	simm.s32 $0x12100  }
0x88: {  	[tilespmem:s15], [sflag:$0x2] =	stream.indirect_vreg.gather [hbm4b:s3+s2], $0x80, v3, vm0, $0xb8;
	[tilespmem:$0x18100] =	vst v63  }
0x89: {  	s15 =	simm.s32 $0x12900  }
0x8a: {  	[tilespmem:s15], [sflag:$0x2] =	stream.indirect_vreg.gather [hbm4b:s4+s2], $0x80, v3, vm0, $0xb8;
	[tilespmem:$0x18100] =	vst v63  }
0x8b: {  	s15 =	simm.s32 $0x13100  }
0x8c: {  	[tilespmem:s15], [sflag:$0x2] =	stream.indirect_vreg.gather [hbm4b:s5+s2], $0x80, v3, vm0, $0xb8;
	[tilespmem:$0x18100] =	vst v63  }
0x8d: {  	s15 =	simm.s32 $0x13900  }
0x8e: {  	[tilespmem:s15], [sflag:$0x2] =	stream.indirect_vreg.gather [hbm4b:s6+s2], $0x80, v3, vm0, $0xb8;
	[tilespmem:$0x18100] =	vst v63  }
0x8f: {  	v3 =	vld [tilespmem:$0xA0];
	_ =	sdelay $0x4  }
0x90: {  	v57 =	vshll.u32 v3, $0x3  }
0x91: {  	v3 =	vand.u32 $0x7, v3;
	v4 =	vand.u32 $0xFFFFFFC0, v57  }
0x92: {  	v3 =	vor.u32 v3, v4  }
0x93: {  	v4 =	vperm.xlane v3, v0;
	_ =	sdelay $0x1  }
0x94: {  	v4 =	vadd.s32 v1, v4;
	_ =	sdelay $0x3  }
0x95: {  	s15 =	simm.s32 $0x14100  }
0x96: {  	[tilespmem:s15], [sflag:$0x2] =	stream.indirect_vreg.gather [hbm4b:s3+s2], $0x80, v4, vm0, $0xb8;
	[tilespmem:$0x18100] =	vst v63  }
0x97: {  	v3 =	vperm.xlane v3, v2;
	s15 =	simm.s32 $0x14900  }
0x98: {  	[tilespmem:s15], [sflag:$0x2] =	stream.indirect_vreg.gather [hbm4b:s4+s2], $0x80, v4, vm0, $0xb8;
	[tilespmem:$0x18100] =	vst v63  }
0x99: {  	v3 =	vadd.s32 v1, v3;
	s15 =	simm.s32 $0x15100  }
0x9a: {  	[tilespmem:s15], [sflag:$0x2] =	stream.indirect_vreg.gather [hbm4b:s5+s2], $0x80, v4, vm0, $0xb8;
	[tilespmem:$0x18100] =	vst v63  }
0x9b: {  	s15 =	simm.s32 $0x15900  }
0x9c: {  	[tilespmem:s15], [sflag:$0x2] =	stream.indirect_vreg.gather [hbm4b:s6+s2], $0x80, v4, vm0, $0xb8;
	[tilespmem:$0x18100] =	vst v63  }
0x9d: {  	s15 =	simm.s32 $0x16100  }
0x9e: {  	[tilespmem:s15], [sflag:$0x2] =	stream.indirect_vreg.gather [hbm4b:s3+s2], $0x80, v3, vm0, $0xb8;
	[tilespmem:$0x18100] =	vst v63  }
0x9f: {  	s15 =	simm.s32 $0x16900  }
0xa0: {  	[tilespmem:s15], [sflag:$0x2] =	stream.indirect_vreg.gather [hbm4b:s4+s2], $0x80, v3, vm0, $0xb8;
	[tilespmem:$0x18100] =	vst v63  }
0xa1: {  	s15 =	simm.s32 $0x17100  }
0xa2: {  	[tilespmem:s15], [sflag:$0x2] =	stream.indirect_vreg.gather [hbm4b:s5+s2], $0x80, v3, vm0, $0xb8;
	[tilespmem:$0x18100] =	vst v63  }
0xa3: {  	s15 =	simm.s32 $0x17900  }
0xa4: {  	[tilespmem:s15], [sflag:$0x2] =	stream.indirect_vreg.gather [hbm4b:s6+s2], $0x80, v3, vm0, $0xb8;
	[tilespmem:$0x18100] =	vst v63  }
0xa5: {  	_ =	swait.ge [sflag:s9], $0xC000  }
0xa6: {  	[sflag:s9] =	ssyncset.done $0x0  }
0xa7: {  	s13 =	simm.s32 $0x100;
	s15 =	rddreg [dreg:$0x4];
	[sflag:s9] =	ssyncadd.s32 $0xFFFF4000  }
0xa8: {  	[hbm4b:s15+s2] =	stream.linear.scatter [tilespmem:s13], [sflag:$0x3], $0xC000, $0x38;
	[tilespmem:$0x18100] =	vst v63  }
0xa9: {  	_ =	swait.ge [sflag:s8], $0xC000  }
0xaa: {  	[sflag:s8] =	ssyncset.done $0x0  }
0xab: {  	s15 =	rddreg [dreg:$0x5];
	[sflag:s8] =	ssyncadd.s32 $0xFFFF4000  }
0xac: {  	[tilespmem:s2], [sflag:$0x3] =	stream.linear.gather [hbm4b:s15+s2], $0x30, $0x38;
	[tilespmem:$0x18100] =	vst v63  }
0xad: {  	_ =	swait.ge [sflag:s8], $0x30  }
0xae: {  	[sflag:s8] =	ssyncset.done $0x0  }
0xaf: {  	[sflag:s8] =	ssyncadd.s32 $0xFFFFFFD0  }
0xb0: {  	v3 =	vld [tilespmem:$0x0];
	_ =	sdelay $0x4  }
0xb1: {  	v58 =	vshll.u32 v3, $0x3  }
0xb2: {  	v3 =	vand.u32 $0x7, v3;
	v4 =	vand.u32 $0xFFFFFFC0, v58  }
0xb3: {  	v3 =	vor.u32 v3, v4  }
0xb4: {  	v4 =	vperm.xlane v3, v0;
	_ =	sdelay $0x1  }
0xb5: {  	v4 =	vadd.s32 v1, v4;
	_ =	sdelay $0x4  }
0xb6: {  	[tilespmem:s13], [sflag:$0x1] =	stream.indirect_vreg.gather [hbm4b:s3+s2], $0x80, v4, vm0, $0xb8;
	[tilespmem:$0x18100] =	vst v63  }
0xb7: {  	v3 =	vperm.xlane v3, v2  }
0xb8: {  	[tilespmem:s16], [sflag:$0x1] =	stream.indirect_vreg.gather [hbm4b:s4+s2], $0x80, v4, vm0, $0xb8;
	[tilespmem:$0x18100] =	vst v63  }
0xb9: {  	v3 =	vadd.s32 v1, v3  }
0xba: {  	[tilespmem:s17], [sflag:$0x1] =	stream.indirect_vreg.gather [hbm4b:s5+s2], $0x80, v4, vm0, $0xb8;
	[tilespmem:$0x18100] =	vst v63  }
0xbb: {  	_ = 	snop  }
0xbc: {  	[tilespmem:s18], [sflag:$0x1] =	stream.indirect_vreg.gather [hbm4b:s6+s2], $0x80, v4, vm0, $0xb8;
	[tilespmem:$0x18100] =	vst v63  }
0xbd: {  	_ = 	snop  }
0xbe: {  	[tilespmem:s19], [sflag:$0x1] =	stream.indirect_vreg.gather [hbm4b:s3+s2], $0x80, v3, vm0, $0xb8;
	[tilespmem:$0x18100] =	vst v63  }
0xbf: {  	_ = 	snop  }
0xc0: {  	[tilespmem:s20], [sflag:$0x1] =	stream.indirect_vreg.gather [hbm4b:s4+s2], $0x80, v3, vm0, $0xb8;
	[tilespmem:$0x18100] =	vst v63  }
0xc1: {  	_ = 	snop  }
0xc2: {  	[tilespmem:s21], [sflag:$0x1] =	stream.indirect_vreg.gather [hbm4b:s5+s2], $0x80, v3, vm0, $0xb8;
	[tilespmem:$0x18100] =	vst v63  }
0xc3: {  	_ = 	snop  }
0xc4: {  	[tilespmem:s22], [sflag:$0x1] =	stream.indirect_vreg.gather [hbm4b:s6+s2], $0x80, v3, vm0, $0xb8;
	[tilespmem:$0x18100] =	vst v63  }
0xc5: {  	v3 =	vld [tilespmem:$0x10];
	_ =	sdelay $0x4  }
0xc6: {  	v59 =	vshll.u32 v3, $0x3  }
0xc7: {  	v3 =	vand.u32 $0x7, v3;
	v4 =	vand.u32 $0xFFFFFFC0, v59  }
0xc8: {  	v3 =	vor.u32 v3, v4  }
0xc9: {  	v4 =	vperm.xlane v3, v0;
	_ =	sdelay $0x1  }
0xca: {  	v4 =	vadd.s32 v1, v4;
	_ =	sdelay $0x4  }
0xcb: {  	[tilespmem:s23], [sflag:$0x1] =	stream.indirect_vreg.gather [hbm4b:s3+s2], $0x80, v4, vm0, $0xb8;
	[tilespmem:$0x18100] =	vst v63  }
0xcc: {  	v3 =	vperm.xlane v3, v2  }
0xcd: {  	[tilespmem:s24], [sflag:$0x1] =	stream.indirect_vreg.gather [hbm4b:s4+s2], $0x80, v4, vm0, $0xb8;
	[tilespmem:$0x18100] =	vst v63  }
0xce: {  	v3 =	vadd.s32 v1, v3  }
0xcf: {  	[tilespmem:s25], [sflag:$0x1] =	stream.indirect_vreg.gather [hbm4b:s5+s2], $0x80, v4, vm0, $0xb8;
	[tilespmem:$0x18100] =	vst v63  }
0xd0: {  	_ = 	snop  }
0xd1: {  	[tilespmem:s26], [sflag:$0x1] =	stream.indirect_vreg.gather [hbm4b:s6+s2], $0x80, v4, vm0, $0xb8;
	[tilespmem:$0x18100] =	vst v63  }
0xd2: {  	_ = 	snop  }
0xd3: {  	[tilespmem:s28], [sflag:$0x1] =	stream.indirect_vreg.gather [hbm4b:s3+s2], $0x80, v3, vm0, $0xb8;
	[tilespmem:$0x18100] =	vst v63  }
0xd4: {  	_ = 	snop  }
0xd5: {  	[tilespmem:s29], [sflag:$0x1] =	stream.indirect_vreg.gather [hbm4b:s4+s2], $0x80, v3, vm0, $0xb8;
	[tilespmem:$0x18100] =	vst v63  }
0xd6: {  	_ = 	snop  }
0xd7: {  	[tilespmem:s30], [sflag:$0x1] =	stream.indirect_vreg.gather [hbm4b:s5+s2], $0x80, v3, vm0, $0xb8;
	[tilespmem:$0x18100] =	vst v63  }
0xd8: {  	_ = 	snop  }
0xd9: {  	[tilespmem:s31], [sflag:$0x1] =	stream.indirect_vreg.gather [hbm4b:s6+s2], $0x80, v3, vm0, $0xb8;
	[tilespmem:$0x18100] =	vst v63  }
0xda: {  	v3 =	vld [tilespmem:$0x20];
	_ =	sdelay $0x4  }
0xdb: {  	v60 =	vshll.u32 v3, $0x3  }
0xdc: {  	v3 =	vand.u32 $0x7, v3;
	v4 =	vand.u32 $0xFFFFFFC0, v60  }
0xdd: {  	v3 =	vor.u32 v3, v4  }
0xde: {  	v4 =	vperm.xlane v3, v0;
	_ =	sdelay $0x1  }
0xdf: {  	v4 =	vadd.s32 v1, v4;
	_ =	sdelay $0x3  }
0xe0: {  	s15 =	simm.s32 $0x8100  }
0xe1: {  	[tilespmem:s15], [sflag:$0x1] =	stream.indirect_vreg.gather [hbm4b:s3+s2], $0x80, v4, vm0, $0xb8;
	[tilespmem:$0x18100] =	vst v63  }
0xe2: {  	v3 =	vperm.xlane v3, v2;
	s15 =	simm.s32 $0x8900  }
0xe3: {  	[tilespmem:s15], [sflag:$0x1] =	stream.indirect_vreg.gather [hbm4b:s4+s2], $0x80, v4, vm0, $0xb8;
	[tilespmem:$0x18100] =	vst v63  }
0xe4: {  	v3 =	vadd.s32 v1, v3  }
0xe5: {  	[tilespmem:s10], [sflag:$0x1] =	stream.indirect_vreg.gather [hbm4b:s5+s2], $0x80, v4, vm0, $0xb8;
	[tilespmem:$0x18100] =	vst v63  }
0xe6: {  	_ = 	snop  }
0xe7: {  	[tilespmem:s12], [sflag:$0x1] =	stream.indirect_vreg.gather [hbm4b:s6+s2], $0x80, v4, vm0, $0xb8;
	[tilespmem:$0x18100] =	vst v63  }
0xe8: {  	s13 =	simm.s32 $0xA100  }
0xe9: {  	[tilespmem:s13], [sflag:$0x1] =	stream.indirect_vreg.gather [hbm4b:s3+s2], $0x80, v3, vm0, $0xb8;
	[tilespmem:$0x18100] =	vst v63  }
0xea: {  	_ = 	snop  }
0xeb: {  	[tilespmem:s11], [sflag:$0x1] =	stream.indirect_vreg.gather [hbm4b:s4+s2], $0x80, v3, vm0, $0xb8;
	[tilespmem:$0x18100] =	vst v63  }
0xec: {  	s15 =	simm.s32 $0xB100  }
0xed: {  	[tilespmem:s15], [sflag:$0x1] =	stream.indirect_vreg.gather [hbm4b:s5+s2], $0x80, v3, vm0, $0xb8;
	[tilespmem:$0x18100] =	vst v63  }
0xee: {  	_ = 	snop  }
0xef: {  	[tilespmem:s1], [sflag:$0x1] =	stream.indirect_vreg.gather [hbm4b:s6+s2], $0x80, v3, vm0, $0xb8;
	[tilespmem:$0x18100] =	vst v63  }
0xf0: {  	_ =	swait.ge [sflag:s14], $0xC000  }
0xf1: {  	[sflag:s14] =	ssyncset.done $0x0  }
0xf2: {  	s13 =	rddreg [dreg:$0x6];
	[sflag:s14] =	ssyncadd.s32 $0xFFFF4000  }
0xf3: {  	[hbm4b:s13+s2] =	stream.linear.scatter [tilespmem:s0], [sflag:$0x3], $0xC000, $0x38;
	[tilespmem:$0x18100] =	vst v63  }
0xf4: {  	_ =	swait.ge [sflag:s8], $0xC000  }
0xf5: {  	[sflag:s8] =	ssyncset.done $0x0  }
0xf6: {  	s10 =	simm.s32 $0x80;
	s1 =	rddreg [dreg:$0x7];
	[sflag:s8] =	ssyncadd.s32 $0xFFFF4000  }
0xf7: {  	[tilespmem:s10], [sflag:$0x3] =	stream.linear.gather [hbm4b:s1+s2], $0x30, $0x38;
	[tilespmem:$0x18100] =	vst v63  }
0xf8: {  	_ =	swait.ge [sflag:s8], $0x30  }
0xf9: {  	[sflag:s8] =	ssyncset.done $0x0  }
0xfa: {  	[sflag:s8] =	ssyncadd.s32 $0xFFFFFFD0  }
0xfb: {  	v3 =	vld [tilespmem:$0x80];
	_ =	sdelay $0x4  }
0xfc: {  	v61 =	vshll.u32 v3, $0x3  }
0xfd: {  	v3 =	vand.u32 $0x7, v3;
	v4 =	vand.u32 $0xFFFFFFC0, v61  }
0xfe: {  	v3 =	vor.u32 v3, v4  }
0xff: {  	v4 =	vperm.xlane v3, v0;
	_ =	sdelay $0x1  }
0x100: {  	v4 =	vadd.s32 v1, v4;
	_ =	sdelay $0x4  }
0x101: {  	[tilespmem:s0], [sflag:$0x2] =	stream.indirect_vreg.gather [hbm4b:s3+s2], $0x80, v4, vm0, $0xb8;
	[tilespmem:$0x18100] =	vst v63  }
0x102: {  	s13 =	simm.s32 $0xC900;
	v3 =	vperm.xlane v3, v2  }
0x103: {  	[tilespmem:s13], [sflag:$0x2] =	stream.indirect_vreg.gather [hbm4b:s4+s2], $0x80, v4, vm0, $0xb8;
	[tilespmem:$0x18100] =	vst v63  }
0x104: {  	s15 =	simm.s32 $0xD100;
	v3 =	vadd.s32 v1, v3  }
0x105: {  	[tilespmem:s15], [sflag:$0x2] =	stream.indirect_vreg.gather [hbm4b:s5+s2], $0x80, v4, vm0, $0xb8;
	[tilespmem:$0x18100] =	vst v63  }
0x106: {  	s10 =	simm.s32 $0xD900  }
0x107: {  	[tilespmem:s10], [sflag:$0x2] =	stream.indirect_vreg.gather [hbm4b:s6+s2], $0x80, v4, vm0, $0xb8;
	[tilespmem:$0x18100] =	vst v63  }
0x108: {  	s13 =	simm.s32 $0xE100  }
0x109: {  	[tilespmem:s13], [sflag:$0x2] =	stream.indirect_vreg.gather [hbm4b:s3+s2], $0x80, v3, vm0, $0xb8;
	[tilespmem:$0x18100] =	vst v63  }
0x10a: {  	s15 =	simm.s32 $0xE900  }
0x10b: {  	[tilespmem:s15], [sflag:$0x2] =	stream.indirect_vreg.gather [hbm4b:s4+s2], $0x80, v3, vm0, $0xb8;
	[tilespmem:$0x18100] =	vst v63  }
0x10c: {  	s10 =	simm.s32 $0xF100  }
0x10d: {  	[tilespmem:s10], [sflag:$0x2] =	stream.indirect_vreg.gather [hbm4b:s5+s2], $0x80, v3, vm0, $0xb8;
	[tilespmem:$0x18100] =	vst v63  }
0x10e: {  	s13 =	simm.s32 $0xF900  }
0x10f: {  	[tilespmem:s13], [sflag:$0x2] =	stream.indirect_vreg.gather [hbm4b:s6+s2], $0x80, v3, vm0, $0xb8;
	[tilespmem:$0x18100] =	vst v63  }
0x110: {  	v3 =	vld [tilespmem:$0x90];
	_ =	sdelay $0x4  }
0x111: {  	v62 =	vshll.u32 v3, $0x3  }
0x112: {  	v3 =	vand.u32 $0x7, v3;
	v4 =	vand.u32 $0xFFFFFFC0, v62  }
0x113: {  	v3 =	vor.u32 v3, v4  }
0x114: {  	v4 =	vperm.xlane v3, v0;
	_ =	sdelay $0x1  }
0x115: {  	v4 =	vadd.s32 v1, v4;
	_ =	sdelay $0x3  }
0x116: {  	s15 =	simm.s32 $0x10100  }
0x117: {  	[tilespmem:s15], [sflag:$0x2] =	stream.indirect_vreg.gather [hbm4b:s3+s2], $0x80, v4, vm0, $0xb8;
	[tilespmem:$0x18100] =	vst v63  }
0x118: {  	s10 =	simm.s32 $0x10900;
	v3 =	vperm.xlane v3, v2  }
0x119: {  	[tilespmem:s10], [sflag:$0x2] =	stream.indirect_vreg.gather [hbm4b:s4+s2], $0x80, v4, vm0, $0xb8;
	[tilespmem:$0x18100] =	vst v63  }
0x11a: {  	s13 =	simm.s32 $0x11100;
	v3 =	vadd.s32 v1, v3  }
0x11b: {  	[tilespmem:s13], [sflag:$0x2] =	stream.indirect_vreg.gather [hbm4b:s5+s2], $0x80, v4, vm0, $0xb8;
	[tilespmem:$0x18100] =	vst v63  }
0x11c: {  	s15 =	simm.s32 $0x11900  }
0x11d: {  	[tilespmem:s15], [sflag:$0x2] =	stream.indirect_vreg.gather [hbm4b:s6+s2], $0x80, v4, vm0, $0xb8;
	[tilespmem:$0x18100] =	vst v63  }
0x11e: {  	s10 =	simm.s32 $0x12100  }
0x11f: {  	[tilespmem:s10], [sflag:$0x2] =	stream.indirect_vreg.gather [hbm4b:s3+s2], $0x80, v3, vm0, $0xb8;
	[tilespmem:$0x18100] =	vst v63  }
0x120: {  	s13 =	simm.s32 $0x12900  }
0x121: {  	[tilespmem:s13], [sflag:$0x2] =	stream.indirect_vreg.gather [hbm4b:s4+s2], $0x80, v3, vm0, $0xb8;
	[tilespmem:$0x18100] =	vst v63  }
0x122: {  	s15 =	simm.s32 $0x13100  }
0x123: {  	[tilespmem:s15], [sflag:$0x2] =	stream.indirect_vreg.gather [hbm4b:s5+s2], $0x80, v3, vm0, $0xb8;
	[tilespmem:$0x18100] =	vst v63  }
0x124: {  	s10 =	simm.s32 $0x13900  }
0x125: {  	[tilespmem:s10], [sflag:$0x2] =	stream.indirect_vreg.gather [hbm4b:s6+s2], $0x80, v3, vm0, $0xb8;
	[tilespmem:$0x18100] =	vst v63  }
0x126: {  	v3 =	vld [tilespmem:$0xA0];
	_ =	sdelay $0x4  }
0x127: {  	v63 =	vshll.u32 v3, $0x3  }
0x128: {  	v3 =	vand.u32 $0x7, v3;
	v4 =	vand.u32 $0xFFFFFFC0, v63  }
0x129: {  	v3 =	vor.u32 v3, v4  }
0x12a: {  	v4 =	vperm.xlane v3, v0;
	_ =	sdelay $0x1  }
0x12b: {  	v4 =	vadd.s32 v1, v4;
	_ =	sdelay $0x3  }
0x12c: {  	s13 =	simm.s32 $0x14100  }
0x12d: {  	[tilespmem:s13], [sflag:$0x2] =	stream.indirect_vreg.gather [hbm4b:s3+s2], $0x80, v4, vm0, $0xb8;
	[tilespmem:$0x18100] =	vst v63  }
0x12e: {  	s15 =	simm.s32 $0x14900;
	v3 =	vperm.xlane v3, v2  }
0x12f: {  	[tilespmem:s15], [sflag:$0x2] =	stream.indirect_vreg.gather [hbm4b:s4+s2], $0x80, v4, vm0, $0xb8;
	[tilespmem:$0x18100] =	vst v63  }
0x130: {  	s10 =	simm.s32 $0x15100;
	v3 =	vadd.s32 v1, v3  }
0x131: {  	[tilespmem:s10], [sflag:$0x2] =	stream.indirect_vreg.gather [hbm4b:s5+s2], $0x80, v4, vm0, $0xb8;
	[tilespmem:$0x18100] =	vst v63  }
0x132: {  	s13 =	simm.s32 $0x15900  }
0x133: {  	[tilespmem:s13], [sflag:$0x2] =	stream.indirect_vreg.gather [hbm4b:s6+s2], $0x80, v4, vm0, $0xb8;
	[tilespmem:$0x18100] =	vst v63  }
0x134: {  	s15 =	simm.s32 $0x16100  }
0x135: {  	[tilespmem:s15], [sflag:$0x2] =	stream.indirect_vreg.gather [hbm4b:s3+s2], $0x80, v3, vm0, $0xb8;
	[tilespmem:$0x18100] =	vst v63  }
0x136: {  	s10 =	simm.s32 $0x16900  }
0x137: {  	[tilespmem:s10], [sflag:$0x2] =	stream.indirect_vreg.gather [hbm4b:s4+s2], $0x80, v3, vm0, $0xb8;
	[tilespmem:$0x18100] =	vst v63  }
0x138: {  	s13 =	simm.s32 $0x17100  }
0x139: {  	[tilespmem:s13], [sflag:$0x2] =	stream.indirect_vreg.gather [hbm4b:s5+s2], $0x80, v3, vm0, $0xb8;
	[tilespmem:$0x18100] =	vst v63  }
0x13a: {  	s15 =	simm.s32 $0x17900  }
0x13b: {  	[tilespmem:s15], [sflag:$0x2] =	stream.indirect_vreg.gather [hbm4b:s6+s2], $0x80, v3, vm0, $0xb8;
	[tilespmem:$0x18100] =	vst v63  }
0x13c: {  	_ =	swait.ge [sflag:s9], $0xC000  }
0x13d: {  	[sflag:s9] =	ssyncset.done $0x0  }
0x13e: {  	s10 =	simm.s32 $0x100;
	s1 =	rddreg [dreg:$0x8];
	[sflag:s9] =	ssyncadd.s32 $0xFFFF4000  }
0x13f: {  	[hbm4b:s1+s2] =	stream.linear.scatter [tilespmem:s10], [sflag:$0x3], $0xC000, $0x38;
	[tilespmem:$0x18100] =	vst v63  }
0x140: {  	_ =	swait.ge [sflag:s8], $0xC000  }
0x141: {  	[sflag:s8] =	ssyncset.done $0x0  }
0x142: {  	[sflag:s8] =	ssyncadd.s32 $0xFFFF4000  }
0x143: {  	_ =	swait.ge [sflag:s14], $0xC000  }
0x144: {  	p0 =	sne.s32 s7, $0x1;
	[sflag:s14] =	ssyncset.done $0x0  }
.Ltmp0:
0x145: {  	s13 =	rddreg [dreg:$0x9];
	[sflag:s14] =	ssyncadd.s32 $0xFFFF4000;
	(pc) =	sbr.rel @p0 .LBB2_1-.Ltmp0, $4  }
0x146: {  	[hbm4b:s13+s2] =	stream.linear.scatter [tilespmem:s0], [sflag:$0x3], $0xC000, $0x38;
	[tilespmem:$0x18100] =	vst v63  }
0x147: {  	_ =	swait.ge [sflag:s8], $0xC000  }
0x148: {  	[sflag:s8] =	ssyncset.done $0x0  }
0x149: {  	s7 =	sadd.s32 $0xFFFFFFFF, s7;
	[sflag:s8] =	ssyncadd.s32 $0xFFFF4000  }
0x14a: {  	_ =	sfence.sel $0x180000  }
0x14b: {  	[bflag:$0x0] =	sbarrier.arrive $0xFFFF  }
0x14c: {  	_ =	strace $0x9000004A  }
0x14d: {  	s0 =	stileid.u32;
	[bflag:$0x2] =	sbarrier.arrive $0xFFFF  }
0x14e: {  	p0 =	sne.s32 s0, $0x0;
	s0 =	rddreg [dreg:$0x1]  }
0x14f: {  	s0 =	sadd.s32 @!p0 $0x100000, s0  }
0x150: {  	[sflag:s0] =	ssyncadd.tile.s32 @!p0 $0x1;
	_ =	shalt  }
.Lfunc_end2:
_tile_overlayer_lowered:
.L_overlay_start_2:
0x151: {  	(tag) =	ssettag $0x2  }
0x152: {  	s0 =	rddreg [dreg:$0x0];
	s2 =	stileid.u32  }
0x153: {  	s1 =	rddreg [dreg:$0x1];
	p0 =	sne.s32 s2, $0x0  }
0x154: {  	s3 =	rddreg [dreg:$0x2];
	[bflag:$0x3] =	sbarrier.arrive $0xFFFF;
	s2 =	simm.s32 @!p0 $0x1C03  }
0x155: {  	[timem:s3], [sflag:s2] =	dma.local @!p0 [hbm:s0], s1  }
0x156: {  	s0 =	simm.s32 @!p0 $0x3  }
0x157: {  	_ =	swait.ge @!p0 [sflag:s0], s1  }
0x158: {  	s1 =	ssub.s32 @!p0 $0x0, s1;
	[sflag:s0] =	ssyncset.done @!p0 $0x0  }
0x159: {  	[sflag:s0] =	ssyncadd.s32 @!p0 s1  }
0x15a: {  	[bflag:$0x3] =	sbarrier.arrive $0xFFFF  }
0x15b: {  	_ =	shalt  }

// kernel: kernel.7.cloned.1.call-start
scs
__scs_entry_jumppad:
0x0: {  	(pc) =	sbr.rel $0x88, $3  }
0x1: {  	(tag) =	ssettag $0x0;
	lr =	simm.s32 $0x1  }
0x2: {  	[smem:$0x3F7A] =	sst lr;
	_ =	strace $0xD0000000  }
0x3: {  	_ = 	snop  }
0x4: {  	_ = 	snop  }
0x5: {  	_ = 	snop  }
0x6: {  	_ = 	snop  }
0x7: {  	_ = 	snop  }
__scs_overlays_trampoline_lowered:
0x8: {  	[smem:$0x3F89] =	sst s0  }
0x9: {  	[smem:$0x3F8A] =	sst s1  }
0xa: {  	[smem:$0x3F8B] =	sst s2  }
0xb: {  	[smem:$0x3F8C] =	sst s3  }
0xc: {  	[smem:$0x3F8D] =	sst s4  }
0xd: {  	[smem:$0x3F8E] =	sst s5  }
0xe: {  	[smem:$0x3F8F] =	sst s6  }
0xf: {  	[smem:$0x3F90] =	sst s7  }
0x10: {  	[smem:$0x3F91] =	sst s8  }
0x11: {  	[smem:$0x3F92] =	sst s9;
	s0 =	simm.s32 @!p0 $0x0  }
0x12: {  	s1 =	sld [smem:$0x3F78];
	s0 =	simm.s32 @p0 $0x1  }
0x13: {  	[smem:$0x3F93] =	sst s0;
	s0 =	simm.s32 @!p1 $0x0  }
0x14: {  	s2 =	sld [smem:$0x3F77];
	s0 =	simm.s32 @p1 $0x1  }
0x15: {  	[smem:$0x3F94] =	sst s0;
	s0 =	simm.s32 @!p2 $0x0  }
0x16: {  	s3 =	sld [smem:$0x3FDB];
	s0 =	simm.s32 @p2 $0x1  }
0x17: {  	s4 =	simm.s32 $0x1BF5;
	[smem:$0x3F96] =	sst s0  }
0x18: {  	s0 =	sld [smem:$0x3F79];
	_ =	swait.ge [sflag:s4], $0x0  }
0x19: {  	s7 =	sld [smem:$0x3F7A]  }
0x1a: {  	s8 =	sadd.s32 $0xFFFFE003, lr  }
0x1b: {  	s9 =	sadd.s32 $0xFFFFFEF7, lr;
	s5 =	simm.s32 $0xFFFFFFFF;
	p2 =	slt.u32 s8, $0xFFFFF086  }
0x1c: {  	p1 =	slt.u32 s9, $0xF7A;
	s5 =	simm.s32 @!p2 $0x0  }
0x1d: {  	s5 =	simm.s32 @p1 $0x1;
	p0 =	seq.s32 s7, s2  }
0x1e: {  	s7 =	smul.u32 @!p0 $0xF7A, s2;
	p2 =	seq.s32 @!p0 s5, $0x0  }
0x1f: {  	s9 =	smul.u32 $0xF7A, s1;
	s8 =	simm.s32 @!p0 $0x1BF5;
	p2 =	por !p2, p0  }
0x20: {  	[sflag:s8] =	ssyncset.s32 @!p0 $0xFFFFF086;
	s6 =	sadd.s32 @!p0 s3, s7;
	s7 =	simm.s32 @!p0 $0x108  }
0x21: {  	s3 =	sadd.s32 s3, s9;
	s6 =	sadd.s32 @!p0 $0x88, s6;
	s7 =	simm.s32 @p2 $0x1082  }
0x22: {  	[simem:s7], [sflag:s8] =	dma.local @!p0 [hbm:s6], $0xF7A  }
0x23: {  	s9 =	sor.u32 $0xD0000000, s2;
	s6 =	simm.s32 $0x108;
	_ =	swait.ge @!p0 [sflag:s8], $0x0  }
0x24: {  	s3 =	sadd.s32 $0x88, s3;
	s6 =	simm.s32 @!p1 $0x1082;
	[sflag:s4] =	ssyncset.s32 $0xFFFFF086  }
0x25: {  	[simem:s6], [sflag:s4] =	dma.local [hbm:s3], $0xF7A  }
0x26: {  	[smem:$0x3F7A] =	sst s1;
	(tag) =	ssettag s2;
	_ =	strace s9  }
0x27: {  	s1 =	sld [smem:$0x3F8A]  }
0x28: {  	s2 =	sld [smem:$0x3F8B]  }
0x29: {  	s4 =	sld [smem:$0x3F8D]  }
0x2a: {  	p0 =	seq.s32 s5, $0x0;
	s5 =	sld [smem:$0x3F8E]  }
0x2b: {  	s6 =	sld [smem:$0x3F8F]  }
0x2c: {  	s7 =	sld [smem:$0x3F90]  }
0x2d: {  	s3 =	simm.s32 $0x108;
	s8 =	sld [smem:$0x3F91]  }
0x2e: {  	s3 =	simm.s32 @!p0 $0x1082;
	s9 =	sld [smem:$0x3F92]  }
0x2f: {  	lr =	sadd.s32 s0, s3;
	s0 =	sld [smem:$0x3F89]  }
0x30: {  	s3 =	sld [smem:$0x3F8C]  }
0x31: {  	[smem:$0x3F95] =	sst s10  }
0x32: {  	s10 =	sld [smem:$0x3F93];
	_ =	sdelay $0x3  }
0x33: {  	p0 =	seq.s32 s10, $0x1;
	s10 =	sld [smem:$0x3F95];
	_ =	sdelay $0x3  }
0x34: {  	[smem:$0x3F95] =	sst s10  }
0x35: {  	s10 =	sld [smem:$0x3F94];
	_ =	sdelay $0x3  }
0x36: {  	p1 =	seq.s32 s10, $0x1;
	s10 =	sld [smem:$0x3F95];
	_ =	sdelay $0x3  }
0x37: {  	[smem:$0x3F95] =	sst s10  }
0x38: {  	s10 =	sld [smem:$0x3F96]  }
0x39: {  	_ = 	snop;
	(pc) =	sbr.ind lr, $3  }
0x3a: {  	_ = 	snop  }
0x3b: {  	_ = 	snop  }
0x3c: {  	p2 =	seq.s32 s10, $0x1;
	s10 =	sld [smem:$0x3F95]  }
0x3d: {  	_ =	shalt  }
0x3e: {  	_ =	shalt  }
0x3f: {  	_ =	shalt  }
0x40: {  	_ =	shalt  }
0x41: {  	_ =	shalt  }
0x42: {  	_ =	shalt  }
0x43: {  	_ =	shalt  }
0x44: {  	_ =	shalt  }
0x45: {  	_ =	shalt  }
0x46: {  	_ =	shalt  }
0x47: {  	_ =	shalt  }
0x48: {  	_ =	shalt  }
0x49: {  	_ =	shalt  }
0x4a: {  	_ =	shalt  }
0x4b: {  	_ =	shalt  }
0x4c: {  	_ =	shalt  }
0x4d: {  	_ =	shalt  }
0x4e: {  	_ =	shalt  }
0x4f: {  	_ =	shalt  }
0x50: {  	_ =	shalt  }
0x51: {  	_ =	shalt  }
0x52: {  	_ =	shalt  }
0x53: {  	_ =	shalt  }
0x54: {  	_ =	shalt  }
0x55: {  	_ =	shalt  }
0x56: {  	_ =	shalt  }
0x57: {  	_ =	shalt  }
0x58: {  	_ =	shalt  }
0x59: {  	_ =	shalt  }
0x5a: {  	_ =	shalt  }
0x5b: {  	_ =	shalt  }
0x5c: {  	_ =	shalt  }
0x5d: {  	_ =	shalt  }
0x5e: {  	_ =	shalt  }
0x5f: {  	_ =	shalt  }
0x60: {  	_ =	shalt  }
0x61: {  	_ =	shalt  }
0x62: {  	_ =	shalt  }
0x63: {  	_ =	shalt  }
0x64: {  	_ =	shalt  }
0x65: {  	_ =	shalt  }
0x66: {  	_ =	shalt  }
0x67: {  	_ =	shalt  }
0x68: {  	_ =	shalt  }
0x69: {  	_ =	shalt  }
0x6a: {  	_ =	shalt  }
0x6b: {  	_ =	shalt  }
0x6c: {  	_ =	shalt  }
0x6d: {  	_ =	shalt  }
0x6e: {  	_ =	shalt  }
0x6f: {  	_ =	shalt  }
0x70: {  	_ =	shalt  }
0x71: {  	_ =	shalt  }
0x72: {  	_ =	shalt  }
0x73: {  	_ =	shalt  }
0x74: {  	_ =	shalt  }
0x75: {  	_ =	shalt  }
0x76: {  	_ =	shalt  }
0x77: {  	_ =	shalt  }
0x78: {  	_ =	shalt  }
0x79: {  	_ =	shalt  }
0x7a: {  	_ =	shalt  }
0x7b: {  	_ =	shalt  }
0x7c: {  	_ =	shalt  }
0x7d: {  	_ =	shalt  }
0x7e: {  	_ =	shalt  }
0x7f: {  	_ =	shalt  }
0x80: {  	_ =	shalt  }
0x81: {  	_ =	shalt  }
0x82: {  	_ =	shalt  }
0x83: {  	_ =	shalt  }
0x84: {  	_ =	shalt  }
0x85: {  	_ =	shalt  }
0x86: {  	_ =	shalt  }
0x87: {  	_ =	shalt  }
.Lfunc_end0:
.L_simem_size_0:
called_computation_lowered:
.L_overlay_start_0:
0x88: {  	s2 =	sld [smem:$0x3FD9]  }
0x89: {  	s3 =	sld [smem:$0x3FFE];
	_ =	sdelay $0x1  }
0x8a: {  	s1 =	srdreg.scid  }
0x8b: {  	s0 =	sand.u32 $0x1, s1  }
0x8c: {  	s14 =	sshll.u32 s0, $0xA;
	s2 =	sadd.s32 s3, s2  }
0x8d: {  	s2 =	sadd.s32 s2, s14  }
0x8e: {  	[smem:$0x3FA1] =	sst s2  }
0x8f: {  	_ = 	snop  }
0x90: {  	s2 =	sld [smem:$0x3FD0];
	_ =	sdelay $0x2  }
0x91: {  	s4 =	simm.s32 $0xA;
	s5 =	simm.s32 $0x10;
	s15 =	sld [smem:$0x3FC9]  }
0x92: {  	[smem:s5], [sflag:s4] =	dma.local [hbm:s2], $0x1  }
0x93: {  	_ =	swait.eq [sflag:s4], $0x1  }
0x94: {  	[sflag:s4] =	ssyncset.done $0x0  }
0x95: {  	[sflag:s4] =	ssyncadd.s32 $0xFFFFFFFF  }
0x96: {  	s16 =	sld [smem:$0x11];
	(tm) =	ssettm $0x1  }
0x97: {  	s17 =	sld [smem:$0x3FFB];
	_ =	sdelay $0x3  }
0x98: {  	_ =	strace s17  }
0x99: {  	s4 =	sld [smem:$0x3FFC];
	_ =	sdelay $0x3  }
0x9a: {  	_ =	strace s4  }
0x9b: {  	s4 =	sld [smem:$0x3FFD];
	_ =	sdelay $0x3  }
0x9c: {  	_ =	strace s4  }
0x9d: {  	_ =	strace $0x8FFFFFFF  }
0x9e: {  	s18 =	sld [smem:$0x3FDB];
	_ =	sdelay $0x1  }
0x9f: {  	s19 =	simm.s32 $_scs_section_size  }
0xa0: {  	s6 =	simm.s32 $_size__tile_overlayer_lowered;
	s7 =	simm.s32 $_tile_overlayer_lowered  }
0xa1: {  	s22 =	simm.s32 $0x1BFF;
	s21 =	sshll.u32 s7, $0x1;
	s4 =	sadd.s32 s19, s18  }
0xa2: {  	s8 =	simm.s32 $0x0;
	s20 =	sshll.u32 s6, $0x1;
	s6 =	sadd.s32 s21, s4  }
0xa3: {  	[timem:s8], [sflag:s22] =	dma.local [hbm:s6], s20  }
0xa4: {  	_ =	swait.ge [sflag:s22], s20  }
0xa5: {  	s5 =	ssub.s32 $0x0, s20;
	[sflag:s22] =	ssyncset.done $0x0  }
0xa6: {  	[sflag:s22] =	ssyncadd.s32 s5;
	_ =	sdelay $0x1  }
0xa7: {  	s23 =	simm.s32 $0x1B8B  }
0xa8: {  	_ =	swait.ge [sflag:s23], $0x1  }
0xa9: {  	[sflag:s23] =	ssyncset.done $0x0  }
0xaa: {  	s25 =	simm.s32 $0x1B8E;
	s24 =	sld [smem:$0x3FFE];
	[sflag:s23] =	ssyncadd.s32 $0xFFFFFFFF  }
0xab: {  	s26 =	simm.s32 $execute0_lowered;
	[smem:$0x3FD2] =	sst s25  }
0xac: {  	s6 =	sshll.u32 s26, $0x1;
	_ =	strace $0x80000046;
	[dreg:$0x1] =	wrdreg $0xFFFFFFFF  }
0xad: {  	s28 =	simm.s32 $_size_execute0_lowered;
	s4 =	sadd.s32 s4, s6;
	[dreg:$0x0] =	wrdreg $0x0  }
0xae: {  	s6 =	sshll.u32 s28, $0x1;
	[dreg:$0x2] =	wrdreg s4  }
0xaf: {  	[dreg:$0x3] =	wrdreg s6  }
0xb0: {  	[dreg:$0x4] =	wrdreg $0xC0  }
0xb1: {  	_ =	task [dreg:s8], $0x5FFFF  }
0xb2: {  	[dreg:$0x1] =	wrdreg $0xFFFFFFFF  }
0xb3: {  	[dreg:$0x0] =	wrdreg $0x60  }
0xb4: {  	[dreg:$0x2] =	wrdreg s15  }
0xb5: {  	[dreg:$0x3] =	wrdreg s16  }
0xb6: {  	[dreg:$0x4] =	wrdreg s24  }
0xb7: {  	[dreg:$0x5] =	wrdreg $0x9  }
0xb8: {  	_ =	task.clear_ibuf [dreg:s8], $0x6FFFF;
	_ =	strace $0x90000046  }
0xb9: {  	s29 =	simm.s32 $0x9;
	_ =	strace $0x80000048  }
0xba: {  	_ =	swait.ge [sflag:s29], $0x1  }
0xbb: {  	[sflag:s29] =	ssyncadd.s32 $0xFFFFFFFF  }
0xbc: {  	_ =	strace $0x90000048  }
0xbd: {  	_ =	sfence  }
0xbe: {  	s30 =	sld [smem:$0x0];
	_ =	sdelay $0x2  }
0xbf: {  	s31 =	sshll.u32 s1, $0xD;
	s1 =	sshrl.u32 s1, $0x2  }
0xc0: {  	s3 =	sand.u32 $0x4000, s31;
	s1 =	sadd.s32 s1, s30  }
0xc1: {  	s0 =	sor.u32 s3, s0;
	s1 =	sshll.u32 s1, $0x11  }
0xc2: {  	s0 =	sor.u32 s1, s0  }
0xc3: {  	s0 =	sadd.s32 $0x8F2B, s0  }
0xc4: {  	[sflag:s0] =	ssyncadd.remote.s32 $0x1  }
0xc5: {  	_ =	sfence.sel $0xFFFF  }
0xc6: {  	[dreg:$0x0] =	wrdreg $0xFFFFFFFF;
	(pc) =	sbr.abs _section_cstart, $3  }
0xc7: {  	[dreg:$0x1] =	wrdreg $0xFFFFFFFF  }
0xc8: {  	_ =	task.clear_ibuf [dreg:s8], $0x2FFFF;
	_ =	strace $0x9FFFFFFF  }
0xc9: {  	(tm) =	ssettm $0x7FFFFFFF  }
tec
execute0_lowered:
.L_overlay_start_1:
0x0: {  	(tag) =	ssettag $0x1  }
0x1: {  	s0 =	rddreg [dreg:$0x0]  }
0x2: {  	s1 =	rddreg [dreg:$0x1]  }
0x3: {  	s4 =	rddreg [dreg:$0x2]  }
0x4: {  	s2 =	simm.s32 $0x0;
	s3 =	srdreg.scid;
	s6 =	stileid.u32  }
0x5: {  	s10 =	simm.s32 $0x4;
	s25 =	simm.s32 $0x80;
	s26 =	simm.s32 $0x100  }
0x6: {  	s28 =	simm.s32 $0x2180;
	s29 =	simm.s32 $0x2980;
	s30 =	simm.s32 $0x3180  }
0x7: {  	s31 =	simm.s32 $0x3980;
	s11 =	simm.s32 $0x5980;
	s12 =	simm.s32 $0x6180  }
0x8: {  	s13 =	simm.s32 $0x6980;
	s14 =	simm.s32 $0x7180;
	s15 =	simm.s32 $0x7980  }
0x9: {  	s16 =	simm.s32 $0x8180;
	s17 =	simm.s32 $0x8980;
	s18 =	simm.s32 $0x9180  }
0xa: {  	s19 =	simm.s32 $0x9980;
	s20 =	simm.s32 $0xA180;
	s21 =	simm.s32 $0xA980  }
0xb: {  	s9 =	simm.s32 $0xB180;
	[smem:$0x7FF] =	sst s2;
	s5 =	sand.u32 $0x1, s3  }
0xc: {  	s22 =	sshll.u32 s6, $0x1;
	s3 =	sadd.s32 $0x12600, s4;
	_ =	strace $0x80000047  }
0xd: {  	s6 =	sor.u32 s5, s22;
	s5 =	ssub.s32 $0x2, s5;
	[dreg:$0x7] =	wrdreg s25  }
0xe: {  	[dreg:$0x8] =	wrdreg s26;
	s25 =	simm.s32 $0x1180;
	s26 =	simm.s32 $0x1980  }
0xf: {  	s7 =	sshll.u32 s6, $0xD;
	s8 =	sshrl.u32 s5, $0x1;
	s6 =	sshll.u32 s6, $0x4  }
0x10: {  	s0 =	sadd.s32 s0, s7;
	s8 =	ssub.s32 s5, s8;
	s1 =	sadd.s32 s1, s6  }
0x11: {  	s5 =	sadd.s32 $0x12700, s4;
	s6 =	sadd.s32 $0x12800, s4;
	[dreg:$0x4] =	wrdreg s0  }
0x12: {  	v2 =	vlaneseq.u32;
	s7 =	sadd.s32 $0x12900, s4;
	s23 =	sadd.s32 $0x200, s1;
	[dreg:$0x9] =	wrdreg s1  }
0x13: {  	vm0 =	vmmov $0xffff;
	v1 =	vshrl.u32 v2, $0x3;
	s4 =	simm.s32 $0x5180;
	s24 =	sadd.s32 $0x400, s1;
	[dreg:$0x5] =	wrdreg s23  }
0x14: {  	v0 =	vand.u32 $0x7, v2;
	v2 =	vor.u32 $0x8, v2;
	v1 =	vmul.u32 $0x8, v1;
	s8 =	smax.u32 s8, $0x1;
	[dreg:$0x6] =	wrdreg s24;
	s24 =	simm.s32 $0x980  }
.LBB2_1:
0x15: {  	s22 =	rddreg [dreg:$0x4];
	s0 =	simm.s32 $0x180  }
0x16: {  	[tilespmem:s0], [sflag:$0x4] =	stream.linear.gather [hbm4b:s22+s2], $0x10000, $0x38;
	[tilespmem:$0x10180] =	vst v63  }
0x17: {  	_ =	swait.ge [sflag:s10], $0x10000  }
0x18: {  	[sflag:s10] =	ssyncset.done $0x0  }
0x19: {  	s1 =	rddreg [dreg:$0x9];
	[sflag:s10] =	ssyncadd.s32 $0xFFFF0000  }
0x1a: {  	[tilespmem:s2], [sflag:$0x4] =	stream.linear.gather [hbm4b:s1+s2], $0x80, $0x38;
	[tilespmem:$0x10180] =	vst v63  }
0x1b: {  	_ =	swait.ge [sflag:s10], $0x80  }
0x1c: {  	[sflag:s10] =	ssyncset.done $0x0  }
0x1d: {  	[sflag:s10] =	ssyncadd.s32 $0xFFFFFF80  }
0x1e: {  	v3 =	vld [tilespmem:$0x0];
	_ =	sdelay $0x4  }
0x1f: {  	v4 =	vshll.u32 v3, $0x3  }
0x20: {  	v3 =	vand.u32 $0x7, v3;
	v4 =	vand.u32 $0xFFFFFFC0, v4  }
0x21: {  	v3 =	vor.u32 v3, v4  }
0x22: {  	v4 =	vperm.xlane v3, v0;
	_ =	sdelay $0x1  }
0x23: {  	v4 =	vadd.s32 v1, v4;
	_ =	sdelay $0x4  }
0x24: {  	[hbm4b:s3+s2] =	stream.indirect_vreg.scatter [tilespmem:s0], [sflag:$0x1], $0x80, v4, vm0, $0xb8;
	[tilespmem:$0x10180] =	vst v63  }
0x25: {  	v3 =	vperm.xlane v3, v2  }
0x26: {  	[hbm4b:s5+s2] =	stream.indirect_vreg.scatter [tilespmem:s24], [sflag:$0x1], $0x80, v4, vm0, $0xb8;
	[tilespmem:$0x10180] =	vst v63  }
0x27: {  	v3 =	vadd.s32 v1, v3  }
0x28: {  	[hbm4b:s6+s2] =	stream.indirect_vreg.scatter [tilespmem:s25], [sflag:$0x1], $0x80, v4, vm0, $0xb8;
	[tilespmem:$0x10180] =	vst v63  }
0x29: {  	_ = 	snop  }
0x2a: {  	[hbm4b:s7+s2] =	stream.indirect_vreg.scatter [tilespmem:s26], [sflag:$0x1], $0x80, v4, vm0, $0xb8;
	[tilespmem:$0x10180] =	vst v63  }
0x2b: {  	_ = 	snop  }
0x2c: {  	[hbm4b:s3+s2] =	stream.indirect_vreg.scatter [tilespmem:s28], [sflag:$0x1], $0x80, v3, vm0, $0xb8;
	[tilespmem:$0x10180] =	vst v63  }
0x2d: {  	_ = 	snop  }
0x2e: {  	[hbm4b:s5+s2] =	stream.indirect_vreg.scatter [tilespmem:s29], [sflag:$0x1], $0x80, v3, vm0, $0xb8;
	[tilespmem:$0x10180] =	vst v63  }
0x2f: {  	_ = 	snop  }
0x30: {  	[hbm4b:s6+s2] =	stream.indirect_vreg.scatter [tilespmem:s30], [sflag:$0x1], $0x80, v3, vm0, $0xb8;
	[tilespmem:$0x10180] =	vst v63  }
0x31: {  	_ = 	snop  }
0x32: {  	[hbm4b:s7+s2] =	stream.indirect_vreg.scatter [tilespmem:s31], [sflag:$0x1], $0x80, v3, vm0, $0xb8;
	[tilespmem:$0x10180] =	vst v63  }
0x33: {  	v3 =	vld [tilespmem:$0x10];
	_ =	sdelay $0x4  }
0x34: {  	v53 =	vshll.u32 v3, $0x3  }
0x35: {  	v3 =	vand.u32 $0x7, v3;
	v4 =	vand.u32 $0xFFFFFFC0, v53  }
0x36: {  	v3 =	vor.u32 v3, v4  }
0x37: {  	v4 =	vperm.xlane v3, v0;
	_ =	sdelay $0x1  }
0x38: {  	v4 =	vadd.s32 v1, v4;
	_ =	sdelay $0x3  }
0x39: {  	s1 =	simm.s32 $0x4180  }
0x3a: {  	[hbm4b:s3+s2] =	stream.indirect_vreg.scatter [tilespmem:s1], [sflag:$0x1], $0x80, v4, vm0, $0xb8;
	[tilespmem:$0x10180] =	vst v63  }
0x3b: {  	s22 =	simm.s32 $0x4980;
	v3 =	vperm.xlane v3, v2  }
0x3c: {  	[hbm4b:s5+s2] =	stream.indirect_vreg.scatter [tilespmem:s22], [sflag:$0x1], $0x80, v4, vm0, $0xb8;
	[tilespmem:$0x10180] =	vst v63  }
0x3d: {  	v3 =	vadd.s32 v1, v3  }
0x3e: {  	[hbm4b:s6+s2] =	stream.indirect_vreg.scatter [tilespmem:s4], [sflag:$0x1], $0x80, v4, vm0, $0xb8;
	[tilespmem:$0x10180] =	vst v63  }
0x3f: {  	_ = 	snop  }
0x40: {  	[hbm4b:s7+s2] =	stream.indirect_vreg.scatter [tilespmem:s11], [sflag:$0x1], $0x80, v4, vm0, $0xb8;
	[tilespmem:$0x10180] =	vst v63  }
0x41: {  	_ = 	snop  }
0x42: {  	[hbm4b:s3+s2] =	stream.indirect_vreg.scatter [tilespmem:s12], [sflag:$0x1], $0x80, v3, vm0, $0xb8;
	[tilespmem:$0x10180] =	vst v63  }
0x43: {  	_ = 	snop  }
0x44: {  	[hbm4b:s5+s2] =	stream.indirect_vreg.scatter [tilespmem:s13], [sflag:$0x1], $0x80, v3, vm0, $0xb8;
	[tilespmem:$0x10180] =	vst v63  }
0x45: {  	_ = 	snop  }
0x46: {  	[hbm4b:s6+s2] =	stream.indirect_vreg.scatter [tilespmem:s14], [sflag:$0x1], $0x80, v3, vm0, $0xb8;
	[tilespmem:$0x10180] =	vst v63  }
0x47: {  	_ = 	snop  }
0x48: {  	[hbm4b:s7+s2] =	stream.indirect_vreg.scatter [tilespmem:s15], [sflag:$0x1], $0x80, v3, vm0, $0xb8;
	[tilespmem:$0x10180] =	vst v63  }
0x49: {  	v3 =	vld [tilespmem:$0x20];
	_ =	sdelay $0x4  }
0x4a: {  	v54 =	vshll.u32 v3, $0x3  }
0x4b: {  	v3 =	vand.u32 $0x7, v3;
	v4 =	vand.u32 $0xFFFFFFC0, v54  }
0x4c: {  	v3 =	vor.u32 v3, v4  }
0x4d: {  	v4 =	vperm.xlane v3, v0;
	_ =	sdelay $0x1  }
0x4e: {  	v4 =	vadd.s32 v1, v4;
	_ =	sdelay $0x4  }
0x4f: {  	[hbm4b:s3+s2] =	stream.indirect_vreg.scatter [tilespmem:s16], [sflag:$0x1], $0x80, v4, vm0, $0xb8;
	[tilespmem:$0x10180] =	vst v63  }
0x50: {  	v3 =	vperm.xlane v3, v2  }
0x51: {  	[hbm4b:s5+s2] =	stream.indirect_vreg.scatter [tilespmem:s17], [sflag:$0x1], $0x80, v4, vm0, $0xb8;
	[tilespmem:$0x10180] =	vst v63  }
0x52: {  	v3 =	vadd.s32 v1, v3  }
0x53: {  	[hbm4b:s6+s2] =	stream.indirect_vreg.scatter [tilespmem:s18], [sflag:$0x1], $0x80, v4, vm0, $0xb8;
	[tilespmem:$0x10180] =	vst v63  }
0x54: {  	_ = 	snop  }
0x55: {  	[hbm4b:s7+s2] =	stream.indirect_vreg.scatter [tilespmem:s19], [sflag:$0x1], $0x80, v4, vm0, $0xb8;
	[tilespmem:$0x10180] =	vst v63  }
0x56: {  	_ = 	snop  }
0x57: {  	[hbm4b:s3+s2] =	stream.indirect_vreg.scatter [tilespmem:s20], [sflag:$0x1], $0x80, v3, vm0, $0xb8;
	[tilespmem:$0x10180] =	vst v63  }
0x58: {  	_ = 	snop  }
0x59: {  	[hbm4b:s5+s2] =	stream.indirect_vreg.scatter [tilespmem:s21], [sflag:$0x1], $0x80, v3, vm0, $0xb8;
	[tilespmem:$0x10180] =	vst v63  }
0x5a: {  	_ = 	snop  }
0x5b: {  	[hbm4b:s6+s2] =	stream.indirect_vreg.scatter [tilespmem:s9], [sflag:$0x1], $0x80, v3, vm0, $0xb8;
	[tilespmem:$0x10180] =	vst v63  }
0x5c: {  	s23 =	simm.s32 $0xB980  }
0x5d: {  	[hbm4b:s7+s2] =	stream.indirect_vreg.scatter [tilespmem:s23], [sflag:$0x1], $0x80, v3, vm0, $0xb8;
	[tilespmem:$0x10180] =	vst v63  }
0x5e: {  	v3 =	vld [tilespmem:$0x30];
	_ =	sdelay $0x4  }
0x5f: {  	v55 =	vshll.u32 v3, $0x3  }
0x60: {  	v3 =	vand.u32 $0x7, v3;
	v4 =	vand.u32 $0xFFFFFFC0, v55  }
0x61: {  	v3 =	vor.u32 v3, v4  }
0x62: {  	v4 =	vperm.xlane v3, v0;
	_ =	sdelay $0x1  }
0x63: {  	v4 =	vadd.s32 v1, v4;
	_ =	sdelay $0x3  }
0x64: {  	s22 =	simm.s32 $0xC180  }
0x65: {  	[hbm4b:s3+s2] =	stream.indirect_vreg.scatter [tilespmem:s22], [sflag:$0x1], $0x80, v4, vm0, $0xb8;
	[tilespmem:$0x10180] =	vst v63  }
0x66: {  	s23 =	simm.s32 $0xC980;
	v3 =	vperm.xlane v3, v2  }
0x67: {  	[hbm4b:s5+s2] =	stream.indirect_vreg.scatter [tilespmem:s23], [sflag:$0x1], $0x80, v4, vm0, $0xb8;
	[tilespmem:$0x10180] =	vst v63  }
0x68: {  	v3 =	vadd.s32 v1, v3;
	s22 =	simm.s32 $0xD180  }
0x69: {  	[hbm4b:s6+s2] =	stream.indirect_vreg.scatter [tilespmem:s22], [sflag:$0x1], $0x80, v4, vm0, $0xb8;
	[tilespmem:$0x10180] =	vst v63  }
0x6a: {  	s23 =	simm.s32 $0xD980  }
0x6b: {  	[hbm4b:s7+s2] =	stream.indirect_vreg.scatter [tilespmem:s23], [sflag:$0x1], $0x80, v4, vm0, $0xb8;
	[tilespmem:$0x10180] =	vst v63  }
0x6c: {  	s22 =	simm.s32 $0xE180  }
0x6d: {  	[hbm4b:s3+s2] =	stream.indirect_vreg.scatter [tilespmem:s22], [sflag:$0x1], $0x80, v3, vm0, $0xb8;
	[tilespmem:$0x10180] =	vst v63  }
0x6e: {  	s23 =	simm.s32 $0xE980  }
0x6f: {  	[hbm4b:s5+s2] =	stream.indirect_vreg.scatter [tilespmem:s23], [sflag:$0x1], $0x80, v3, vm0, $0xb8;
	[tilespmem:$0x10180] =	vst v63  }
0x70: {  	s22 =	simm.s32 $0xF180  }
0x71: {  	[hbm4b:s6+s2] =	stream.indirect_vreg.scatter [tilespmem:s22], [sflag:$0x1], $0x80, v3, vm0, $0xb8;
	[tilespmem:$0x10180] =	vst v63  }
0x72: {  	s1 =	simm.s32 $0xF980;
	s23 =	rddreg [dreg:$0x7]  }
0x73: {  	[hbm4b:s7+s2] =	stream.indirect_vreg.scatter [tilespmem:s1], [sflag:$0x1], $0x80, v3, vm0, $0xb8;
	[tilespmem:$0x10180] =	vst v63  }
0x74: {  	s22 =	rddreg [dreg:$0x5]  }
0x75: {  	[tilespmem:s23], [sflag:$0x4] =	stream.linear.gather [hbm4b:s22+s2], $0x80, $0x38;
	[tilespmem:$0x10180] =	vst v63  }
0x76: {  	_ =	swait.ge [sflag:s10], $0x80  }
0x77: {  	[sflag:s10] =	ssyncset.done $0x0  }
0x78: {  	[sflag:s10] =	ssyncadd.s32 $0xFFFFFF80  }
0x79: {  	v3 =	vld [tilespmem:$0x80];
	_ =	sdelay $0x4  }
0x7a: {  	v56 =	vshll.u32 v3, $0x3  }
0x7b: {  	v3 =	vand.u32 $0x7, v3;
	v4 =	vand.u32 $0xFFFFFFC0, v56  }
0x7c: {  	v3 =	vor.u32 v3, v4  }
0x7d: {  	v4 =	vperm.xlane v3, v0;
	_ =	sdelay $0x1  }
0x7e: {  	v4 =	vadd.s32 v1, v4;
	_ =	sdelay $0x4  }
0x7f: {  	[hbm4b:s3+s2] =	stream.indirect_vreg.scatter [tilespmem:s0], [sflag:$0x2], $0x80, v4, vm0, $0xb8;
	[tilespmem:$0x10180] =	vst v63  }
0x80: {  	v3 =	vperm.xlane v3, v2  }
0x81: {  	[hbm4b:s5+s2] =	stream.indirect_vreg.scatter [tilespmem:s24], [sflag:$0x2], $0x80, v4, vm0, $0xb8;
	[tilespmem:$0x10180] =	vst v63  }
0x82: {  	v3 =	vadd.s32 v1, v3  }
0x83: {  	[hbm4b:s6+s2] =	stream.indirect_vreg.scatter [tilespmem:s25], [sflag:$0x2], $0x80, v4, vm0, $0xb8;
	[tilespmem:$0x10180] =	vst v63  }
0x84: {  	_ = 	snop  }
0x85: {  	[hbm4b:s7+s2] =	stream.indirect_vreg.scatter [tilespmem:s26], [sflag:$0x2], $0x80, v4, vm0, $0xb8;
	[tilespmem:$0x10180] =	vst v63  }
0x86: {  	_ = 	snop  }
0x87: {  	[hbm4b:s3+s2] =	stream.indirect_vreg.scatter [tilespmem:s28], [sflag:$0x2], $0x80, v3, vm0, $0xb8;
	[tilespmem:$0x10180] =	vst v63  }
0x88: {  	_ = 	snop  }
0x89: {  	[hbm4b:s5+s2] =	stream.indirect_vreg.scatter [tilespmem:s29], [sflag:$0x2], $0x80, v3, vm0, $0xb8;
	[tilespmem:$0x10180] =	vst v63  }
0x8a: {  	_ = 	snop  }
0x8b: {  	[hbm4b:s6+s2] =	stream.indirect_vreg.scatter [tilespmem:s30], [sflag:$0x2], $0x80, v3, vm0, $0xb8;
	[tilespmem:$0x10180] =	vst v63  }
0x8c: {  	_ = 	snop  }
0x8d: {  	[hbm4b:s7+s2] =	stream.indirect_vreg.scatter [tilespmem:s31], [sflag:$0x2], $0x80, v3, vm0, $0xb8;
	[tilespmem:$0x10180] =	vst v63  }
0x8e: {  	v3 =	vld [tilespmem:$0x90];
	_ =	sdelay $0x4  }
0x8f: {  	v57 =	vshll.u32 v3, $0x3  }
0x90: {  	v3 =	vand.u32 $0x7, v3;
	v4 =	vand.u32 $0xFFFFFFC0, v57  }
0x91: {  	v3 =	vor.u32 v3, v4  }
0x92: {  	v4 =	vperm.xlane v3, v0;
	_ =	sdelay $0x1  }
0x93: {  	v4 =	vadd.s32 v1, v4;
	_ =	sdelay $0x3  }
0x94: {  	s23 =	simm.s32 $0x4180  }
0x95: {  	[hbm4b:s3+s2] =	stream.indirect_vreg.scatter [tilespmem:s23], [sflag:$0x2], $0x80, v4, vm0, $0xb8;
	[tilespmem:$0x10180] =	vst v63  }
0x96: {  	v3 =	vperm.xlane v3, v2;
	s23 =	simm.s32 $0x4980  }
0x97: {  	[hbm4b:s5+s2] =	stream.indirect_vreg.scatter [tilespmem:s23], [sflag:$0x2], $0x80, v4, vm0, $0xb8;
	[tilespmem:$0x10180] =	vst v63  }
0x98: {  	v3 =	vadd.s32 v1, v3  }
0x99: {  	[hbm4b:s6+s2] =	stream.indirect_vreg.scatter [tilespmem:s4], [sflag:$0x2], $0x80, v4, vm0, $0xb8;
	[tilespmem:$0x10180] =	vst v63  }
0x9a: {  	_ = 	snop  }
0x9b: {  	[hbm4b:s7+s2] =	stream.indirect_vreg.scatter [tilespmem:s11], [sflag:$0x2], $0x80, v4, vm0, $0xb8;
	[tilespmem:$0x10180] =	vst v63  }
0x9c: {  	_ = 	snop  }
0x9d: {  	[hbm4b:s3+s2] =	stream.indirect_vreg.scatter [tilespmem:s12], [sflag:$0x2], $0x80, v3, vm0, $0xb8;
	[tilespmem:$0x10180] =	vst v63  }
0x9e: {  	_ = 	snop  }
0x9f: {  	[hbm4b:s5+s2] =	stream.indirect_vreg.scatter [tilespmem:s13], [sflag:$0x2], $0x80, v3, vm0, $0xb8;
	[tilespmem:$0x10180] =	vst v63  }
0xa0: {  	_ = 	snop  }
0xa1: {  	[hbm4b:s6+s2] =	stream.indirect_vreg.scatter [tilespmem:s14], [sflag:$0x2], $0x80, v3, vm0, $0xb8;
	[tilespmem:$0x10180] =	vst v63  }
0xa2: {  	_ = 	snop  }
0xa3: {  	[hbm4b:s7+s2] =	stream.indirect_vreg.scatter [tilespmem:s15], [sflag:$0x2], $0x80, v3, vm0, $0xb8;
	[tilespmem:$0x10180] =	vst v63  }
0xa4: {  	v3 =	vld [tilespmem:$0xA0];
	_ =	sdelay $0x4  }
0xa5: {  	v58 =	vshll.u32 v3, $0x3  }
0xa6: {  	v3 =	vand.u32 $0x7, v3;
	v4 =	vand.u32 $0xFFFFFFC0, v58  }
0xa7: {  	v3 =	vor.u32 v3, v4  }
0xa8: {  	v4 =	vperm.xlane v3, v0;
	_ =	sdelay $0x1  }
0xa9: {  	v4 =	vadd.s32 v1, v4;
	_ =	sdelay $0x4  }
0xaa: {  	[hbm4b:s3+s2] =	stream.indirect_vreg.scatter [tilespmem:s16], [sflag:$0x2], $0x80, v4, vm0, $0xb8;
	[tilespmem:$0x10180] =	vst v63  }
0xab: {  	v3 =	vperm.xlane v3, v2  }
0xac: {  	[hbm4b:s5+s2] =	stream.indirect_vreg.scatter [tilespmem:s17], [sflag:$0x2], $0x80, v4, vm0, $0xb8;
	[tilespmem:$0x10180] =	vst v63  }
0xad: {  	v3 =	vadd.s32 v1, v3  }
0xae: {  	[hbm4b:s6+s2] =	stream.indirect_vreg.scatter [tilespmem:s18], [sflag:$0x2], $0x80, v4, vm0, $0xb8;
	[tilespmem:$0x10180] =	vst v63  }
0xaf: {  	_ = 	snop  }
0xb0: {  	[hbm4b:s7+s2] =	stream.indirect_vreg.scatter [tilespmem:s19], [sflag:$0x2], $0x80, v4, vm0, $0xb8;
	[tilespmem:$0x10180] =	vst v63  }
0xb1: {  	_ = 	snop  }
0xb2: {  	[hbm4b:s3+s2] =	stream.indirect_vreg.scatter [tilespmem:s20], [sflag:$0x2], $0x80, v3, vm0, $0xb8;
	[tilespmem:$0x10180] =	vst v63  }
0xb3: {  	_ = 	snop  }
0xb4: {  	[hbm4b:s5+s2] =	stream.indirect_vreg.scatter [tilespmem:s21], [sflag:$0x2], $0x80, v3, vm0, $0xb8;
	[tilespmem:$0x10180] =	vst v63  }
0xb5: {  	_ = 	snop  }
0xb6: {  	[hbm4b:s6+s2] =	stream.indirect_vreg.scatter [tilespmem:s9], [sflag:$0x2], $0x80, v3, vm0, $0xb8;
	[tilespmem:$0x10180] =	vst v63  }
0xb7: {  	s23 =	simm.s32 $0xB980  }
0xb8: {  	[hbm4b:s7+s2] =	stream.indirect_vreg.scatter [tilespmem:s23], [sflag:$0x2], $0x80, v3, vm0, $0xb8;
	[tilespmem:$0x10180] =	vst v63  }
0xb9: {  	v3 =	vld [tilespmem:$0xB0];
	_ =	sdelay $0x4  }
0xba: {  	v59 =	vshll.u32 v3, $0x3  }
0xbb: {  	v3 =	vand.u32 $0x7, v3;
	v4 =	vand.u32 $0xFFFFFFC0, v59  }
0xbc: {  	v3 =	vor.u32 v3, v4  }
0xbd: {  	v4 =	vperm.xlane v3, v0;
	_ =	sdelay $0x1  }
0xbe: {  	v4 =	vadd.s32 v1, v4;
	_ =	sdelay $0x3  }
0xbf: {  	s23 =	simm.s32 $0xC180  }
0xc0: {  	[hbm4b:s3+s2] =	stream.indirect_vreg.scatter [tilespmem:s23], [sflag:$0x2], $0x80, v4, vm0, $0xb8;
	[tilespmem:$0x10180] =	vst v63  }
0xc1: {  	v3 =	vperm.xlane v3, v2;
	s23 =	simm.s32 $0xC980  }
0xc2: {  	[hbm4b:s5+s2] =	stream.indirect_vreg.scatter [tilespmem:s23], [sflag:$0x2], $0x80, v4, vm0, $0xb8;
	[tilespmem:$0x10180] =	vst v63  }
0xc3: {  	v3 =	vadd.s32 v1, v3;
	s23 =	simm.s32 $0xD180  }
0xc4: {  	[hbm4b:s6+s2] =	stream.indirect_vreg.scatter [tilespmem:s23], [sflag:$0x2], $0x80, v4, vm0, $0xb8;
	[tilespmem:$0x10180] =	vst v63  }
0xc5: {  	s23 =	simm.s32 $0xD980  }
0xc6: {  	[hbm4b:s7+s2] =	stream.indirect_vreg.scatter [tilespmem:s23], [sflag:$0x2], $0x80, v4, vm0, $0xb8;
	[tilespmem:$0x10180] =	vst v63  }
0xc7: {  	s23 =	simm.s32 $0xE180  }
0xc8: {  	[hbm4b:s3+s2] =	stream.indirect_vreg.scatter [tilespmem:s23], [sflag:$0x2], $0x80, v3, vm0, $0xb8;
	[tilespmem:$0x10180] =	vst v63  }
0xc9: {  	s23 =	simm.s32 $0xE980  }
0xca: {  	[hbm4b:s5+s2] =	stream.indirect_vreg.scatter [tilespmem:s23], [sflag:$0x2], $0x80, v3, vm0, $0xb8;
	[tilespmem:$0x10180] =	vst v63  }
0xcb: {  	s23 =	simm.s32 $0xF180  }
0xcc: {  	[hbm4b:s6+s2] =	stream.indirect_vreg.scatter [tilespmem:s23], [sflag:$0x2], $0x80, v3, vm0, $0xb8;
	[tilespmem:$0x10180] =	vst v63  }
0xcd: {  	s22 =	rddreg [dreg:$0x6]  }
0xce: {  	[hbm4b:s7+s2] =	stream.indirect_vreg.scatter [tilespmem:s1], [sflag:$0x2], $0x80, v3, vm0, $0xb8;
	[tilespmem:$0x10180] =	vst v63  }
0xcf: {  	s23 =	rddreg [dreg:$0x8]  }
0xd0: {  	[tilespmem:s23], [sflag:$0x4] =	stream.linear.gather [hbm4b:s22+s2], $0x80, $0x38;
	[tilespmem:$0x10180] =	vst v63  }
0xd1: {  	_ =	swait.ge [sflag:s10], $0x80  }
0xd2: {  	[sflag:s10] =	ssyncset.done $0x0  }
0xd3: {  	[sflag:s10] =	ssyncadd.s32 $0xFFFFFF80  }
0xd4: {  	v3 =	vld [tilespmem:$0x100];
	_ =	sdelay $0x4  }
0xd5: {  	v60 =	vshll.u32 v3, $0x3  }
0xd6: {  	v3 =	vand.u32 $0x7, v3;
	v4 =	vand.u32 $0xFFFFFFC0, v60  }
0xd7: {  	v3 =	vor.u32 v3, v4  }
0xd8: {  	v4 =	vperm.xlane v3, v0;
	_ =	sdelay $0x1  }
0xd9: {  	v4 =	vadd.s32 v1, v4;
	_ =	sdelay $0x4  }
0xda: {  	[hbm4b:s3+s2] =	stream.indirect_vreg.scatter [tilespmem:s0], [sflag:$0x3], $0x80, v4, vm0, $0xb8;
	[tilespmem:$0x10180] =	vst v63  }
0xdb: {  	v3 =	vperm.xlane v3, v2  }
0xdc: {  	[hbm4b:s5+s2] =	stream.indirect_vreg.scatter [tilespmem:s24], [sflag:$0x3], $0x80, v4, vm0, $0xb8;
	[tilespmem:$0x10180] =	vst v63  }
0xdd: {  	v3 =	vadd.s32 v1, v3  }
0xde: {  	[hbm4b:s6+s2] =	stream.indirect_vreg.scatter [tilespmem:s25], [sflag:$0x3], $0x80, v4, vm0, $0xb8;
	[tilespmem:$0x10180] =	vst v63  }
0xdf: {  	_ = 	snop  }
0xe0: {  	[hbm4b:s7+s2] =	stream.indirect_vreg.scatter [tilespmem:s26], [sflag:$0x3], $0x80, v4, vm0, $0xb8;
	[tilespmem:$0x10180] =	vst v63  }
0xe1: {  	_ = 	snop  }
0xe2: {  	[hbm4b:s3+s2] =	stream.indirect_vreg.scatter [tilespmem:s28], [sflag:$0x3], $0x80, v3, vm0, $0xb8;
	[tilespmem:$0x10180] =	vst v63  }
0xe3: {  	_ = 	snop  }
0xe4: {  	[hbm4b:s5+s2] =	stream.indirect_vreg.scatter [tilespmem:s29], [sflag:$0x3], $0x80, v3, vm0, $0xb8;
	[tilespmem:$0x10180] =	vst v63  }
0xe5: {  	_ = 	snop  }
0xe6: {  	[hbm4b:s6+s2] =	stream.indirect_vreg.scatter [tilespmem:s30], [sflag:$0x3], $0x80, v3, vm0, $0xb8;
	[tilespmem:$0x10180] =	vst v63  }
0xe7: {  	_ = 	snop  }
0xe8: {  	[hbm4b:s7+s2] =	stream.indirect_vreg.scatter [tilespmem:s31], [sflag:$0x3], $0x80, v3, vm0, $0xb8;
	[tilespmem:$0x10180] =	vst v63  }
0xe9: {  	v3 =	vld [tilespmem:$0x110];
	_ =	sdelay $0x4  }
0xea: {  	v61 =	vshll.u32 v3, $0x3  }
0xeb: {  	v3 =	vand.u32 $0x7, v3;
	v4 =	vand.u32 $0xFFFFFFC0, v61  }
0xec: {  	v3 =	vor.u32 v3, v4  }
0xed: {  	v4 =	vperm.xlane v3, v0;
	_ =	sdelay $0x1  }
0xee: {  	v4 =	vadd.s32 v1, v4;
	_ =	sdelay $0x3  }
0xef: {  	s22 =	simm.s32 $0x4180  }
0xf0: {  	[hbm4b:s3+s2] =	stream.indirect_vreg.scatter [tilespmem:s22], [sflag:$0x3], $0x80, v4, vm0, $0xb8;
	[tilespmem:$0x10180] =	vst v63  }
0xf1: {  	s23 =	simm.s32 $0x4980;
	v3 =	vperm.xlane v3, v2  }
0xf2: {  	[hbm4b:s5+s2] =	stream.indirect_vreg.scatter [tilespmem:s23], [sflag:$0x3], $0x80, v4, vm0, $0xb8;
	[tilespmem:$0x10180] =	vst v63  }
0xf3: {  	v3 =	vadd.s32 v1, v3  }
0xf4: {  	[hbm4b:s6+s2] =	stream.indirect_vreg.scatter [tilespmem:s4], [sflag:$0x3], $0x80, v4, vm0, $0xb8;
	[tilespmem:$0x10180] =	vst v63  }
0xf5: {  	_ = 	snop  }
0xf6: {  	[hbm4b:s7+s2] =	stream.indirect_vreg.scatter [tilespmem:s11], [sflag:$0x3], $0x80, v4, vm0, $0xb8;
	[tilespmem:$0x10180] =	vst v63  }
0xf7: {  	_ = 	snop  }
0xf8: {  	[hbm4b:s3+s2] =	stream.indirect_vreg.scatter [tilespmem:s12], [sflag:$0x3], $0x80, v3, vm0, $0xb8;
	[tilespmem:$0x10180] =	vst v63  }
0xf9: {  	_ = 	snop  }
0xfa: {  	[hbm4b:s5+s2] =	stream.indirect_vreg.scatter [tilespmem:s13], [sflag:$0x3], $0x80, v3, vm0, $0xb8;
	[tilespmem:$0x10180] =	vst v63  }
0xfb: {  	_ = 	snop  }
0xfc: {  	[hbm4b:s6+s2] =	stream.indirect_vreg.scatter [tilespmem:s14], [sflag:$0x3], $0x80, v3, vm0, $0xb8;
	[tilespmem:$0x10180] =	vst v63  }
0xfd: {  	_ = 	snop  }
0xfe: {  	[hbm4b:s7+s2] =	stream.indirect_vreg.scatter [tilespmem:s15], [sflag:$0x3], $0x80, v3, vm0, $0xb8;
	[tilespmem:$0x10180] =	vst v63  }
0xff: {  	v3 =	vld [tilespmem:$0x120];
	_ =	sdelay $0x4  }
0x100: {  	v62 =	vshll.u32 v3, $0x3  }
0x101: {  	v3 =	vand.u32 $0x7, v3;
	v4 =	vand.u32 $0xFFFFFFC0, v62  }
0x102: {  	v3 =	vor.u32 v3, v4  }
0x103: {  	v4 =	vperm.xlane v3, v0;
	_ =	sdelay $0x1  }
0x104: {  	v4 =	vadd.s32 v1, v4;
	_ =	sdelay $0x4  }
0x105: {  	[hbm4b:s3+s2] =	stream.indirect_vreg.scatter [tilespmem:s16], [sflag:$0x3], $0x80, v4, vm0, $0xb8;
	[tilespmem:$0x10180] =	vst v63  }
0x106: {  	v3 =	vperm.xlane v3, v2  }
0x107: {  	[hbm4b:s5+s2] =	stream.indirect_vreg.scatter [tilespmem:s17], [sflag:$0x3], $0x80, v4, vm0, $0xb8;
	[tilespmem:$0x10180] =	vst v63  }
0x108: {  	v3 =	vadd.s32 v1, v3  }
0x109: {  	[hbm4b:s6+s2] =	stream.indirect_vreg.scatter [tilespmem:s18], [sflag:$0x3], $0x80, v4, vm0, $0xb8;
	[tilespmem:$0x10180] =	vst v63  }
0x10a: {  	_ = 	snop  }
0x10b: {  	[hbm4b:s7+s2] =	stream.indirect_vreg.scatter [tilespmem:s19], [sflag:$0x3], $0x80, v4, vm0, $0xb8;
	[tilespmem:$0x10180] =	vst v63  }
0x10c: {  	_ = 	snop  }
0x10d: {  	[hbm4b:s3+s2] =	stream.indirect_vreg.scatter [tilespmem:s20], [sflag:$0x3], $0x80, v3, vm0, $0xb8;
	[tilespmem:$0x10180] =	vst v63  }
0x10e: {  	_ = 	snop  }
0x10f: {  	[hbm4b:s5+s2] =	stream.indirect_vreg.scatter [tilespmem:s21], [sflag:$0x3], $0x80, v3, vm0, $0xb8;
	[tilespmem:$0x10180] =	vst v63  }
0x110: {  	_ = 	snop  }
0x111: {  	[hbm4b:s6+s2] =	stream.indirect_vreg.scatter [tilespmem:s9], [sflag:$0x3], $0x80, v3, vm0, $0xb8;
	[tilespmem:$0x10180] =	vst v63  }
0x112: {  	s22 =	simm.s32 $0xB980  }
0x113: {  	[hbm4b:s7+s2] =	stream.indirect_vreg.scatter [tilespmem:s22], [sflag:$0x3], $0x80, v3, vm0, $0xb8;
	[tilespmem:$0x10180] =	vst v63  }
0x114: {  	v3 =	vld [tilespmem:$0x130];
	_ =	sdelay $0x4  }
0x115: {  	v63 =	vshll.u32 v3, $0x3  }
0x116: {  	v3 =	vand.u32 $0x7, v3;
	v4 =	vand.u32 $0xFFFFFFC0, v63  }
0x117: {  	v3 =	vor.u32 v3, v4  }
0x118: {  	v4 =	vperm.xlane v3, v0;
	_ =	sdelay $0x1  }
0x119: {  	v4 =	vadd.s32 v1, v4;
	_ =	sdelay $0x3  }
0x11a: {  	s23 =	simm.s32 $0xC180  }
0x11b: {  	[hbm4b:s3+s2] =	stream.indirect_vreg.scatter [tilespmem:s23], [sflag:$0x3], $0x80, v4, vm0, $0xb8;
	[tilespmem:$0x10180] =	vst v63  }
0x11c: {  	s22 =	simm.s32 $0xC980;
	v3 =	vperm.xlane v3, v2  }
0x11d: {  	[hbm4b:s5+s2] =	stream.indirect_vreg.scatter [tilespmem:s22], [sflag:$0x3], $0x80, v4, vm0, $0xb8;
	[tilespmem:$0x10180] =	vst v63  }
0x11e: {  	v3 =	vadd.s32 v1, v3;
	s23 =	simm.s32 $0xD180  }
0x11f: {  	[hbm4b:s6+s2] =	stream.indirect_vreg.scatter [tilespmem:s23], [sflag:$0x3], $0x80, v4, vm0, $0xb8;
	[tilespmem:$0x10180] =	vst v63  }
0x120: {  	s22 =	simm.s32 $0xD980  }
0x121: {  	[hbm4b:s7+s2] =	stream.indirect_vreg.scatter [tilespmem:s22], [sflag:$0x3], $0x80, v4, vm0, $0xb8;
	[tilespmem:$0x10180] =	vst v63  }
0x122: {  	s23 =	simm.s32 $0xE180  }
0x123: {  	[hbm4b:s3+s2] =	stream.indirect_vreg.scatter [tilespmem:s23], [sflag:$0x3], $0x80, v3, vm0, $0xb8;
	[tilespmem:$0x10180] =	vst v63  }
0x124: {  	s22 =	simm.s32 $0xE980  }
0x125: {  	[hbm4b:s5+s2] =	stream.indirect_vreg.scatter [tilespmem:s22], [sflag:$0x3], $0x80, v3, vm0, $0xb8;
	[tilespmem:$0x10180] =	vst v63  }
0x126: {  	s23 =	simm.s32 $0xF180  }
0x127: {  	[hbm4b:s6+s2] =	stream.indirect_vreg.scatter [tilespmem:s23], [sflag:$0x3], $0x80, v3, vm0, $0xb8;
	[tilespmem:$0x10180] =	vst v63  }
0x128: {  	_ = 	snop  }
0x129: {  	[hbm4b:s7+s2] =	stream.indirect_vreg.scatter [tilespmem:s1], [sflag:$0x3], $0x80, v3, vm0, $0xb8;
	[tilespmem:$0x10180] =	vst v63  }
0x12a: {  	s1 =	simm.s32 $0x1  }
0x12b: {  	_ =	swait.ge [sflag:s1], $0x10000  }
0x12c: {  	[sflag:s1] =	ssyncset.done $0x0  }
0x12d: {  	s22 =	simm.s32 $0x2;
	[sflag:s1] =	ssyncadd.s32 $0xFFFF0000  }
0x12e: {  	p0 =	sne.s32 s8, $0x1;
	_ =	swait.ge [sflag:s22], $0x10000  }
.Ltmp0:
0x12f: {  	[sflag:s22] =	ssyncset.done $0x0;
	(pc) =	sbr.rel @p0 .LBB2_1-.Ltmp0, $4  }
0x130: {  	s23 =	simm.s32 $0x3;
	[sflag:s22] =	ssyncadd.s32 $0xFFFF0000  }
0x131: {  	_ =	swait.ge [sflag:s23], $0x10000  }
0x132: {  	[sflag:s23] =	ssyncset.done $0x0  }
0x133: {  	s8 =	sadd.s32 $0xFFFFFFFF, s8;
	[sflag:s23] =	ssyncadd.s32 $0xFFFF0000  }
0x134: {  	_ =	sfence.sel $0x180000  }
0x135: {  	[bflag:$0x0] =	sbarrier.arrive $0xFFFF  }
0x136: {  	_ =	strace $0x90000047  }
0x137: {  	s0 =	stileid.u32;
	[bflag:$0x2] =	sbarrier.arrive $0xFFFF  }
0x138: {  	p0 =	sne.s32 s0, $0x0;
	s0 =	rddreg [dreg:$0x3]  }
0x139: {  	s0 =	sadd.s32 @!p0 $0x100000, s0  }
0x13a: {  	[sflag:s0] =	ssyncadd.tile.s32 @!p0 $0x1;
	_ =	shalt  }
.Lfunc_end2:
_tile_overlayer_lowered:
.L_overlay_start_2:
0x13b: {  	(tag) =	ssettag $0x2  }
0x13c: {  	s0 =	rddreg [dreg:$0x0];
	s2 =	stileid.u32  }
0x13d: {  	s1 =	rddreg [dreg:$0x1];
	p0 =	sne.s32 s2, $0x0  }
0x13e: {  	s3 =	rddreg [dreg:$0x2];
	[bflag:$0x3] =	sbarrier.arrive $0xFFFF;
	s2 =	simm.s32 @!p0 $0x1C04  }
0x13f: {  	[timem:s3], [sflag:s2] =	dma.local @!p0 [hbm:s0], s1  }
0x140: {  	s0 =	simm.s32 @!p0 $0x4  }
0x141: {  	_ =	swait.ge @!p0 [sflag:s0], s1  }
0x142: {  	s1 =	ssub.s32 @!p0 $0x0, s1;
	[sflag:s0] =	ssyncset.done @!p0 $0x0  }
0x143: {  	[sflag:s0] =	ssyncadd.s32 @!p0 s1  }
0x144: {  	[bflag:$0x3] =	sbarrier.arrive $0xFFFF  }
0x145: {  	_ =	shalt  }

</sc_bundles>
